<compile_context>
chip_gen: v7x
topology: tpu7x:2x2x1
jax: 0.10.2.dev20260603
libtpu: 0.0.44.dev20260713+nightly
codegen_flags: <defaults>
</compile_context>

<pallas_src>
import functools

import jax
import jax.numpy as jnp
from jax import lax
from jax.experimental import pallas as pl
from jax.experimental.pallas import tpu as pltpu
from jax.experimental.pallas import tpu_sc as plsc

N = 10000
E = 320000
D = 128

NC = 2
NS = 16
NW = NC * NS
CHUNK = 128
NCH = E // CHUNK
GU = 12
LOOP = 84
NROW = 3
NIDX = 4

DEG_PAD = 10240
RBLK = 128
NRBLK = N // RBLK

_SC_MESH = plsc.VectorSubcoreMesh(
    core_axis_name="c", subcore_axis_name="s", num_cores=NC, num_subcores=NS)

_f32 = jnp.float32


CPT = 80


@functools.partial(
    pl.kernel,
    out_type=jax.ShapeDtypeStruct((NC * DEG_PAD,), _f32),
    mesh=_SC_MESH,
    scratch_types=[
        pltpu.VMEM((CPT, 2, CHUNK), jnp.int32),
        pltpu.VMEM((CHUNK,), _f32),
        pltpu.VMEM((DEG_PAD // NS,), _f32),
        pltpu.VMEM_SHARED((DEG_PAD,), _f32),
        pltpu.SemaphoreType.DMA,
        pltpu.SemaphoreType.DMA,
    ],
)
def _sc_deg(edg_hbm, deg_out, edgall, onesv, zv, deg_sh, isem, ssem):
    c = lax.axis_index("c")
    s = lax.axis_index("s")
    wid = s * NC + c
    nreal = jnp.clip(NCH - wid * CPT, 0, CPT)

    pltpu.async_copy(edg_hbm.at[wid], edgall, isem)

    one = jnp.full((16,), 1.0, _f32)
    for i in range(CHUNK // 16):
        onesv[pl.ds(i * 16, 16)] = one
    zero = jnp.zeros((16,), _f32)

    def zfill(i, _):
        zv[pl.ds(i * 16, 16)] = zero
        return 0

    lax.fori_loop(0, DEG_PAD // NS // 16, zfill, 0, unroll=4)

    pltpu.sync_copy(zv, deg_sh.at[pl.ds(s * (DEG_PAD // NS), DEG_PAD // NS)])
    pltpu.make_async_copy(edg_hbm.at[0], edgall, isem).wait()
    plsc.subcore_barrier()

    def fire(i, _):
        pltpu.async_copy(onesv, deg_sh.at[edgall.at[i, 1]], ssem, add=True)
        return 0

    lax.fori_loop(0, nreal, fire, 0)

    def drain(i, _):
        pltpu.make_async_copy(edg_hbm.at[0, 0, 1], edgall.at[0, 1],
                              ssem).wait()
        return 0

    lax.fori_loop(0, nreal, drain, 0)
    plsc.subcore_barrier()
    pltpu.sync_copy(
        deg_sh.at[pl.ds(s * (DEG_PAD // NS), DEG_PAD // NS)],
        deg_out.at[pl.ds(c * DEG_PAD + s * (DEG_PAD // NS), DEG_PAD // NS)])


@functools.partial(
    pl.kernel,
    out_type=jax.ShapeDtypeStruct((NC * N, D), _f32),
    mesh=_SC_MESH,
    scratch_types=[
        [pltpu.VMEM((CHUNK, D), _f32)] * NROW,
        [pltpu.VMEM((2, CHUNK), jnp.int32)] * NIDX,
        [pltpu.SemaphoreType.DMA] * NROW,
        [pltpu.SemaphoreType.DMA] * NIDX,
        [pltpu.SemaphoreType.DMA] * NROW,
        pltpu.VMEM_SHARED((N, D), _f32),
    ],
)
def _sc_agg(edg_hbm, y_hbm, acc_out, rows, idxb, gsem, isem, ssem, acc_sh):
    c = lax.axis_index("c")
    s = lax.axis_index("s")
    wid = s * NC + c
    nreal = (NCH - 1 - wid) // NW + 1

    def fire_idx(cc, k):
        pltpu.async_copy(edg_hbm.at[wid + cc * NW], idxb[k], isem[k])

    def drain_idx(k):
        pltpu.make_async_copy(edg_hbm.at[0], idxb[k], isem[k]).wait()

    def fire_gather(k, b):
        pltpu.async_copy(y_hbm.at[idxb[k].at[0]], rows[b], gsem[b])

    def drain_gather(b):
        pltpu.make_async_copy(y_hbm.at[pl.ds(0, CHUNK)], rows[b],
                              gsem[b]).wait()

    def fire_scat(k, b):
        pltpu.async_copy(rows[b], acc_sh.at[idxb[k].at[1]], ssem[b],
                         add=True)

    def drain_scat(b):
        pltpu.make_async_copy(y_hbm.at[pl.ds(0, CHUNK)], rows[b],
                              ssem[b]).wait()

    fire_idx(0, 0)
    fire_idx(1, 1)

    zero = jnp.zeros((16,), _f32)
    zb = rows[NROW - 1]

    def zbody(i, _):
        zb[i >> 3, pl.ds((i & 7) * 16, 16)] = zero
        return 0

    lax.fori_loop(0, CHUNK * (D // 16), zbody, 0, unroll=8)

    nrb = 4 + jnp.where(s < NRBLK - 4 * NS, 1, 0)

    def zcopy(i, _):
        pltpu.sync_copy(zb, acc_sh.at[pl.ds((s + i * NS) * RBLK, RBLK)])
        return 0

    lax.fori_loop(0, nrb, zcopy, 0)

    @pl.when(s == NS - 1)
    def _():
        pltpu.sync_copy(zb.at[pl.ds(0, N - NRBLK * RBLK)],
                        acc_sh.at[pl.ds(NRBLK * RBLK, N - NRBLK * RBLK)])

    plsc.subcore_barrier()

    drain_idx(0)
    fire_gather(0, 0)

    def body(g, _):
        for j in range(GU):
            cc = g * GU + j
            alive0 = cc < nreal
            alive1 = cc + 1 < nreal
            alive2 = cc + 2 < nreal

            @pl.when((cc >= 2) & alive0)
            def _(j=j):
                drain_scat((j - 2) % NROW)

            @pl.when(alive2)
            def _(cc=cc, j=j):
                fire_idx(cc + 2, (j + 2) % NIDX)

            @pl.when(alive1)
            def _(j=j):
                drain_idx((j + 1) % NIDX)
                fire_gather((j + 1) % NIDX, (j + 1) % NROW)

            @pl.when(alive0)
            def _(j=j):
                drain_gather(j % NROW)
                fire_scat(j % NIDX, j % NROW)
        return 0

    lax.fori_loop(0, LOOP // GU, body, 0)

    tmax = nreal - 1
    for b in range(NROW):
        @pl.when((tmax % NROW == b) | ((tmax - 1) % NROW == b))
        def _(b=b):
            drain_scat(b)

    plsc.subcore_barrier()

    def wcopy(i, _):
        r0 = (s + i * NS) * RBLK
        pltpu.sync_copy(acc_sh.at[pl.ds(r0, RBLK)],
                        acc_out.at[pl.ds(c * N + r0, RBLK)])
        return 0

    lax.fori_loop(0, nrb, wcopy, 0)

    @pl.when(s == NS - 1)
    def _():
        tail = N - NRBLK * RBLK
        pltpu.sync_copy(acc_sh.at[pl.ds(NRBLK * RBLK, tail)],
                        acc_out.at[pl.ds(c * N + NRBLK * RBLK, tail)])


_BLK = 2000
_GRID = N // _BLK


def _prep_body(nodes_ref, w_ref, ds_ref, y_ref):
    dinv = lax.rsqrt(ds_ref[...] + 1.0)
    x = lax.dot_general(nodes_ref[...], w_ref[...],
                        (((1,), (1,)), ((), ())),
                        preferred_element_type=_f32)
    y_ref[...] = x * dinv


_tc_prep = pl.pallas_call(
    _prep_body,
    grid=(_GRID,),
    in_specs=[
        pl.BlockSpec((_BLK, D), lambda i: (i, 0)),
        pl.BlockSpec((D, D), lambda i: (0, 0)),
        pl.BlockSpec((_BLK, 1), lambda i: (i, 0)),
    ],
    out_specs=pl.BlockSpec((_BLK, D), lambda i: (i, 0)),
    out_shape=jax.ShapeDtypeStruct((N, D), _f32),
)


def _post_body(a0_ref, a1_ref, y_ref, ds_ref, b_ref, g_ref, be_ref, o_ref):
    dinv = lax.rsqrt(ds_ref[...] + 1.0)
    pre = (a0_ref[...] + a1_ref[...] + y_ref[...]) * dinv + b_ref[...]
    mu = jnp.mean(pre, axis=-1, keepdims=True)
    dev = pre - mu
    var = jnp.mean(dev * dev, axis=-1, keepdims=True)
    o = dev * lax.rsqrt(var + 1e-5) * g_ref[...] + be_ref[...]
    o_ref[...] = jnp.maximum(o, 0.0)


_tc_post = pl.pallas_call(
    _post_body,
    grid=(_GRID,),
    in_specs=[
        pl.BlockSpec((_BLK, D), lambda i: (i, 0)),
        pl.BlockSpec((_BLK, D), lambda i: (i + _GRID, 0)),
        pl.BlockSpec((_BLK, D), lambda i: (i, 0)),
        pl.BlockSpec((_BLK, 1), lambda i: (i, 0)),
        pl.BlockSpec((1, D), lambda i: (0, 0)),
        pl.BlockSpec((1, D), lambda i: (0, 0)),
        pl.BlockSpec((1, D), lambda i: (0, 0)),
    ],
    out_specs=pl.BlockSpec((_BLK, D), lambda i: (i, 0)),
    out_shape=jax.ShapeDtypeStruct((N, D), _f32),
)


def kernel(nodes, edges, W, b, gamma, beta):
    e = edges.astype(jnp.int32)
    edgp = jnp.concatenate(
        [jnp.stack([e[0].reshape(NCH, CHUNK), e[1].reshape(NCH, CHUNK)],
                   axis=1),
         jnp.zeros((CPT * NW - NCH, 2, CHUNK), jnp.int32)])

    degp = _sc_deg(edgp.reshape(NW, CPT, 2, CHUNK))
    dsum = (degp[:N] + degp[DEG_PAD:DEG_PAD + N]).reshape(N, 1)

    y = _tc_prep(nodes, W, dsum)
    accp = _sc_agg(edgp, y)
    out = _tc_post(accp, accp, y, dsum,
                   b.reshape(1, D), gamma.reshape(1, D), beta.reshape(1, D))
    return out

# --- scband reference (transcript-rebuilt; emitter-appended) ---
"""Pipeline reference for scband-gnn-layer-83562883711167 (READ-ONLY COPY).

The authoritative reference and input builder live on the scoring server;
editing this copy changes nothing except your own understanding.
"""

import jax, jax.numpy as jnp
import numpy as np

N_NODES = 10000
N_EDGES = 320000
D = 128

def setup_inputs(seed: int = 0) -> dict:
    key = jax.random.key(seed)
    k1, k2, k3 = jax.random.split(key, 3)
    nodes = jax.random.normal(k1, (N_NODES, D), dtype=jnp.float32)
    edges = jax.random.randint(k2, (2, N_EDGES), 0, N_NODES, dtype=jnp.int64)
    # GCNConv lin weight initialized with eye_ per init_weights(), bias zeros
    W = jnp.eye(D, dtype=jnp.float32)
    b = jnp.zeros((D,), dtype=jnp.float32)
    # LayerNorm affine params (default init)
    gamma = jnp.ones((D,), dtype=jnp.float32)
    beta = jnp.zeros((D,), dtype=jnp.float32)
    return {"nodes": nodes, "edges": edges, "W": W, "b": b, "gamma": gamma, "beta": beta}

def reference(nodes, edges, W, b, gamma, beta):
    N = nodes.shape[0]
    # --- GCNConv (add_self_loops=True, normalize=True) ---
    loop = jnp.arange(N, dtype=edges.dtype)
    src = jnp.concatenate([edges[0], loop])
    dst = jnp.concatenate([edges[1], loop])
    # linear transform: x @ W^T (lin has no bias inside; conv bias added after aggregation)
    x = nodes @ W.T
    # symmetric normalization: deg from scatter of ones over dst (col)
    deg = jnp.zeros((N,), dtype=x.dtype).at[dst].add(1.0)
    deg_inv_sqrt = jnp.where(deg > 0, deg ** -0.5, 0.0)
    norm = deg_inv_sqrt[src] * deg_inv_sqrt[dst]
    # gather messages from src, scale, scatter-add into dst
    msgs = x[src] * norm[:, None]
    out = jnp.zeros_like(x).at[dst].add(msgs)
    out = out + b
    # --- LayerNorm ---
    mean = out.mean(axis=-1, keepdims=True)
    var = out.var(axis=-1, keepdims=True)
    out = (out - mean) / jnp.sqrt(var + 1e-5) * gamma + beta
    # --- ReLU ---
    out = jax.nn.relu(out)
    # --- Dropout: identity in eval mode ---
    return out

if __name__ == "__main__":
    import jax
    _d = setup_inputs()
    print(jax.jit(kernel)(*tuple(_d.values())))

</pallas_src>

<mosaic_0001>
#map = affine_map<(d0, d1) -> (0, 0, 0)>
#map1 = affine_map<(d0, d1) -> (0, 0)>
module attributes {stable_mosaic.version = 14 : i64} {
  func.func @_sc_agg(%arg0: i32, %arg1: i32, %arg2: memref<2560x2x128xi32, #tpu.memory_space<hbm>>, %arg3: memref<10000x128xf32, #tpu.memory_space<hbm>>, %arg4: memref<20000x128xf32, #tpu.memory_space<hbm>>, %arg5: memref<128x128xf32, #tpu.memory_space<vmem>>, %arg6: memref<128x128xf32, #tpu.memory_space<vmem>>, %arg7: memref<128x128xf32, #tpu.memory_space<vmem>>, %arg8: memref<2x128xi32, #tpu.memory_space<vmem>>, %arg9: memref<2x128xi32, #tpu.memory_space<vmem>>, %arg10: memref<2x128xi32, #tpu.memory_space<vmem>>, %arg11: memref<2x128xi32, #tpu.memory_space<vmem>>, %arg12: memref<!tpu.dma_semaphore, #tpu.memory_space<semaphore_mem>>, %arg13: memref<!tpu.dma_semaphore, #tpu.memory_space<semaphore_mem>>, %arg14: memref<!tpu.dma_semaphore, #tpu.memory_space<semaphore_mem>>, %arg15: memref<!tpu.dma_semaphore, #tpu.memory_space<semaphore_mem>>, %arg16: memref<!tpu.dma_semaphore, #tpu.memory_space<semaphore_mem>>, %arg17: memref<!tpu.dma_semaphore, #tpu.memory_space<semaphore_mem>>, %arg18: memref<!tpu.dma_semaphore, #tpu.memory_space<semaphore_mem>>, %arg19: memref<!tpu.dma_semaphore, #tpu.memory_space<semaphore_mem>>, %arg20: memref<!tpu.dma_semaphore, #tpu.memory_space<semaphore_mem>>, %arg21: memref<!tpu.dma_semaphore, #tpu.memory_space<semaphore_mem>>, %arg22: memref<10000x128xf32, #tpu.memory_space<vmem_shared>>) attributes {dimension_semantics = [#tpu.dimension_semantics<core_parallel>, #tpu.dimension_semantics<subcore_parallel>], iteration_bounds = array<i64: 2, 16>, scalar_prefetch = 0 : i64, scratch_operands = 18 : i64, tpu.core_type = #tpu.core_type<sc_vector_subcore>, window_params = [{transform_indices = #map}, {transform_indices = #map1}, {transform_indices = #map1}]} {
    %mul3A = arith.constant 2 : i32
    %mul3A_0 = arith.muli %arg1, %mul3A : i32
    %add3A = arith.addi %mul3A_0, %arg0 : i32
    %sub3A = arith.constant 2499 : i32
    %sub3A_1 = arith.subi %sub3A, %add3A : i32
    %jit3A = arith.constant 32 : i32
    %div3A = arith.divsi %sub3A_1, %jit3A : i32
    %sign3A = arith.constant 0 : i32
    %sign3A_2 = arith.cmpi sgt, %sub3A_1, %sign3A : i32
    %sign3A_3 = arith.extui %sign3A_2 : i1 to i32
    %sign3A_4 = arith.constant 0 : i32
    %sign3A_5 = arith.cmpi slt, %sub3A_1, %sign3A_4 : i32
    %sign3A_6 = arith.extui %sign3A_5 : i1 to i32
    %sign3A_7 = arith.subi %sign3A_3, %sign3A_6 : i32
    %sign3A_8 = arith.constant 0 : i32
    %sign3A_9 = arith.cmpi sgt, %jit3A, %sign3A_8 : i32
    %sign3A_10 = arith.extui %sign3A_9 : i1 to i32
    %sign3A_11 = arith.constant 0 : i32
    %sign3A_12 = arith.cmpi slt, %jit3A, %sign3A_11 : i32
    %sign3A_13 = arith.extui %sign3A_12 : i1 to i32
    %sign3A_14 = arith.subi %sign3A_10, %sign3A_13 : i32
    %ne3A = arith.cmpi ne, %sign3A_7, %sign3A_14 : i32
    %rem3A = arith.remsi %sub3A_1, %jit3A : i32
    %ne3A_15 = arith.constant 0 : i32
    %ne3A_16 = arith.cmpi ne, %rem3A, %ne3A_15 : i32
    %and3A = arith.andi %ne3A, %ne3A_16 : i1
    %sub3A_17 = arith.constant 1 : i32
    %sub3A_18 = arith.subi %div3A, %sub3A_17 : i32
    %select_n3A = arith.select %and3A, %sub3A_18, %div3A : i32
    %add3A_19 = arith.constant 1 : i32
    %add3A_20 = arith.addi %select_n3A, %add3A_19 : i32
    %add3A_21 = arith.constant 0 : i32
    %add3A_22 = arith.addi %add3A, %add3A_21 : i32
    %dma_start3A = arith.constant 0 : i32
    %dma_start3A_23 = arith.constant 0 : i32
    %dma_start3A_24 = tpu.memref_slice %arg2[%add3A_22, %dma_start3A, %dma_start3A_23] : memref<2560x2x128xi32, #tpu.memory_space<hbm>> -> memref<1x2x128xi32, #tpu.memory_space<hbm>>
    %dma_start3A_25 = tpu.memref_squeeze %dma_start3A_24 : memref<1x2x128xi32, #tpu.memory_space<hbm>> -> memref<2x128xi32, #tpu.memory_space<hbm>>
    %dma_start3A_26 = arith.constant 0 : i32
    %dma_start3A_27 = arith.constant 0 : i32
    %dma_start3A_28 = tpu.memref_slice %arg2[%add3A_22, %dma_start3A_26, %dma_start3A_27] : memref<2560x2x128xi32, #tpu.memory_space<hbm>> -> memref<1x2x128xi32, #tpu.memory_space<hbm>>
    %dma_start3A_29 = tpu.memref_squeeze %dma_start3A_28 : memref<1x2x128xi32, #tpu.memory_space<hbm>> -> memref<2x128xi32, #tpu.memory_space<hbm>>
    tpu.enqueue_dma source(%dma_start3A_29 : memref<2x128xi32, #tpu.memory_space<hbm>>) target(%arg8 : memref<2x128xi32, #tpu.memory_space<vmem>>) target_semaphore(%arg15 : memref<!tpu.dma_semaphore, #tpu.memory_space<semaphore_mem>>)
    %add3A_30 = arith.constant 32 : i32
    %add3A_31 = arith.addi %add3A, %add3A_30 : i32
    %dma_start3A_32 = arith.constant 0 : i32
    %dma_start3A_33 = arith.constant 0 : i32
    %dma_start3A_34 = tpu.memref_slice %arg2[%add3A_31, %dma_start3A_32, %dma_start3A_33] : memref<2560x2x128xi32, #tpu.memory_space<hbm>> -> memref<1x2x128xi32, #tpu.memory_space<hbm>>
    %dma_start3A_35 = tpu.memref_squeeze %dma_start3A_34 : memref<1x2x128xi32, #tpu.memory_space<hbm>> -> memref<2x128xi32, #tpu.memory_space<hbm>>
    %dma_start3A_36 = arith.constant 0 : i32
    %dma_start3A_37 = arith.constant 0 : i32
    %dma_start3A_38 = tpu.memref_slice %arg2[%add3A_31, %dma_start3A_36, %dma_start3A_37] : memref<2560x2x128xi32, #tpu.memory_space<hbm>> -> memref<1x2x128xi32, #tpu.memory_space<hbm>>
    %dma_start3A_39 = tpu.memref_squeeze %dma_start3A_38 : memref<1x2x128xi32, #tpu.memory_space<hbm>> -> memref<2x128xi32, #tpu.memory_space<hbm>>
    tpu.enqueue_dma source(%dma_start3A_39 : memref<2x128xi32, #tpu.memory_space<hbm>>) target(%arg9 : memref<2x128xi32, #tpu.memory_space<vmem>>) target_semaphore(%arg16 : memref<!tpu.dma_semaphore, #tpu.memory_space<semaphore_mem>>)
    %broadcast_in_dim3A = arith.constant 0.000000e+00 : f32
    %broadcast_in_dim3A_40 = vector.broadcast %broadcast_in_dim3A : f32 to vector<16xf32>
    %scan3A = arith.constant 0 : i32
    %scan3A_41 = arith.constant 0 : i32
    %scan3A_42 = arith.constant 1024 : i32
    %scan3A_43 = arith.addi %scan3A_41, %scan3A_42 : i32
    %scan3A_44 = arith.constant 8 : i32
    %scan3A_45 = scf.for %scan3A_233 = %scan3A_41 to %scan3A_43 step %scan3A_44 iter_args(%scan3A_234 = %scan3A) -> (i32)  : i32 {
      %shift_right_arithmetic3A = arith.constant 3 : i32
      %shift_right_arithmetic3A_235 = arith.shrsi %scan3A_233, %shift_right_arithmetic3A : i32
      %and3A_236 = arith.constant 7 : i32
      %and3A_237 = arith.andi %scan3A_233, %and3A_236 : i32
      %mul3A_238 = arith.constant 16 : i32
      %mul3A_239 = arith.muli %and3A_237, %mul3A_238 : i32
      %swap3A = arith.index_cast %shift_right_arithmetic3A_235 : i32 to index
      %swap3A_240 = arith.index_cast %mul3A_239 : i32 to index
      %swap3A_241 = tpu.vector_load %arg7[%swap3A, %swap3A_240] {strides = array<i32>} : memref<128x128xf32, #tpu.memory_space<vmem>>, vector<1x16xf32>,
      %swap3A_242 = vector.shape_cast %swap3A_241 : vector<1x16xf32> to vector<16xf32>
      %swap3A_243 = vector.shape_cast %broadcast_in_dim3A_40 : vector<16xf32> to vector<1x16xf32>
      tpu.vector_store %arg7[%swap3A, %swap3A_240], %swap3A_243 {strides = array<i32>} : memref<128x128xf32, #tpu.memory_space<vmem>>, vector<1x16xf32>,
      %scan3A_244 = arith.constant 0 : i32
      %scan3A_245 = arith.constant 1 : i32
      %scan3A_246 = arith.addi %scan3A_233, %scan3A_245 : i32
      %shift_right_arithmetic3A_247 = arith.constant 3 : i32
      %shift_right_arithmetic3A_248 = arith.shrsi %scan3A_246, %shift_right_arithmetic3A_247 : i32
      %and3A_249 = arith.constant 7 : i32
      %and3A_250 = arith.andi %scan3A_246, %and3A_249 : i32
      %mul3A_251 = arith.constant 16 : i32
      %mul3A_252 = arith.muli %and3A_250, %mul3A_251 : i32
      %swap3A_253 = arith.index_cast %shift_right_arithmetic3A_248 : i32 to index
      %swap3A_254 = arith.index_cast %mul3A_252 : i32 to index
      %swap3A_255 = tpu.vector_load %arg7[%swap3A_253, %swap3A_254] {strides = array<i32>} : memref<128x128xf32, #tpu.memory_space<vmem>>, vector<1x16xf32>,
      %swap3A_256 = vector.shape_cast %swap3A_255 : vector<1x16xf32> to vector<16xf32>
      %swap3A_257 = vector.shape_cast %broadcast_in_dim3A_40 : vector<16xf32> to vector<1x16xf32>
      tpu.vector_store %arg7[%swap3A_253, %swap3A_254], %swap3A_257 {strides = array<i32>} : memref<128x128xf32, #tpu.memory_space<vmem>>, vector<1x16xf32>,
      %scan3A_258 = arith.constant 0 : i32
      %scan3A_259 = arith.constant 2 : i32
      %scan3A_260 = arith.addi %scan3A_233, %scan3A_259 : i32
      %shift_right_arithmetic3A_261 = arith.constant 3 : i32
      %shift_right_arithmetic3A_262 = arith.shrsi %scan3A_260, %shift_right_arithmetic3A_261 : i32
      %and3A_263 = arith.constant 7 : i32
      %and3A_264 = arith.andi %scan3A_260, %and3A_263 : i32
      %mul3A_265 = arith.constant 16 : i32
      %mul3A_266 = arith.muli %and3A_264, %mul3A_265 : i32
      %swap3A_267 = arith.index_cast %shift_right_arithmetic3A_262 : i32 to index
      %swap3A_268 = arith.index_cast %mul3A_266 : i32 to index
      %swap3A_269 = tpu.vector_load %arg7[%swap3A_267, %swap3A_268] {strides = array<i32>} : memref<128x128xf32, #tpu.memory_space<vmem>>, vector<1x16xf32>,
      %swap3A_270 = vector.shape_cast %swap3A_269 : vector<1x16xf32> to vector<16xf32>
      %swap3A_271 = vector.shape_cast %broadcast_in_dim3A_40 : vector<16xf32> to vector<1x16xf32>
      tpu.vector_store %arg7[%swap3A_267, %swap3A_268], %swap3A_271 {strides = array<i32>} : memref<128x128xf32, #tpu.memory_space<vmem>>, vector<1x16xf32>,
      %scan3A_272 = arith.constant 0 : i32
      %scan3A_273 = arith.constant 3 : i32
      %scan3A_274 = arith.addi %scan3A_233, %scan3A_273 : i32
      %shift_right_arithmetic3A_275 = arith.constant 3 : i32
      %shift_right_arithmetic3A_276 = arith.shrsi %scan3A_274, %shift_right_arithmetic3A_275 : i32
      %and3A_277 = arith.constant 7 : i32
      %and3A_278 = arith.andi %scan3A_274, %and3A_277 : i32
      %mul3A_279 = arith.constant 16 : i32
      %mul3A_280 = arith.muli %and3A_278, %mul3A_279 : i32
      %swap3A_281 = arith.index_cast %shift_right_arithmetic3A_276 : i32 to index
      %swap3A_282 = arith.index_cast %mul3A_280 : i32 to index
      %swap3A_283 = tpu.vector_load %arg7[%swap3A_281, %swap3A_282] {strides = array<i32>} : memref<128x128xf32, #tpu.memory_space<vmem>>, vector<1x16xf32>,
      %swap3A_284 = vector.shape_cast %swap3A_283 : vector<1x16xf32> to vector<16xf32>
      %swap3A_285 = vector.shape_cast %broadcast_in_dim3A_40 : vector<16xf32> to vector<1x16xf32>
      tpu.vector_store %arg7[%swap3A_281, %swap3A_282], %swap3A_285 {strides = array<i32>} : memref<128x128xf32, #tpu.memory_space<vmem>>, vector<1x16xf32>,
      %scan3A_286 = arith.constant 0 : i32
      %scan3A_287 = arith.constant 4 : i32
      %scan3A_288 = arith.addi %scan3A_233, %scan3A_287 : i32
      %shift_right_arithmetic3A_289 = arith.constant 3 : i32
      %shift_right_arithmetic3A_290 = arith.shrsi %scan3A_288, %shift_right_arithmetic3A_289 : i32
      %and3A_291 = arith.constant 7 : i32
      %and3A_292 = arith.andi %scan3A_288, %and3A_291 : i32
      %mul3A_293 = arith.constant 16 : i32
      %mul3A_294 = arith.muli %and3A_292, %mul3A_293 : i32
      %swap3A_295 = arith.index_cast %shift_right_arithmetic3A_290 : i32 to index
      %swap3A_296 = arith.index_cast %mul3A_294 : i32 to index
      %swap3A_297 = tpu.vector_load %arg7[%swap3A_295, %swap3A_296] {strides = array<i32>} : memref<128x128xf32, #tpu.memory_space<vmem>>, vector<1x16xf32>,
      %swap3A_298 = vector.shape_cast %swap3A_297 : vector<1x16xf32> to vector<16xf32>
      %swap3A_299 = vector.shape_cast %broadcast_in_dim3A_40 : vector<16xf32> to vector<1x16xf32>
      tpu.vector_store %arg7[%swap3A_295, %swap3A_296], %swap3A_299 {strides = array<i32>} : memref<128x128xf32, #tpu.memory_space<vmem>>, vector<1x16xf32>,
      %scan3A_300 = arith.constant 0 : i32
      %scan3A_301 = arith.constant 5 : i32
      %scan3A_302 = arith.addi %scan3A_233, %scan3A_301 : i32
      %shift_right_arithmetic3A_303 = arith.constant 3 : i32
      %shift_right_arithmetic3A_304 = arith.shrsi %scan3A_302, %shift_right_arithmetic3A_303 : i32
      %and3A_305 = arith.constant 7 : i32
      %and3A_306 = arith.andi %scan3A_302, %and3A_305 : i32
      %mul3A_307 = arith.constant 16 : i32
      %mul3A_308 = arith.muli %and3A_306, %mul3A_307 : i32
      %swap3A_309 = arith.index_cast %shift_right_arithmetic3A_304 : i32 to index
      %swap3A_310 = arith.index_cast %mul3A_308 : i32 to index
      %swap3A_311 = tpu.vector_load %arg7[%swap3A_309, %swap3A_310] {strides = array<i32>} : memref<128x128xf32, #tpu.memory_space<vmem>>, vector<1x16xf32>,
      %swap3A_312 = vector.shape_cast %swap3A_311 : vector<1x16xf32> to vector<16xf32>
      %swap3A_313 = vector.shape_cast %broadcast_in_dim3A_40 : vector<16xf32> to vector<1x16xf32>
      tpu.vector_store %arg7[%swap3A_309, %swap3A_310], %swap3A_313 {strides = array<i32>} : memref<128x128xf32, #tpu.memory_space<vmem>>, vector<1x16xf32>,
      %scan3A_314 = arith.constant 0 : i32
      %scan3A_315 = arith.constant 6 : i32
      %scan3A_316 = arith.addi %scan3A_233, %scan3A_315 : i32
      %shift_right_arithmetic3A_317 = arith.constant 3 : i32
      %shift_right_arithmetic3A_318 = arith.shrsi %scan3A_316, %shift_right_arithmetic3A_317 : i32
      %and3A_319 = arith.constant 7 : i32
      %and3A_320 = arith.andi %scan3A_316, %and3A_319 : i32
      %mul3A_321 = arith.constant 16 : i32
      %mul3A_322 = arith.muli %and3A_320, %mul3A_321 : i32
      %swap3A_323 = arith.index_cast %shift_right_arithmetic3A_318 : i32 to index
      %swap3A_324 = arith.index_cast %mul3A_322 : i32 to index
      %swap3A_325 = tpu.vector_load %arg7[%swap3A_323, %swap3A_324] {strides = array<i32>} : memref<128x128xf32, #tpu.memory_space<vmem>>, vector<1x16xf32>,
      %swap3A_326 = vector.shape_cast %swap3A_325 : vector<1x16xf32> to vector<16xf32>
      %swap3A_327 = vector.shape_cast %broadcast_in_dim3A_40 : vector<16xf32> to vector<1x16xf32>
      tpu.vector_store %arg7[%swap3A_323, %swap3A_324], %swap3A_327 {strides = array<i32>} : memref<128x128xf32, #tpu.memory_space<vmem>>, vector<1x16xf32>,
      %scan3A_328 = arith.constant 0 : i32
      %scan3A_329 = arith.constant 7 : i32
      %scan3A_330 = arith.addi %scan3A_233, %scan3A_329 : i32
      %shift_right_arithmetic3A_331 = arith.constant 3 : i32
      %shift_right_arithmetic3A_332 = arith.shrsi %scan3A_330, %shift_right_arithmetic3A_331 : i32
      %and3A_333 = arith.constant 7 : i32
      %and3A_334 = arith.andi %scan3A_330, %and3A_333 : i32
      %mul3A_335 = arith.constant 16 : i32
      %mul3A_336 = arith.muli %and3A_334, %mul3A_335 : i32
      %swap3A_337 = arith.index_cast %shift_right_arithmetic3A_332 : i32 to index
      %swap3A_338 = arith.index_cast %mul3A_336 : i32 to index
      %swap3A_339 = tpu.vector_load %arg7[%swap3A_337, %swap3A_338] {strides = array<i32>} : memref<128x128xf32, #tpu.memory_space<vmem>>, vector<1x16xf32>,
      %swap3A_340 = vector.shape_cast %swap3A_339 : vector<1x16xf32> to vector<16xf32>
      %swap3A_341 = vector.shape_cast %broadcast_in_dim3A_40 : vector<16xf32> to vector<1x16xf32>
      tpu.vector_store %arg7[%swap3A_337, %swap3A_338], %swap3A_341 {strides = array<i32>} : memref<128x128xf32, #tpu.memory_space<vmem>>, vector<1x16xf32>,
      %scan3A_342 = arith.constant 0 : i32
      scf.yield %scan3A_342 : i32
    }
    %scan3A_46 = arith.constant 1024 : i32
    %lt3A = arith.constant 14 : i32
    %lt3A_47 = arith.cmpi slt, %arg1, %lt3A : i32
    %jit3A_48 = arith.constant 1 : i32
    %jit3A_49 = arith.constant 0 : i32
    %select_n3A_50 = arith.select %lt3A_47, %jit3A_48, %jit3A_49 : i32
    %add3A_51 = arith.constant 4 : i32
    %add3A_52 = arith.addi %add3A_51, %select_n3A_50 : i32
    %while3A = arith.constant 0 : i32
    %while3A_53 = arith.constant 0 : i32
    %while3A_54 = arith.subi %add3A_52, %while3A : i32
    %while3A_55 = arith.addi %while3A, %while3A_54 : i32
    %while3A_56 = arith.constant 1 : i32
    %while3A_57 = arith.divsi %while3A_54, %while3A_56 : i32
    %while3A_58 = arith.muli %while3A_57, %while3A_56 : i32
    %while3A_59 = arith.addi %while3A, %while3A_58 : i32
    %while3A_60 = arith.constant 1 : i32
    %while3A_61 = scf.for %while3A_233 = %while3A to %while3A_59 step %while3A_60 iter_args(%while3A_234 = %while3A_53) -> (i32)  : i32 {
      %mul3A_235 = arith.constant 16 : i32
      %mul3A_236 = arith.muli %while3A_233, %mul3A_235 : i32
      %add3A_237 = arith.addi %arg1, %mul3A_236 : i32
      %mul3A_238 = arith.constant 128 : i32
      %mul3A_239 = arith.muli %add3A_237, %mul3A_238 : i32
      "tpu.region"() ({
        %run_scoped3A = tpu.sem_alloc : memref<!tpu.dma_semaphore, #tpu.memory_space<semaphore_mem>>
        %dma_start3A_241 = arith.constant 0 : i32
        %dma_start3A_242 = tpu.memref_slice %arg22[%mul3A_239, %dma_start3A_241] : memref<10000x128xf32, #tpu.memory_space<vmem_shared>> -> memref<128x128xf32, #tpu.memory_space<vmem_shared>>
        %dma_start3A_243 = arith.constant 0 : i32
        %dma_start3A_244 = tpu.memref_slice %arg22[%mul3A_239, %dma_start3A_243] : memref<10000x128xf32, #tpu.memory_space<vmem_shared>> -> memref<128x128xf32, #tpu.memory_space<vmem_shared>>
        tpu.enqueue_dma source(%arg7 : memref<128x128xf32, #tpu.memory_space<vmem>>) target(%dma_start3A_244 : memref<128x128xf32, #tpu.memory_space<vmem_shared>>) target_semaphore(%run_scoped3A : memref<!tpu.dma_semaphore, #tpu.memory_space<semaphore_mem>>)
        %dma_wait3A_245 = arith.constant 0 : i32
        %dma_wait3A_246 = tpu.memref_slice %arg22[%mul3A_239, %dma_wait3A_245] : memref<10000x128xf32, #tpu.memory_space<vmem_shared>> -> memref<128x128xf32, #tpu.memory_space<vmem_shared>>
        %dma_wait3A_247 = arith.constant 0 : i32
        %dma_wait3A_248 = tpu.memref_slice %arg22[%mul3A_239, %dma_wait3A_247] : memref<10000x128xf32, #tpu.memory_space<vmem_shared>> -> memref<128x128xf32, #tpu.memory_space<vmem_shared>>
        tpu.wait_dma2 semaphore(%run_scoped3A : memref<!tpu.dma_semaphore, #tpu.memory_space<semaphore_mem>>) src(%arg7 : memref<128x128xf32, #tpu.memory_space<vmem>>) dst(%dma_wait3A_248 : memref<128x128xf32, #tpu.memory_space<vmem_shared>>)
        tpu.yield
      }) : () -> ()
      %while3A_240 = arith.constant 0 : i32
      scf.yield %while3A_240 : i32
    }
    %while3A_62 = arith.constant 1 : i32
    %while3A_63 = scf.for %while3A_233 = %while3A_59 to %while3A_55 step %while3A_62 iter_args(%while3A_234 = %while3A_61) -> (i32)  : i32 {
      %mul3A_235 = arith.constant 16 : i32
      %mul3A_236 = arith.muli %while3A_233, %mul3A_235 : i32
      %add3A_237 = arith.addi %arg1, %mul3A_236 : i32
      %mul3A_238 = arith.constant 128 : i32
      %mul3A_239 = arith.muli %add3A_237, %mul3A_238 : i32
      "tpu.region"() ({
        %run_scoped3A = tpu.sem_alloc : memref<!tpu.dma_semaphore, #tpu.memory_space<semaphore_mem>>
        %dma_start3A_241 = arith.constant 0 : i32
        %dma_start3A_242 = tpu.memref_slice %arg22[%mul3A_239, %dma_start3A_241] : memref<10000x128xf32, #tpu.memory_space<vmem_shared>> -> memref<128x128xf32, #tpu.memory_space<vmem_shared>>
        %dma_start3A_243 = arith.constant 0 : i32
        %dma_start3A_244 = tpu.memref_slice %arg22[%mul3A_239, %dma_start3A_243] : memref<10000x128xf32, #tpu.memory_space<vmem_shared>> -> memref<128x128xf32, #tpu.memory_space<vmem_shared>>
        tpu.enqueue_dma source(%arg7 : memref<128x128xf32, #tpu.memory_space<vmem>>) target(%dma_start3A_244 : memref<128x128xf32, #tpu.memory_space<vmem_shared>>) target_semaphore(%run_scoped3A : memref<!tpu.dma_semaphore, #tpu.memory_space<semaphore_mem>>)
        %dma_wait3A_245 = arith.constant 0 : i32
        %dma_wait3A_246 = tpu.memref_slice %arg22[%mul3A_239, %dma_wait3A_245] : memref<10000x128xf32, #tpu.memory_space<vmem_shared>> -> memref<128x128xf32, #tpu.memory_space<vmem_shared>>
        %dma_wait3A_247 = arith.constant 0 : i32
        %dma_wait3A_248 = tpu.memref_slice %arg22[%mul3A_239, %dma_wait3A_247] : memref<10000x128xf32, #tpu.memory_space<vmem_shared>> -> memref<128x128xf32, #tpu.memory_space<vmem_shared>>
        tpu.wait_dma2 semaphore(%run_scoped3A : memref<!tpu.dma_semaphore, #tpu.memory_space<semaphore_mem>>) src(%arg7 : memref<128x128xf32, #tpu.memory_space<vmem>>) dst(%dma_wait3A_248 : memref<128x128xf32, #tpu.memory_space<vmem_shared>>)
        tpu.yield
      }) : () -> ()
      %while3A_240 = arith.constant 0 : i32
      scf.yield %while3A_240 : i32
    }
    %eq3A = arith.constant 15 : i32
    %eq3A_64 = arith.cmpi eq, %arg1, %eq3A : i32
    %convert_element_type3A = arith.extui %eq3A_64 : i1 to i32
    %cond3A = arith.constant 0 : i32
    %cond3A_65 = arith.cmpi ne, %convert_element_type3A, %cond3A : i32
    scf.if %cond3A_65 {
      "tpu.region"() ({
        %run_scoped3A = tpu.sem_alloc : memref<!tpu.dma_semaphore, #tpu.memory_space<semaphore_mem>>
        %dma_start3A_233 = arith.constant 0 : i32
        %dma_start3A_234 = arith.constant 0 : i32
        %dma_start3A_235 = tpu.memref_slice %arg7[%dma_start3A_233, %dma_start3A_234] : memref<128x128xf32, #tpu.memory_space<vmem>> -> memref<16x128xf32, #tpu.memory_space<vmem>>
        %dma_start3A_236 = arith.constant 9984 : i32
        %dma_start3A_237 = arith.constant 0 : i32
        %dma_start3A_238 = tpu.memref_slice %arg22[%dma_start3A_236, %dma_start3A_237] : memref<10000x128xf32, #tpu.memory_space<vmem_shared>> -> memref<16x128xf32, #tpu.memory_space<vmem_shared>>
        %dma_start3A_239 = arith.constant 9984 : i32
        %dma_start3A_240 = arith.constant 0 : i32
        %dma_start3A_241 = tpu.memref_slice %arg22[%dma_start3A_239, %dma_start3A_240] : memref<10000x128xf32, #tpu.memory_space<vmem_shared>> -> memref<16x128xf32, #tpu.memory_space<vmem_shared>>
        %dma_start3A_242 = arith.constant 0 : i32
        %dma_start3A_243 = arith.constant 0 : i32
        %dma_start3A_244 = tpu.memref_slice %arg7[%dma_start3A_242, %dma_start3A_243] : memref<128x128xf32, #tpu.memory_space<vmem>> -> memref<16x128xf32, #tpu.memory_space<vmem>>
        tpu.enqueue_dma source(%dma_start3A_244 : memref<16x128xf32, #tpu.memory_space<vmem>>) target(%dma_start3A_241 : memref<16x128xf32, #tpu.memory_space<vmem_shared>>) target_semaphore(%run_scoped3A : memref<!tpu.dma_semaphore, #tpu.memory_space<semaphore_mem>>)
        %dma_wait3A_245 = arith.constant 0 : i32
        %dma_wait3A_246 = arith.constant 0 : i32
        %dma_wait3A_247 = tpu.memref_slice %arg7[%dma_wait3A_245, %dma_wait3A_246] : memref<128x128xf32, #tpu.memory_space<vmem>> -> memref<16x128xf32, #tpu.memory_space<vmem>>
        %dma_wait3A_248 = arith.constant 9984 : i32
        %dma_wait3A_249 = arith.constant 0 : i32
        %dma_wait3A_250 = tpu.memref_slice %arg22[%dma_wait3A_248, %dma_wait3A_249] : memref<10000x128xf32, #tpu.memory_space<vmem_shared>> -> memref<16x128xf32, #tpu.memory_space<vmem_shared>>
        %dma_wait3A_251 = arith.constant 9984 : i32
        %dma_wait3A_252 = arith.constant 0 : i32
        %dma_wait3A_253 = tpu.memref_slice %arg22[%dma_wait3A_251, %dma_wait3A_252] : memref<10000x128xf32, #tpu.memory_space<vmem_shared>> -> memref<16x128xf32, #tpu.memory_space<vmem_shared>>
        %dma_wait3A_254 = arith.constant 0 : i32
        %dma_wait3A_255 = arith.constant 0 : i32
        %dma_wait3A_256 = tpu.memref_slice %arg7[%dma_wait3A_254, %dma_wait3A_255] : memref<128x128xf32, #tpu.memory_space<vmem>> -> memref<16x128xf32, #tpu.memory_space<vmem>>
        tpu.wait_dma2 semaphore(%run_scoped3A : memref<!tpu.dma_semaphore, #tpu.memory_space<semaphore_mem>>) src(%dma_wait3A_256 : memref<16x128xf32, #tpu.memory_space<vmem>>) dst(%dma_wait3A_253 : memref<16x128xf32, #tpu.memory_space<vmem_shared>>)
        tpu.yield
      }) : () -> ()
    } else {
    }
    %barrier3A = arith.constant 0 : index
    tpu.barrier barrier_id(%barrier3A)
    %dma_wait3A = arith.constant 0 : i32
    %dma_wait3A_66 = arith.constant 0 : i32
    %dma_wait3A_67 = arith.constant 0 : i32
    %dma_wait3A_68 = tpu.memref_slice %arg2[%dma_wait3A, %dma_wait3A_66, %dma_wait3A_67] : memref<2560x2x128xi32, #tpu.memory_space<hbm>> -> memref<1x2x128xi32, #tpu.memory_space<hbm>>
    %dma_wait3A_69 = tpu.memref_squeeze %dma_wait3A_68 : memref<1x2x128xi32, #tpu.memory_space<hbm>> -> memref<2x128xi32, #tpu.memory_space<hbm>>
    %dma_wait3A_70 = arith.constant 0 : i32
    %dma_wait3A_71 = arith.constant 0 : i32
    %dma_wait3A_72 = tpu.memref_slice %arg2[%dma_wait3A, %dma_wait3A_70, %dma_wait3A_71] : memref<2560x2x128xi32, #tpu.memory_space<hbm>> -> memref<1x2x128xi32, #tpu.memory_space<hbm>>
    %dma_wait3A_73 = tpu.memref_squeeze %dma_wait3A_72 : memref<1x2x128xi32, #tpu.memory_space<hbm>> -> memref<2x128xi32, #tpu.memory_space<hbm>>
    tpu.wait_dma2 semaphore(%arg15 : memref<!tpu.dma_semaphore, #tpu.memory_space<semaphore_mem>>) src(%dma_wait3A_73 : memref<2x128xi32, #tpu.memory_space<hbm>>) dst(%arg8 : memref<2x128xi32, #tpu.memory_space<vmem>>)
    %dma_start3A_74 = arith.constant 0 : i32
    %dma_start3A_75 = arith.constant 0 : i32
    %dma_start3A_76 = tpu.memref_slice %arg8[%dma_start3A_74, %dma_start3A_75] : memref<2x128xi32, #tpu.memory_space<vmem>> -> memref<1x128xi32, #tpu.memory_space<vmem>>
    %dma_start3A_77 = tpu.memref_squeeze %dma_start3A_76 : memref<1x128xi32, #tpu.memory_space<vmem>> -> memref<128xi32, #tpu.memory_space<vmem>>
    %dma_start3A_78 = arith.constant 0 : i32
    %dma_start3A_79 = arith.constant 0 : i32
    %dma_start3A_80 = tpu.memref_slice %arg3[%dma_start3A_78, %dma_start3A_79] : memref<10000x128xf32, #tpu.memory_space<hbm>> -> memref<10000x128xf32, #tpu.memory_space<hbm>>
    tpu.enqueue_indirect_dma source(%dma_start3A_80 : memref<10000x128xf32, #tpu.memory_space<hbm>>) target(%arg5 : memref<128x128xf32, #tpu.memory_space<vmem>>) offsets(%dma_start3A_77 : memref<128xi32, #tpu.memory_space<vmem>>) semaphore(%arg12 : memref<!tpu.dma_semaphore, #tpu.memory_space<semaphore_mem>>)
    %scan3A_81 = arith.constant 0 : i32
    %scan3A_82 = arith.constant 0 : i32
    %scan3A_83 = arith.constant 7 : i32
    %scan3A_84 = arith.addi %scan3A_82, %scan3A_83 : i32
    %scan3A_85 = arith.constant 1 : i32
    %scan3A_86 = scf.for %scan3A_233 = %scan3A_82 to %scan3A_84 step %scan3A_85 iter_args(%scan3A_234 = %scan3A_81) -> (i32)  : i32 {
      %mul3A_235 = arith.constant 12 : i32
      %mul3A_236 = arith.muli %scan3A_233, %mul3A_235 : i32
      %add3A_237 = arith.constant 0 : i32
      %add3A_238 = arith.addi %mul3A_236, %add3A_237 : i32
      %lt3A_239 = arith.cmpi slt, %add3A_238, %add3A_20 : i32
      %add3A_240 = arith.constant 1 : i32
      %add3A_241 = arith.addi %add3A_238, %add3A_240 : i32
      %lt3A_242 = arith.cmpi slt, %add3A_241, %add3A_20 : i32
      %add3A_243 = arith.constant 2 : i32
      %add3A_244 = arith.addi %add3A_238, %add3A_243 : i32
      %lt3A_245 = arith.cmpi slt, %add3A_244, %add3A_20 : i32
      %ge3A = arith.constant 2 : i32
      %ge3A_246 = arith.cmpi sge, %add3A_238, %ge3A : i32
      %and3A_247 = arith.andi %ge3A_246, %lt3A_239 : i1
      %convert_element_type3A_248 = arith.extui %and3A_247 : i1 to i32
      %cond3A_249 = arith.constant 0 : i32
      %cond3A_250 = arith.cmpi ne, %convert_element_type3A_248, %cond3A_249 : i32
      scf.if %cond3A_250 {
        %dma_wait3A_547 = arith.constant 0 : i32
        %dma_wait3A_548 = arith.constant 0 : i32
        %dma_wait3A_549 = tpu.memref_slice %arg3[%dma_wait3A_547, %dma_wait3A_548] : memref<10000x128xf32, #tpu.memory_space<hbm>> -> memref<128x128xf32, #tpu.memory_space<hbm>>
        %dma_wait3A_550 = arith.constant 0 : i32
        %dma_wait3A_551 = arith.constant 0 : i32
        %dma_wait3A_552 = tpu.memref_slice %arg3[%dma_wait3A_550, %dma_wait3A_551] : memref<10000x128xf32, #tpu.memory_space<hbm>> -> memref<128x128xf32, #tpu.memory_space<hbm>>
        tpu.wait_dma2 semaphore(%arg20 : memref<!tpu.dma_semaphore, #tpu.memory_space<semaphore_mem>>) src(%dma_wait3A_552 : memref<128x128xf32, #tpu.memory_space<hbm>>) dst(%arg6 : memref<128x128xf32, #tpu.memory_space<vmem>>)
      } else {
      }
      %convert_element_type3A_251 = arith.extui %lt3A_245 : i1 to i32
      %cond3A_252 = arith.constant 0 : i32
      %cond3A_253 = arith.cmpi ne, %convert_element_type3A_251, %cond3A_252 : i32
      scf.if %cond3A_253 {
        %add3A_547 = arith.constant 2 : i32
        %add3A_548 = arith.addi %add3A_238, %add3A_547 : i32
        %mul3A_549 = arith.constant 32 : i32
        %mul3A_550 = arith.muli %add3A_548, %mul3A_549 : i32
        %add3A_551 = arith.addi %add3A, %mul3A_550 : i32
        %dma_start3A_552 = arith.constant 0 : i32
        %dma_start3A_553 = arith.constant 0 : i32
        %dma_start3A_554 = tpu.memref_slice %arg2[%add3A_551, %dma_start3A_552, %dma_start3A_553] : memref<2560x2x128xi32, #tpu.memory_space<hbm>> -> memref<1x2x128xi32, #tpu.memory_space<hbm>>
        %dma_start3A_555 = tpu.memref_squeeze %dma_start3A_554 : memref<1x2x128xi32, #tpu.memory_space<hbm>> -> memref<2x128xi32, #tpu.memory_space<hbm>>
        %dma_start3A_556 = arith.constant 0 : i32
        %dma_start3A_557 = arith.constant 0 : i32
        %dma_start3A_558 = tpu.memref_slice %arg2[%add3A_551, %dma_start3A_556, %dma_start3A_557] : memref<2560x2x128xi32, #tpu.memory_space<hbm>> -> memref<1x2x128xi32, #tpu.memory_space<hbm>>
        %dma_start3A_559 = tpu.memref_squeeze %dma_start3A_558 : memref<1x2x128xi32, #tpu.memory_space<hbm>> -> memref<2x128xi32, #tpu.memory_space<hbm>>
        tpu.enqueue_dma source(%dma_start3A_559 : memref<2x128xi32, #tpu.memory_space<hbm>>) target(%arg10 : memref<2x128xi32, #tpu.memory_space<vmem>>) target_semaphore(%arg17 : memref<!tpu.dma_semaphore, #tpu.memory_space<semaphore_mem>>)
      } else {
      }
      %convert_element_type3A_254 = arith.extui %lt3A_242 : i1 to i32
      %cond3A_255 = arith.constant 0 : i32
      %cond3A_256 = arith.cmpi ne, %convert_element_type3A_254, %cond3A_255 : i32
      scf.if %cond3A_256 {
        %dma_wait3A_547 = arith.constant 0 : i32
        %dma_wait3A_548 = arith.constant 0 : i32
        %dma_wait3A_549 = arith.constant 0 : i32
        %dma_wait3A_550 = tpu.memref_slice %arg2[%dma_wait3A_547, %dma_wait3A_548, %dma_wait3A_549] : memref<2560x2x128xi32, #tpu.memory_space<hbm>> -> memref<1x2x128xi32, #tpu.memory_space<hbm>>
        %dma_wait3A_551 = tpu.memref_squeeze %dma_wait3A_550 : memref<1x2x128xi32, #tpu.memory_space<hbm>> -> memref<2x128xi32, #tpu.memory_space<hbm>>
        %dma_wait3A_552 = arith.constant 0 : i32
        %dma_wait3A_553 = arith.constant 0 : i32
        %dma_wait3A_554 = tpu.memref_slice %arg2[%dma_wait3A_547, %dma_wait3A_552, %dma_wait3A_553] : memref<2560x2x128xi32, #tpu.memory_space<hbm>> -> memref<1x2x128xi32, #tpu.memory_space<hbm>>
        %dma_wait3A_555 = tpu.memref_squeeze %dma_wait3A_554 : memref<1x2x128xi32, #tpu.memory_space<hbm>> -> memref<2x128xi32, #tpu.memory_space<hbm>>
        tpu.wait_dma2 semaphore(%arg16 : memref<!tpu.dma_semaphore, #tpu.memory_space<semaphore_mem>>) src(%dma_wait3A_555 : memref<2x128xi32, #tpu.memory_space<hbm>>) dst(%arg9 : memref<2x128xi32, #tpu.memory_space<vmem>>)
        %dma_start3A_556 = arith.constant 0 : i32
        %dma_start3A_557 = arith.constant 0 : i32
        %dma_start3A_558 = tpu.memref_slice %arg9[%dma_start3A_556, %dma_start3A_557] : memref<2x128xi32, #tpu.memory_space<vmem>> -> memref<1x128xi32, #tpu.memory_space<vmem>>
        %dma_start3A_559 = tpu.memref_squeeze %dma_start3A_558 : memref<1x128xi32, #tpu.memory_space<vmem>> -> memref<128xi32, #tpu.memory_space<vmem>>
        %dma_start3A_560 = arith.constant 0 : i32
        %dma_start3A_561 = arith.constant 0 : i32
        %dma_start3A_562 = tpu.memref_slice %arg3[%dma_start3A_560, %dma_start3A_561] : memref<10000x128xf32, #tpu.memory_space<hbm>> -> memref<10000x128xf32, #tpu.memory_space<hbm>>
        tpu.enqueue_indirect_dma source(%dma_start3A_562 : memref<10000x128xf32, #tpu.memory_space<hbm>>) target(%arg6 : memref<128x128xf32, #tpu.memory_space<vmem>>) offsets(%dma_start3A_559 : memref<128xi32, #tpu.memory_space<vmem>>) semaphore(%arg13 : memref<!tpu.dma_semaphore, #tpu.memory_space<semaphore_mem>>)
      } else {
      }
      %convert_element_type3A_257 = arith.extui %lt3A_239 : i1 to i32
      %cond3A_258 = arith.constant 0 : i32
      %cond3A_259 = arith.cmpi ne, %convert_element_type3A_257, %cond3A_258 : i32
      scf.if %cond3A_259 {
        %dma_wait3A_547 = arith.constant 0 : i32
        %dma_wait3A_548 = arith.constant 0 : i32
        %dma_wait3A_549 = tpu.memref_slice %arg3[%dma_wait3A_547, %dma_wait3A_548] : memref<10000x128xf32, #tpu.memory_space<hbm>> -> memref<128x128xf32, #tpu.memory_space<hbm>>
        %dma_wait3A_550 = arith.constant 0 : i32
        %dma_wait3A_551 = arith.constant 0 : i32
        %dma_wait3A_552 = tpu.memref_slice %arg3[%dma_wait3A_550, %dma_wait3A_551] : memref<10000x128xf32, #tpu.memory_space<hbm>> -> memref<128x128xf32, #tpu.memory_space<hbm>>
        tpu.wait_dma2 semaphore(%arg12 : memref<!tpu.dma_semaphore, #tpu.memory_space<semaphore_mem>>) src(%dma_wait3A_552 : memref<128x128xf32, #tpu.memory_space<hbm>>) dst(%arg5 : memref<128x128xf32, #tpu.memory_space<vmem>>)
        %dma_start3A_553 = arith.constant 1 : i32
        %dma_start3A_554 = arith.constant 0 : i32
        %dma_start3A_555 = tpu.memref_slice %arg8[%dma_start3A_553, %dma_start3A_554] : memref<2x128xi32, #tpu.memory_space<vmem>> -> memref<1x128xi32, #tpu.memory_space<vmem>>
        %dma_start3A_556 = tpu.memref_squeeze %dma_start3A_555 : memref<1x128xi32, #tpu.memory_space<vmem>> -> memref<128xi32, #tpu.memory_space<vmem>>
        %dma_start3A_557 = arith.constant 0 : i32
        %dma_start3A_558 = arith.constant 0 : i32
        %dma_start3A_559 = tpu.memref_slice %arg22[%dma_start3A_557, %dma_start3A_558] : memref<10000x128xf32, #tpu.memory_space<vmem_shared>> -> memref<10000x128xf32, #tpu.memory_space<vmem_shared>>
        tpu.enqueue_indirect_dma source(%arg5 : memref<128x128xf32, #tpu.memory_space<vmem>>) target(%dma_start3A_559 : memref<10000x128xf32, #tpu.memory_space<vmem_shared>>) offsets(%dma_start3A_556 : memref<128xi32, #tpu.memory_space<vmem>>) semaphore(%arg19 : memref<!tpu.dma_semaphore, #tpu.memory_space<semaphore_mem>>) {add = true}
      } else {
      }
      %mul3A_260 = arith.constant 12 : i32
      %mul3A_261 = arith.muli %scan3A_233, %mul3A_260 : i32
      %add3A_262 = arith.constant 1 : i32
      %add3A_263 = arith.addi %mul3A_261, %add3A_262 : i32
      %lt3A_264 = arith.cmpi slt, %add3A_263, %add3A_20 : i32
      %add3A_265 = arith.constant 1 : i32
      %add3A_266 = arith.addi %add3A_263, %add3A_265 : i32
      %lt3A_267 = arith.cmpi slt, %add3A_266, %add3A_20 : i32
      %add3A_268 = arith.constant 2 : i32
      %add3A_269 = arith.addi %add3A_263, %add3A_268 : i32
      %lt3A_270 = arith.cmpi slt, %add3A_269, %add3A_20 : i32
      %ge3A_271 = arith.constant 2 : i32
      %ge3A_272 = arith.cmpi sge, %add3A_263, %ge3A_271 : i32
      %and3A_273 = arith.andi %ge3A_272, %lt3A_264 : i1
      %convert_element_type3A_274 = arith.extui %and3A_273 : i1 to i32
      %cond3A_275 = arith.constant 0 : i32
      %cond3A_276 = arith.cmpi ne, %convert_element_type3A_274, %cond3A_275 : i32
      scf.if %cond3A_276 {
        %dma_wait3A_547 = arith.constant 0 : i32
        %dma_wait3A_548 = arith.constant 0 : i32
        %dma_wait3A_549 = tpu.memref_slice %arg3[%dma_wait3A_547, %dma_wait3A_548] : memref<10000x128xf32, #tpu.memory_space<hbm>> -> memref<128x128xf32, #tpu.memory_space<hbm>>
        %dma_wait3A_550 = arith.constant 0 : i32
        %dma_wait3A_551 = arith.constant 0 : i32
        %dma_wait3A_552 = tpu.memref_slice %arg3[%dma_wait3A_550, %dma_wait3A_551] : memref<10000x128xf32, #tpu.memory_space<hbm>> -> memref<128x128xf32, #tpu.memory_space<hbm>>
        tpu.wait_dma2 semaphore(%arg21 : memref<!tpu.dma_semaphore, #tpu.memory_space<semaphore_mem>>) src(%dma_wait3A_552 : memref<128x128xf32, #tpu.memory_space<hbm>>) dst(%arg7 : memref<128x128xf32, #tpu.memory_space<vmem>>)
      } else {
      }
      %convert_element_type3A_277 = arith.extui %lt3A_270 : i1 to i32
      %cond3A_278 = arith.constant 0 : i32
      %cond3A_279 = arith.cmpi ne, %convert_element_type3A_277, %cond3A_278 : i32
      scf.if %cond3A_279 {
        %add3A_547 = arith.constant 2 : i32
        %add3A_548 = arith.addi %add3A_263, %add3A_547 : i32
        %mul3A_549 = arith.constant 32 : i32
        %mul3A_550 = arith.muli %add3A_548, %mul3A_549 : i32
        %add3A_551 = arith.addi %add3A, %mul3A_550 : i32
        %dma_start3A_552 = arith.constant 0 : i32
        %dma_start3A_553 = arith.constant 0 : i32
        %dma_start3A_554 = tpu.memref_slice %arg2[%add3A_551, %dma_start3A_552, %dma_start3A_553] : memref<2560x2x128xi32, #tpu.memory_space<hbm>> -> memref<1x2x128xi32, #tpu.memory_space<hbm>>
        %dma_start3A_555 = tpu.memref_squeeze %dma_start3A_554 : memref<1x2x128xi32, #tpu.memory_space<hbm>> -> memref<2x128xi32, #tpu.memory_space<hbm>>
        %dma_start3A_556 = arith.constant 0 : i32
        %dma_start3A_557 = arith.constant 0 : i32
        %dma_start3A_558 = tpu.memref_slice %arg2[%add3A_551, %dma_start3A_556, %dma_start3A_557] : memref<2560x2x128xi32, #tpu.memory_space<hbm>> -> memref<1x2x128xi32, #tpu.memory_space<hbm>>
        %dma_start3A_559 = tpu.memref_squeeze %dma_start3A_558 : memref<1x2x128xi32, #tpu.memory_space<hbm>> -> memref<2x128xi32, #tpu.memory_space<hbm>>
        tpu.enqueue_dma source(%dma_start3A_559 : memref<2x128xi32, #tpu.memory_space<hbm>>) target(%arg11 : memref<2x128xi32, #tpu.memory_space<vmem>>) target_semaphore(%arg18 : memref<!tpu.dma_semaphore, #tpu.memory_space<semaphore_mem>>)
      } else {
      }
      %convert_element_type3A_280 = arith.extui %lt3A_267 : i1 to i32
      %cond3A_281 = arith.constant 0 : i32
      %cond3A_282 = arith.cmpi ne, %convert_element_type3A_280, %cond3A_281 : i32
      scf.if %cond3A_282 {
        %dma_wait3A_547 = arith.constant 0 : i32
        %dma_wait3A_548 = arith.constant 0 : i32
        %dma_wait3A_549 = arith.constant 0 : i32
        %dma_wait3A_550 = tpu.memref_slice %arg2[%dma_wait3A_547, %dma_wait3A_548, %dma_wait3A_549] : memref<2560x2x128xi32, #tpu.memory_space<hbm>> -> memref<1x2x128xi32, #tpu.memory_space<hbm>>
        %dma_wait3A_551 = tpu.memref_squeeze %dma_wait3A_550 : memref<1x2x128xi32, #tpu.memory_space<hbm>> -> memref<2x128xi32, #tpu.memory_space<hbm>>
        %dma_wait3A_552 = arith.constant 0 : i32
        %dma_wait3A_553 = arith.constant 0 : i32
        %dma_wait3A_554 = tpu.memref_slice %arg2[%dma_wait3A_547, %dma_wait3A_552, %dma_wait3A_553] : memref<2560x2x128xi32, #tpu.memory_space<hbm>> -> memref<1x2x128xi32, #tpu.memory_space<hbm>>
        %dma_wait3A_555 = tpu.memref_squeeze %dma_wait3A_554 : memref<1x2x128xi32, #tpu.memory_space<hbm>> -> memref<2x128xi32, #tpu.memory_space<hbm>>
        tpu.wait_dma2 semaphore(%arg17 : memref<!tpu.dma_semaphore, #tpu.memory_space<semaphore_mem>>) src(%dma_wait3A_555 : memref<2x128xi32, #tpu.memory_space<hbm>>) dst(%arg10 : memref<2x128xi32, #tpu.memory_space<vmem>>)
        %dma_start3A_556 = arith.constant 0 : i32
        %dma_start3A_557 = arith.constant 0 : i32
        %dma_start3A_558 = tpu.memref_slice %arg10[%dma_start3A_556, %dma_start3A_557] : memref<2x128xi32, #tpu.memory_space<vmem>> -> memref<1x128xi32, #tpu.memory_space<vmem>>
        %dma_start3A_559 = tpu.memref_squeeze %dma_start3A_558 : memref<1x128xi32, #tpu.memory_space<vmem>> -> memref<128xi32, #tpu.memory_space<vmem>>
        %dma_start3A_560 = arith.constant 0 : i32
        %dma_start3A_561 = arith.constant 0 : i32
        %dma_start3A_562 = tpu.memref_slice %arg3[%dma_start3A_560, %dma_start3A_561] : memref<10000x128xf32, #tpu.memory_space<hbm>> -> memref<10000x128xf32, #tpu.memory_space<hbm>>
        tpu.enqueue_indirect_dma source(%dma_start3A_562 : memref<10000x128xf32, #tpu.memory_space<hbm>>) target(%arg7 : memref<128x128xf32, #tpu.memory_space<vmem>>) offsets(%dma_start3A_559 : memref<128xi32, #tpu.memory_space<vmem>>) semaphore(%arg14 : memref<!tpu.dma_semaphore, #tpu.memory_space<semaphore_mem>>)
      } else {
      }
      %convert_element_type3A_283 = arith.extui %lt3A_264 : i1 to i32
      %cond3A_284 = arith.constant 0 : i32
      %cond3A_285 = arith.cmpi ne, %convert_element_type3A_283, %cond3A_284 : i32
      scf.if %cond3A_285 {
        %dma_wait3A_547 = arith.constant 0 : i32
        %dma_wait3A_548 = arith.constant 0 : i32
        %dma_wait3A_549 = tpu.memref_slice %arg3[%dma_wait3A_547, %dma_wait3A_548] : memref<10000x128xf32, #tpu.memory_space<hbm>> -> memref<128x128xf32, #tpu.memory_space<hbm>>
        %dma_wait3A_550 = arith.constant 0 : i32
        %dma_wait3A_551 = arith.constant 0 : i32
        %dma_wait3A_552 = tpu.memref_slice %arg3[%dma_wait3A_550, %dma_wait3A_551] : memref<10000x128xf32, #tpu.memory_space<hbm>> -> memref<128x128xf32, #tpu.memory_space<hbm>>
        tpu.wait_dma2 semaphore(%arg13 : memref<!tpu.dma_semaphore, #tpu.memory_space<semaphore_mem>>) src(%dma_wait3A_552 : memref<128x128xf32, #tpu.memory_space<hbm>>) dst(%arg6 : memref<128x128xf32, #tpu.memory_space<vmem>>)
        %dma_start3A_553 = arith.constant 1 : i32
        %dma_start3A_554 = arith.constant 0 : i32
        %dma_start3A_555 = tpu.memref_slice %arg9[%dma_start3A_553, %dma_start3A_554] : memref<2x128xi32, #tpu.memory_space<vmem>> -> memref<1x128xi32, #tpu.memory_space<vmem>>
        %dma_start3A_556 = tpu.memref_squeeze %dma_start3A_555 : memref<1x128xi32, #tpu.memory_space<vmem>> -> memref<128xi32, #tpu.memory_space<vmem>>
        %dma_start3A_557 = arith.constant 0 : i32
        %dma_start3A_558 = arith.constant 0 : i32
        %dma_start3A_559 = tpu.memref_slice %arg22[%dma_start3A_557, %dma_start3A_558] : memref<10000x128xf32, #tpu.memory_space<vmem_shared>> -> memref<10000x128xf32, #tpu.memory_space<vmem_shared>>
        tpu.enqueue_indirect_dma source(%arg6 : memref<128x128xf32, #tpu.memory_space<vmem>>) target(%dma_start3A_559 : memref<10000x128xf32, #tpu.memory_space<vmem_shared>>) offsets(%dma_start3A_556 : memref<128xi32, #tpu.memory_space<vmem>>) semaphore(%arg20 : memref<!tpu.dma_semaphore, #tpu.memory_space<semaphore_mem>>) {add = true}
      } else {
      }
      %mul3A_286 = arith.constant 12 : i32
      %mul3A_287 = arith.muli %scan3A_233, %mul3A_286 : i32
      %add3A_288 = arith.constant 2 : i32
      %add3A_289 = arith.addi %mul3A_287, %add3A_288 : i32
      %lt3A_290 = arith.cmpi slt, %add3A_289, %add3A_20 : i32
      %add3A_291 = arith.constant 1 : i32
      %add3A_292 = arith.addi %add3A_289, %add3A_291 : i32
      %lt3A_293 = arith.cmpi slt, %add3A_292, %add3A_20 : i32
      %add3A_294 = arith.constant 2 : i32
      %add3A_295 = arith.addi %add3A_289, %add3A_294 : i32
      %lt3A_296 = arith.cmpi slt, %add3A_295, %add3A_20 : i32
      %ge3A_297 = arith.constant 2 : i32
      %ge3A_298 = arith.cmpi sge, %add3A_289, %ge3A_297 : i32
      %and3A_299 = arith.andi %ge3A_298, %lt3A_290 : i1
      %convert_element_type3A_300 = arith.extui %and3A_299 : i1 to i32
      %cond3A_301 = arith.constant 0 : i32
      %cond3A_302 = arith.cmpi ne, %convert_element_type3A_300, %cond3A_301 : i32
      scf.if %cond3A_302 {
        %dma_wait3A_547 = arith.constant 0 : i32
        %dma_wait3A_548 = arith.constant 0 : i32
        %dma_wait3A_549 = tpu.memref_slice %arg3[%dma_wait3A_547, %dma_wait3A_548] : memref<10000x128xf32, #tpu.memory_space<hbm>> -> memref<128x128xf32, #tpu.memory_space<hbm>>
        %dma_wait3A_550 = arith.constant 0 : i32
        %dma_wait3A_551 = arith.constant 0 : i32
        %dma_wait3A_552 = tpu.memref_slice %arg3[%dma_wait3A_550, %dma_wait3A_551] : memref<10000x128xf32, #tpu.memory_space<hbm>> -> memref<128x128xf32, #tpu.memory_space<hbm>>
        tpu.wait_dma2 semaphore(%arg19 : memref<!tpu.dma_semaphore, #tpu.memory_space<semaphore_mem>>) src(%dma_wait3A_552 : memref<128x128xf32, #tpu.memory_space<hbm>>) dst(%arg5 : memref<128x128xf32, #tpu.memory_space<vmem>>)
      } else {
      }
      %convert_element_type3A_303 = arith.extui %lt3A_296 : i1 to i32
      %cond3A_304 = arith.constant 0 : i32
      %cond3A_305 = arith.cmpi ne, %convert_element_type3A_303, %cond3A_304 : i32
      scf.if %cond3A_305 {
        %add3A_547 = arith.constant 2 : i32
        %add3A_548 = arith.addi %add3A_289, %add3A_547 : i32
        %mul3A_549 = arith.constant 32 : i32
        %mul3A_550 = arith.muli %add3A_548, %mul3A_549 : i32
        %add3A_551 = arith.addi %add3A, %mul3A_550 : i32
        %dma_start3A_552 = arith.constant 0 : i32
        %dma_start3A_553 = arith.constant 0 : i32
        %dma_start3A_554 = tpu.memref_slice %arg2[%add3A_551, %dma_start3A_552, %dma_start3A_553] : memref<2560x2x128xi32, #tpu.memory_space<hbm>> -> memref<1x2x128xi32, #tpu.memory_space<hbm>>
        %dma_start3A_555 = tpu.memref_squeeze %dma_start3A_554 : memref<1x2x128xi32, #tpu.memory_space<hbm>> -> memref<2x128xi32, #tpu.memory_space<hbm>>
        %dma_start3A_556 = arith.constant 0 : i32
        %dma_start3A_557 = arith.constant 0 : i32
        %dma_start3A_558 = tpu.memref_slice %arg2[%add3A_551, %dma_start3A_556, %dma_start3A_557] : memref<2560x2x128xi32, #tpu.memory_space<hbm>> -> memref<1x2x128xi32, #tpu.memory_space<hbm>>
        %dma_start3A_559 = tpu.memref_squeeze %dma_start3A_558 : memref<1x2x128xi32, #tpu.memory_space<hbm>> -> memref<2x128xi32, #tpu.memory_space<hbm>>
        tpu.enqueue_dma source(%dma_start3A_559 : memref<2x128xi32, #tpu.memory_space<hbm>>) target(%arg8 : memref<2x128xi32, #tpu.memory_space<vmem>>) target_semaphore(%arg15 : memref<!tpu.dma_semaphore, #tpu.memory_space<semaphore_mem>>)
      } else {
      }
      %convert_element_type3A_306 = arith.extui %lt3A_293 : i1 to i32
      %cond3A_307 = arith.constant 0 : i32
      %cond3A_308 = arith.cmpi ne, %convert_element_type3A_306, %cond3A_307 : i32
      scf.if %cond3A_308 {
        %dma_wait3A_547 = arith.constant 0 : i32
        %dma_wait3A_548 = arith.constant 0 : i32
        %dma_wait3A_549 = arith.constant 0 : i32
        %dma_wait3A_550 = tpu.memref_slice %arg2[%dma_wait3A_547, %dma_wait3A_548, %dma_wait3A_549] : memref<2560x2x128xi32, #tpu.memory_space<hbm>> -> memref<1x2x128xi32, #tpu.memory_space<hbm>>
        %dma_wait3A_551 = tpu.memref_squeeze %dma_wait3A_550 : memref<1x2x128xi32, #tpu.memory_space<hbm>> -> memref<2x128xi32, #tpu.memory_space<hbm>>
        %dma_wait3A_552 = arith.constant 0 : i32
        %dma_wait3A_553 = arith.constant 0 : i32
        %dma_wait3A_554 = tpu.memref_slice %arg2[%dma_wait3A_547, %dma_wait3A_552, %dma_wait3A_553] : memref<2560x2x128xi32, #tpu.memory_space<hbm>> -> memref<1x2x128xi32, #tpu.memory_space<hbm>>
        %dma_wait3A_555 = tpu.memref_squeeze %dma_wait3A_554 : memref<1x2x128xi32, #tpu.memory_space<hbm>> -> memref<2x128xi32, #tpu.memory_space<hbm>>
        tpu.wait_dma2 semaphore(%arg18 : memref<!tpu.dma_semaphore, #tpu.memory_space<semaphore_mem>>) src(%dma_wait3A_555 : memref<2x128xi32, #tpu.memory_space<hbm>>) dst(%arg11 : memref<2x128xi32, #tpu.memory_space<vmem>>)
        %dma_start3A_556 = arith.constant 0 : i32
        %dma_start3A_557 = arith.constant 0 : i32
        %dma_start3A_558 = tpu.memref_slice %arg11[%dma_start3A_556, %dma_start3A_557] : memref<2x128xi32, #tpu.memory_space<vmem>> -> memref<1x128xi32, #tpu.memory_space<vmem>>
        %dma_start3A_559 = tpu.memref_squeeze %dma_start3A_558 : memref<1x128xi32, #tpu.memory_space<vmem>> -> memref<128xi32, #tpu.memory_space<vmem>>
        %dma_start3A_560 = arith.constant 0 : i32
        %dma_start3A_561 = arith.constant 0 : i32
        %dma_start3A_562 = tpu.memref_slice %arg3[%dma_start3A_560, %dma_start3A_561] : memref<10000x128xf32, #tpu.memory_space<hbm>> -> memref<10000x128xf32, #tpu.memory_space<hbm>>
        tpu.enqueue_indirect_dma source(%dma_start3A_562 : memref<10000x128xf32, #tpu.memory_space<hbm>>) target(%arg5 : memref<128x128xf32, #tpu.memory_space<vmem>>) offsets(%dma_start3A_559 : memref<128xi32, #tpu.memory_space<vmem>>) semaphore(%arg12 : memref<!tpu.dma_semaphore, #tpu.memory_space<semaphore_mem>>)
      } else {
      }
      %convert_element_type3A_309 = arith.extui %lt3A_290 : i1 to i32
      %cond3A_310 = arith.constant 0 : i32
      %cond3A_311 = arith.cmpi ne, %convert_element_type3A_309, %cond3A_310 : i32
      scf.if %cond3A_311 {
        %dma_wait3A_547 = arith.constant 0 : i32
        %dma_wait3A_548 = arith.constant 0 : i32
        %dma_wait3A_549 = tpu.memref_slice %arg3[%dma_wait3A_547, %dma_wait3A_548] : memref<10000x128xf32, #tpu.memory_space<hbm>> -> memref<128x128xf32, #tpu.memory_space<hbm>>
        %dma_wait3A_550 = arith.constant 0 : i32
        %dma_wait3A_551 = arith.constant 0 : i32
        %dma_wait3A_552 = tpu.memref_slice %arg3[%dma_wait3A_550, %dma_wait3A_551] : memref<10000x128xf32, #tpu.memory_space<hbm>> -> memref<128x128xf32, #tpu.memory_space<hbm>>
        tpu.wait_dma2 semaphore(%arg14 : memref<!tpu.dma_semaphore, #tpu.memory_space<semaphore_mem>>) src(%dma_wait3A_552 : memref<128x128xf32, #tpu.memory_space<hbm>>) dst(%arg7 : memref<128x128xf32, #tpu.memory_space<vmem>>)
        %dma_start3A_553 = arith.constant 1 : i32
        %dma_start3A_554 = arith.constant 0 : i32
        %dma_start3A_555 = tpu.memref_slice %arg10[%dma_start3A_553, %dma_start3A_554] : memref<2x128xi32, #tpu.memory_space<vmem>> -> memref<1x128xi32, #tpu.memory_space<vmem>>
        %dma_start3A_556 = tpu.memref_squeeze %dma_start3A_555 : memref<1x128xi32, #tpu.memory_space<vmem>> -> memref<128xi32, #tpu.memory_space<vmem>>
        %dma_start3A_557 = arith.constant 0 : i32
        %dma_start3A_558 = arith.constant 0 : i32
        %dma_start3A_559 = tpu.memref_slice %arg22[%dma_start3A_557, %dma_start3A_558] : memref<10000x128xf32, #tpu.memory_space<vmem_shared>> -> memref<10000x128xf32, #tpu.memory_space<vmem_shared>>
        tpu.enqueue_indirect_dma source(%arg7 : memref<128x128xf32, #tpu.memory_space<vmem>>) target(%dma_start3A_559 : memref<10000x128xf32, #tpu.memory_space<vmem_shared>>) offsets(%dma_start3A_556 : memref<128xi32, #tpu.memory_space<vmem>>) semaphore(%arg21 : memref<!tpu.dma_semaphore, #tpu.memory_space<semaphore_mem>>) {add = true}
      } else {
      }
      %mul3A_312 = arith.constant 12 : i32
      %mul3A_313 = arith.muli %scan3A_233, %mul3A_312 : i32
      %add3A_314 = arith.constant 3 : i32
      %add3A_315 = arith.addi %mul3A_313, %add3A_314 : i32
      %lt3A_316 = arith.cmpi slt, %add3A_315, %add3A_20 : i32
      %add3A_317 = arith.constant 1 : i32
      %add3A_318 = arith.addi %add3A_315, %add3A_317 : i32
      %lt3A_319 = arith.cmpi slt, %add3A_318, %add3A_20 : i32
      %add3A_320 = arith.constant 2 : i32
      %add3A_321 = arith.addi %add3A_315, %add3A_320 : i32
      %lt3A_322 = arith.cmpi slt, %add3A_321, %add3A_20 : i32
      %ge3A_323 = arith.constant 2 : i32
      %ge3A_324 = arith.cmpi sge, %add3A_315, %ge3A_323 : i32
      %and3A_325 = arith.andi %ge3A_324, %lt3A_316 : i1
      %convert_element_type3A_326 = arith.extui %and3A_325 : i1 to i32
      %cond3A_327 = arith.constant 0 : i32
      %cond3A_328 = arith.cmpi ne, %convert_element_type3A_326, %cond3A_327 : i32
      scf.if %cond3A_328 {
        %dma_wait3A_547 = arith.constant 0 : i32
        %dma_wait3A_548 = arith.constant 0 : i32
        %dma_wait3A_549 = tpu.memref_slice %arg3[%dma_wait3A_547, %dma_wait3A_548] : memref<10000x128xf32, #tpu.memory_space<hbm>> -> memref<128x128xf32, #tpu.memory_space<hbm>>
        %dma_wait3A_550 = arith.constant 0 : i32
        %dma_wait3A_551 = arith.constant 0 : i32
        %dma_wait3A_552 = tpu.memref_slice %arg3[%dma_wait3A_550, %dma_wait3A_551] : memref<10000x128xf32, #tpu.memory_space<hbm>> -> memref<128x128xf32, #tpu.memory_space<hbm>>
        tpu.wait_dma2 semaphore(%arg20 : memref<!tpu.dma_semaphore, #tpu.memory_space<semaphore_mem>>) src(%dma_wait3A_552 : memref<128x128xf32, #tpu.memory_space<hbm>>) dst(%arg6 : memref<128x128xf32, #tpu.memory_space<vmem>>)
      } else {
      }
      %convert_element_type3A_329 = arith.extui %lt3A_322 : i1 to i32
      %cond3A_330 = arith.constant 0 : i32
      %cond3A_331 = arith.cmpi ne, %convert_element_type3A_329, %cond3A_330 : i32
      scf.if %cond3A_331 {
        %add3A_547 = arith.constant 2 : i32
        %add3A_548 = arith.addi %add3A_315, %add3A_547 : i32
        %mul3A_549 = arith.constant 32 : i32
        %mul3A_550 = arith.muli %add3A_548, %mul3A_549 : i32
        %add3A_551 = arith.addi %add3A, %mul3A_550 : i32
        %dma_start3A_552 = arith.constant 0 : i32
        %dma_start3A_553 = arith.constant 0 : i32
        %dma_start3A_554 = tpu.memref_slice %arg2[%add3A_551, %dma_start3A_552, %dma_start3A_553] : memref<2560x2x128xi32, #tpu.memory_space<hbm>> -> memref<1x2x128xi32, #tpu.memory_space<hbm>>
        %dma_start3A_555 = tpu.memref_squeeze %dma_start3A_554 : memref<1x2x128xi32, #tpu.memory_space<hbm>> -> memref<2x128xi32, #tpu.memory_space<hbm>>
        %dma_start3A_556 = arith.constant 0 : i32
        %dma_start3A_557 = arith.constant 0 : i32
        %dma_start3A_558 = tpu.memref_slice %arg2[%add3A_551, %dma_start3A_556, %dma_start3A_557] : memref<2560x2x128xi32, #tpu.memory_space<hbm>> -> memref<1x2x128xi32, #tpu.memory_space<hbm>>
        %dma_start3A_559 = tpu.memref_squeeze %dma_start3A_558 : memref<1x2x128xi32, #tpu.memory_space<hbm>> -> memref<2x128xi32, #tpu.memory_space<hbm>>
        tpu.enqueue_dma source(%dma_start3A_559 : memref<2x128xi32, #tpu.memory_space<hbm>>) target(%arg9 : memref<2x128xi32, #tpu.memory_space<vmem>>) target_semaphore(%arg16 : memref<!tpu.dma_semaphore, #tpu.memory_space<semaphore_mem>>)
      } else {
      }
      %convert_element_type3A_332 = arith.extui %lt3A_319 : i1 to i32
      %cond3A_333 = arith.constant 0 : i32
      %cond3A_334 = arith.cmpi ne, %convert_element_type3A_332, %cond3A_333 : i32
      scf.if %cond3A_334 {
        %dma_wait3A_547 = arith.constant 0 : i32
        %dma_wait3A_548 = arith.constant 0 : i32
        %dma_wait3A_549 = arith.constant 0 : i32
        %dma_wait3A_550 = tpu.memref_slice %arg2[%dma_wait3A_547, %dma_wait3A_548, %dma_wait3A_549] : memref<2560x2x128xi32, #tpu.memory_space<hbm>> -> memref<1x2x128xi32, #tpu.memory_space<hbm>>
        %dma_wait3A_551 = tpu.memref_squeeze %dma_wait3A_550 : memref<1x2x128xi32, #tpu.memory_space<hbm>> -> memref<2x128xi32, #tpu.memory_space<hbm>>
        %dma_wait3A_552 = arith.constant 0 : i32
        %dma_wait3A_553 = arith.constant 0 : i32
        %dma_wait3A_554 = tpu.memref_slice %arg2[%dma_wait3A_547, %dma_wait3A_552, %dma_wait3A_553] : memref<2560x2x128xi32, #tpu.memory_space<hbm>> -> memref<1x2x128xi32, #tpu.memory_space<hbm>>
        %dma_wait3A_555 = tpu.memref_squeeze %dma_wait3A_554 : memref<1x2x128xi32, #tpu.memory_space<hbm>> -> memref<2x128xi32, #tpu.memory_space<hbm>>
        tpu.wait_dma2 semaphore(%arg15 : memref<!tpu.dma_semaphore, #tpu.memory_space<semaphore_mem>>) src(%dma_wait3A_555 : memref<2x128xi32, #tpu.memory_space<hbm>>) dst(%arg8 : memref<2x128xi32, #tpu.memory_space<vmem>>)
        %dma_start3A_556 = arith.constant 0 : i32
        %dma_start3A_557 = arith.constant 0 : i32
        %dma_start3A_558 = tpu.memref_slice %arg8[%dma_start3A_556, %dma_start3A_557] : memref<2x128xi32, #tpu.memory_space<vmem>> -> memref<1x128xi32, #tpu.memory_space<vmem>>
        %dma_start3A_559 = tpu.memref_squeeze %dma_start3A_558 : memref<1x128xi32, #tpu.memory_space<vmem>> -> memref<128xi32, #tpu.memory_space<vmem>>
        %dma_start3A_560 = arith.constant 0 : i32
        %dma_start3A_561 = arith.constant 0 : i32
        %dma_start3A_562 = tpu.memref_slice %arg3[%dma_start3A_560, %dma_start3A_561] : memref<10000x128xf32, #tpu.memory_space<hbm>> -> memref<10000x128xf32, #tpu.memory_space<hbm>>
        tpu.enqueue_indirect_dma source(%dma_start3A_562 : memref<10000x128xf32, #tpu.memory_space<hbm>>) target(%arg6 : memref<128x128xf32, #tpu.memory_space<vmem>>) offsets(%dma_start3A_559 : memref<128xi32, #tpu.memory_space<vmem>>) semaphore(%arg13 : memref<!tpu.dma_semaphore, #tpu.memory_space<semaphore_mem>>)
      } else {
      }
      %convert_element_type3A_335 = arith.extui %lt3A_316 : i1 to i32
      %cond3A_336 = arith.constant 0 : i32
      %cond3A_337 = arith.cmpi ne, %convert_element_type3A_335, %cond3A_336 : i32
      scf.if %cond3A_337 {
        %dma_wait3A_547 = arith.constant 0 : i32
        %dma_wait3A_548 = arith.constant 0 : i32
        %dma_wait3A_549 = tpu.memref_slice %arg3[%dma_wait3A_547, %dma_wait3A_548] : memref<10000x128xf32, #tpu.memory_space<hbm>> -> memref<128x128xf32, #tpu.memory_space<hbm>>
        %dma_wait3A_550 = arith.constant 0 : i32
        %dma_wait3A_551 = arith.constant 0 : i32
        %dma_wait3A_552 = tpu.memref_slice %arg3[%dma_wait3A_550, %dma_wait3A_551] : memref<10000x128xf32, #tpu.memory_space<hbm>> -> memref<128x128xf32, #tpu.memory_space<hbm>>
        tpu.wait_dma2 semaphore(%arg12 : memref<!tpu.dma_semaphore, #tpu.memory_space<semaphore_mem>>) src(%dma_wait3A_552 : memref<128x128xf32, #tpu.memory_space<hbm>>) dst(%arg5 : memref<128x128xf32, #tpu.memory_space<vmem>>)
        %dma_start3A_553 = arith.constant 1 : i32
        %dma_start3A_554 = arith.constant 0 : i32
        %dma_start3A_555 = tpu.memref_slice %arg11[%dma_start3A_553, %dma_start3A_554] : memref<2x128xi32, #tpu.memory_space<vmem>> -> memref<1x128xi32, #tpu.memory_space<vmem>>
        %dma_start3A_556 = tpu.memref_squeeze %dma_start3A_555 : memref<1x128xi32, #tpu.memory_space<vmem>> -> memref<128xi32, #tpu.memory_space<vmem>>
        %dma_start3A_557 = arith.constant 0 : i32
        %dma_start3A_558 = arith.constant 0 : i32
        %dma_start3A_559 = tpu.memref_slice %arg22[%dma_start3A_557, %dma_start3A_558] : memref<10000x128xf32, #tpu.memory_space<vmem_shared>> -> memref<10000x128xf32, #tpu.memory_space<vmem_shared>>
        tpu.enqueue_indirect_dma source(%arg5 : memref<128x128xf32, #tpu.memory_space<vmem>>) target(%dma_start3A_559 : memref<10000x128xf32, #tpu.memory_space<vmem_shared>>) offsets(%dma_start3A_556 : memref<128xi32, #tpu.memory_space<vmem>>) semaphore(%arg19 : memref<!tpu.dma_semaphore, #tpu.memory_space<semaphore_mem>>) {add = true}
      } else {
      }
      %mul3A_338 = arith.constant 12 : i32
      %mul3A_339 = arith.muli %scan3A_233, %mul3A_338 : i32
      %add3A_340 = arith.constant 4 : i32
      %add3A_341 = arith.addi %mul3A_339, %add3A_340 : i32
      %lt3A_342 = arith.cmpi slt, %add3A_341, %add3A_20 : i32
      %add3A_343 = arith.constant 1 : i32
      %add3A_344 = arith.addi %add3A_341, %add3A_343 : i32
      %lt3A_345 = arith.cmpi slt, %add3A_344, %add3A_20 : i32
      %add3A_346 = arith.constant 2 : i32
      %add3A_347 = arith.addi %add3A_341, %add3A_346 : i32
      %lt3A_348 = arith.cmpi slt, %add3A_347, %add3A_20 : i32
      %ge3A_349 = arith.constant 2 : i32
      %ge3A_350 = arith.cmpi sge, %add3A_341, %ge3A_349 : i32
      %and3A_351 = arith.andi %ge3A_350, %lt3A_342 : i1
      %convert_element_type3A_352 = arith.extui %and3A_351 : i1 to i32
      %cond3A_353 = arith.constant 0 : i32
      %cond3A_354 = arith.cmpi ne, %convert_element_type3A_352, %cond3A_353 : i32
      scf.if %cond3A_354 {
        %dma_wait3A_547 = arith.constant 0 : i32
        %dma_wait3A_548 = arith.constant 0 : i32
        %dma_wait3A_549 = tpu.memref_slice %arg3[%dma_wait3A_547, %dma_wait3A_548] : memref<10000x128xf32, #tpu.memory_space<hbm>> -> memref<128x128xf32, #tpu.memory_space<hbm>>
        %dma_wait3A_550 = arith.constant 0 : i32
        %dma_wait3A_551 = arith.constant 0 : i32
        %dma_wait3A_552 = tpu.memref_slice %arg3[%dma_wait3A_550, %dma_wait3A_551] : memref<10000x128xf32, #tpu.memory_space<hbm>> -> memref<128x128xf32, #tpu.memory_space<hbm>>
        tpu.wait_dma2 semaphore(%arg21 : memref<!tpu.dma_semaphore, #tpu.memory_space<semaphore_mem>>) src(%dma_wait3A_552 : memref<128x128xf32, #tpu.memory_space<hbm>>) dst(%arg7 : memref<128x128xf32, #tpu.memory_space<vmem>>)
      } else {
      }
      %convert_element_type3A_355 = arith.extui %lt3A_348 : i1 to i32
      %cond3A_356 = arith.constant 0 : i32
      %cond3A_357 = arith.cmpi ne, %convert_element_type3A_355, %cond3A_356 : i32
      scf.if %cond3A_357 {
        %add3A_547 = arith.constant 2 : i32
        %add3A_548 = arith.addi %add3A_341, %add3A_547 : i32
        %mul3A_549 = arith.constant 32 : i32
        %mul3A_550 = arith.muli %add3A_548, %mul3A_549 : i32
        %add3A_551 = arith.addi %add3A, %mul3A_550 : i32
        %dma_start3A_552 = arith.constant 0 : i32
        %dma_start3A_553 = arith.constant 0 : i32
        %dma_start3A_554 = tpu.memref_slice %arg2[%add3A_551, %dma_start3A_552, %dma_start3A_553] : memref<2560x2x128xi32, #tpu.memory_space<hbm>> -> memref<1x2x128xi32, #tpu.memory_space<hbm>>
        %dma_start3A_555 = tpu.memref_squeeze %dma_start3A_554 : memref<1x2x128xi32, #tpu.memory_space<hbm>> -> memref<2x128xi32, #tpu.memory_space<hbm>>
        %dma_start3A_556 = arith.constant 0 : i32
        %dma_start3A_557 = arith.constant 0 : i32
        %dma_start3A_558 = tpu.memref_slice %arg2[%add3A_551, %dma_start3A_556, %dma_start3A_557] : memref<2560x2x128xi32, #tpu.memory_space<hbm>> -> memref<1x2x128xi32, #tpu.memory_space<hbm>>
        %dma_start3A_559 = tpu.memref_squeeze %dma_start3A_558 : memref<1x2x128xi32, #tpu.memory_space<hbm>> -> memref<2x128xi32, #tpu.memory_space<hbm>>
        tpu.enqueue_dma source(%dma_start3A_559 : memref<2x128xi32, #tpu.memory_space<hbm>>) target(%arg10 : memref<2x128xi32, #tpu.memory_space<vmem>>) target_semaphore(%arg17 : memref<!tpu.dma_semaphore, #tpu.memory_space<semaphore_mem>>)
      } else {
      }
      %convert_element_type3A_358 = arith.extui %lt3A_345 : i1 to i32
      %cond3A_359 = arith.constant 0 : i32
      %cond3A_360 = arith.cmpi ne, %convert_element_type3A_358, %cond3A_359 : i32
      scf.if %cond3A_360 {
        %dma_wait3A_547 = arith.constant 0 : i32
        %dma_wait3A_548 = arith.constant 0 : i32
        %dma_wait3A_549 = arith.constant 0 : i32
        %dma_wait3A_550 = tpu.memref_slice %arg2[%dma_wait3A_547, %dma_wait3A_548, %dma_wait3A_549] : memref<2560x2x128xi32, #tpu.memory_space<hbm>> -> memref<1x2x128xi32, #tpu.memory_space<hbm>>
        %dma_wait3A_551 = tpu.memref_squeeze %dma_wait3A_550 : memref<1x2x128xi32, #tpu.memory_space<hbm>> -> memref<2x128xi32, #tpu.memory_space<hbm>>
        %dma_wait3A_552 = arith.constant 0 : i32
        %dma_wait3A_553 = arith.constant 0 : i32
        %dma_wait3A_554 = tpu.memref_slice %arg2[%dma_wait3A_547, %dma_wait3A_552, %dma_wait3A_553] : memref<2560x2x128xi32, #tpu.memory_space<hbm>> -> memref<1x2x128xi32, #tpu.memory_space<hbm>>
        %dma_wait3A_555 = tpu.memref_squeeze %dma_wait3A_554 : memref<1x2x128xi32, #tpu.memory_space<hbm>> -> memref<2x128xi32, #tpu.memory_space<hbm>>
        tpu.wait_dma2 semaphore(%arg16 : memref<!tpu.dma_semaphore, #tpu.memory_space<semaphore_mem>>) src(%dma_wait3A_555 : memref<2x128xi32, #tpu.memory_space<hbm>>) dst(%arg9 : memref<2x128xi32, #tpu.memory_space<vmem>>)
        %dma_start3A_556 = arith.constant 0 : i32
        %dma_start3A_557 = arith.constant 0 : i32
        %dma_start3A_558 = tpu.memref_slice %arg9[%dma_start3A_556, %dma_start3A_557] : memref<2x128xi32, #tpu.memory_space<vmem>> -> memref<1x128xi32, #tpu.memory_space<vmem>>
        %dma_start3A_559 = tpu.memref_squeeze %dma_start3A_558 : memref<1x128xi32, #tpu.memory_space<vmem>> -> memref<128xi32, #tpu.memory_space<vmem>>
        %dma_start3A_560 = arith.constant 0 : i32
        %dma_start3A_561 = arith.constant 0 : i32
        %dma_start3A_562 = tpu.memref_slice %arg3[%dma_start3A_560, %dma_start3A_561] : memref<10000x128xf32, #tpu.memory_space<hbm>> -> memref<10000x128xf32, #tpu.memory_space<hbm>>
        tpu.enqueue_indirect_dma source(%dma_start3A_562 : memref<10000x128xf32, #tpu.memory_space<hbm>>) target(%arg7 : memref<128x128xf32, #tpu.memory_space<vmem>>) offsets(%dma_start3A_559 : memref<128xi32, #tpu.memory_space<vmem>>) semaphore(%arg14 : memref<!tpu.dma_semaphore, #tpu.memory_space<semaphore_mem>>)
      } else {
      }
      %convert_element_type3A_361 = arith.extui %lt3A_342 : i1 to i32
      %cond3A_362 = arith.constant 0 : i32
      %cond3A_363 = arith.cmpi ne, %convert_element_type3A_361, %cond3A_362 : i32
      scf.if %cond3A_363 {
        %dma_wait3A_547 = arith.constant 0 : i32
        %dma_wait3A_548 = arith.constant 0 : i32
        %dma_wait3A_549 = tpu.memref_slice %arg3[%dma_wait3A_547, %dma_wait3A_548] : memref<10000x128xf32, #tpu.memory_space<hbm>> -> memref<128x128xf32, #tpu.memory_space<hbm>>
        %dma_wait3A_550 = arith.constant 0 : i32
        %dma_wait3A_551 = arith.constant 0 : i32
        %dma_wait3A_552 = tpu.memref_slice %arg3[%dma_wait3A_550, %dma_wait3A_551] : memref<10000x128xf32, #tpu.memory_space<hbm>> -> memref<128x128xf32, #tpu.memory_space<hbm>>
        tpu.wait_dma2 semaphore(%arg13 : memref<!tpu.dma_semaphore, #tpu.memory_space<semaphore_mem>>) src(%dma_wait3A_552 : memref<128x128xf32, #tpu.memory_space<hbm>>) dst(%arg6 : memref<128x128xf32, #tpu.memory_space<vmem>>)
        %dma_start3A_553 = arith.constant 1 : i32
        %dma_start3A_554 = arith.constant 0 : i32
        %dma_start3A_555 = tpu.memref_slice %arg8[%dma_start3A_553, %dma_start3A_554] : memref<2x128xi32, #tpu.memory_space<vmem>> -> memref<1x128xi32, #tpu.memory_space<vmem>>
        %dma_start3A_556 = tpu.memref_squeeze %dma_start3A_555 : memref<1x128xi32, #tpu.memory_space<vmem>> -> memref<128xi32, #tpu.memory_space<vmem>>
        %dma_start3A_557 = arith.constant 0 : i32
        %dma_start3A_558 = arith.constant 0 : i32
        %dma_start3A_559 = tpu.memref_slice %arg22[%dma_start3A_557, %dma_start3A_558] : memref<10000x128xf32, #tpu.memory_space<vmem_shared>> -> memref<10000x128xf32, #tpu.memory_space<vmem_shared>>
        tpu.enqueue_indirect_dma source(%arg6 : memref<128x128xf32, #tpu.memory_space<vmem>>) target(%dma_start3A_559 : memref<10000x128xf32, #tpu.memory_space<vmem_shared>>) offsets(%dma_start3A_556 : memref<128xi32, #tpu.memory_space<vmem>>) semaphore(%arg20 : memref<!tpu.dma_semaphore, #tpu.memory_space<semaphore_mem>>) {add = true}
      } else {
      }
      %mul3A_364 = arith.constant 12 : i32
      %mul3A_365 = arith.muli %scan3A_233, %mul3A_364 : i32
      %add3A_366 = arith.constant 5 : i32
      %add3A_367 = arith.addi %mul3A_365, %add3A_366 : i32
      %lt3A_368 = arith.cmpi slt, %add3A_367, %add3A_20 : i32
      %add3A_369 = arith.constant 1 : i32
      %add3A_370 = arith.addi %add3A_367, %add3A_369 : i32
      %lt3A_371 = arith.cmpi slt, %add3A_370, %add3A_20 : i32
      %add3A_372 = arith.constant 2 : i32
      %add3A_373 = arith.addi %add3A_367, %add3A_372 : i32
      %lt3A_374 = arith.cmpi slt, %add3A_373, %add3A_20 : i32
      %ge3A_375 = arith.constant 2 : i32
      %ge3A_376 = arith.cmpi sge, %add3A_367, %ge3A_375 : i32
      %and3A_377 = arith.andi %ge3A_376, %lt3A_368 : i1
      %convert_element_type3A_378 = arith.extui %and3A_377 : i1 to i32
      %cond3A_379 = arith.constant 0 : i32
      %cond3A_380 = arith.cmpi ne, %convert_element_type3A_378, %cond3A_379 : i32
      scf.if %cond3A_380 {
        %dma_wait3A_547 = arith.constant 0 : i32
        %dma_wait3A_548 = arith.constant 0 : i32
        %dma_wait3A_549 = tpu.memref_slice %arg3[%dma_wait3A_547, %dma_wait3A_548] : memref<10000x128xf32, #tpu.memory_space<hbm>> -> memref<128x128xf32, #tpu.memory_space<hbm>>
        %dma_wait3A_550 = arith.constant 0 : i32
        %dma_wait3A_551 = arith.constant 0 : i32
        %dma_wait3A_552 = tpu.memref_slice %arg3[%dma_wait3A_550, %dma_wait3A_551] : memref<10000x128xf32, #tpu.memory_space<hbm>> -> memref<128x128xf32, #tpu.memory_space<hbm>>
        tpu.wait_dma2 semaphore(%arg19 : memref<!tpu.dma_semaphore, #tpu.memory_space<semaphore_mem>>) src(%dma_wait3A_552 : memref<128x128xf32, #tpu.memory_space<hbm>>) dst(%arg5 : memref<128x128xf32, #tpu.memory_space<vmem>>)
      } else {
      }
      %convert_element_type3A_381 = arith.extui %lt3A_374 : i1 to i32
      %cond3A_382 = arith.constant 0 : i32
      %cond3A_383 = arith.cmpi ne, %convert_element_type3A_381, %cond3A_382 : i32
      scf.if %cond3A_383 {
        %add3A_547 = arith.constant 2 : i32
        %add3A_548 = arith.addi %add3A_367, %add3A_547 : i32
        %mul3A_549 = arith.constant 32 : i32
        %mul3A_550 = arith.muli %add3A_548, %mul3A_549 : i32
        %add3A_551 = arith.addi %add3A, %mul3A_550 : i32
        %dma_start3A_552 = arith.constant 0 : i32
        %dma_start3A_553 = arith.constant 0 : i32
        %dma_start3A_554 = tpu.memref_slice %arg2[%add3A_551, %dma_start3A_552, %dma_start3A_553] : memref<2560x2x128xi32, #tpu.memory_space<hbm>> -> memref<1x2x128xi32, #tpu.memory_space<hbm>>
        %dma_start3A_555 = tpu.memref_squeeze %dma_start3A_554 : memref<1x2x128xi32, #tpu.memory_space<hbm>> -> memref<2x128xi32, #tpu.memory_space<hbm>>
        %dma_start3A_556 = arith.constant 0 : i32
        %dma_start3A_557 = arith.constant 0 : i32
        %dma_start3A_558 = tpu.memref_slice %arg2[%add3A_551, %dma_start3A_556, %dma_start3A_557] : memref<2560x2x128xi32, #tpu.memory_space<hbm>> -> memref<1x2x128xi32, #tpu.memory_space<hbm>>
        %dma_start3A_559 = tpu.memref_squeeze %dma_start3A_558 : memref<1x2x128xi32, #tpu.memory_space<hbm>> -> memref<2x128xi32, #tpu.memory_space<hbm>>
        tpu.enqueue_dma source(%dma_start3A_559 : memref<2x128xi32, #tpu.memory_space<hbm>>) target(%arg11 : memref<2x128xi32, #tpu.memory_space<vmem>>) target_semaphore(%arg18 : memref<!tpu.dma_semaphore, #tpu.memory_space<semaphore_mem>>)
      } else {
      }
      %convert_element_type3A_384 = arith.extui %lt3A_371 : i1 to i32
      %cond3A_385 = arith.constant 0 : i32
      %cond3A_386 = arith.cmpi ne, %convert_element_type3A_384, %cond3A_385 : i32
      scf.if %cond3A_386 {
        %dma_wait3A_547 = arith.constant 0 : i32
        %dma_wait3A_548 = arith.constant 0 : i32
        %dma_wait3A_549 = arith.constant 0 : i32
        %dma_wait3A_550 = tpu.memref_slice %arg2[%dma_wait3A_547, %dma_wait3A_548, %dma_wait3A_549] : memref<2560x2x128xi32, #tpu.memory_space<hbm>> -> memref<1x2x128xi32, #tpu.memory_space<hbm>>
        %dma_wait3A_551 = tpu.memref_squeeze %dma_wait3A_550 : memref<1x2x128xi32, #tpu.memory_space<hbm>> -> memref<2x128xi32, #tpu.memory_space<hbm>>
        %dma_wait3A_552 = arith.constant 0 : i32
        %dma_wait3A_553 = arith.constant 0 : i32
        %dma_wait3A_554 = tpu.memref_slice %arg2[%dma_wait3A_547, %dma_wait3A_552, %dma_wait3A_553] : memref<2560x2x128xi32, #tpu.memory_space<hbm>> -> memref<1x2x128xi32, #tpu.memory_space<hbm>>
        %dma_wait3A_555 = tpu.memref_squeeze %dma_wait3A_554 : memref<1x2x128xi32, #tpu.memory_space<hbm>> -> memref<2x128xi32, #tpu.memory_space<hbm>>
        tpu.wait_dma2 semaphore(%arg17 : memref<!tpu.dma_semaphore, #tpu.memory_space<semaphore_mem>>) src(%dma_wait3A_555 : memref<2x128xi32, #tpu.memory_space<hbm>>) dst(%arg10 : memref<2x128xi32, #tpu.memory_space<vmem>>)
        %dma_start3A_556 = arith.constant 0 : i32
        %dma_start3A_557 = arith.constant 0 : i32
        %dma_start3A_558 = tpu.memref_slice %arg10[%dma_start3A_556, %dma_start3A_557] : memref<2x128xi32, #tpu.memory_space<vmem>> -> memref<1x128xi32, #tpu.memory_space<vmem>>
        %dma_start3A_559 = tpu.memref_squeeze %dma_start3A_558 : memref<1x128xi32, #tpu.memory_space<vmem>> -> memref<128xi32, #tpu.memory_space<vmem>>
        %dma_start3A_560 = arith.constant 0 : i32
        %dma_start3A_561 = arith.constant 0 : i32
        %dma_start3A_562 = tpu.memref_slice %arg3[%dma_start3A_560, %dma_start3A_561] : memref<10000x128xf32, #tpu.memory_space<hbm>> -> memref<10000x128xf32, #tpu.memory_space<hbm>>
        tpu.enqueue_indirect_dma source(%dma_start3A_562 : memref<10000x128xf32, #tpu.memory_space<hbm>>) target(%arg5 : memref<128x128xf32, #tpu.memory_space<vmem>>) offsets(%dma_start3A_559 : memref<128xi32, #tpu.memory_space<vmem>>) semaphore(%arg12 : memref<!tpu.dma_semaphore, #tpu.memory_space<semaphore_mem>>)
      } else {
      }
      %convert_element_type3A_387 = arith.extui %lt3A_368 : i1 to i32
      %cond3A_388 = arith.constant 0 : i32
      %cond3A_389 = arith.cmpi ne, %convert_element_type3A_387, %cond3A_388 : i32
      scf.if %cond3A_389 {
        %dma_wait3A_547 = arith.constant 0 : i32
        %dma_wait3A_548 = arith.constant 0 : i32
        %dma_wait3A_549 = tpu.memref_slice %arg3[%dma_wait3A_547, %dma_wait3A_548] : memref<10000x128xf32, #tpu.memory_space<hbm>> -> memref<128x128xf32, #tpu.memory_space<hbm>>
        %dma_wait3A_550 = arith.constant 0 : i32
        %dma_wait3A_551 = arith.constant 0 : i32
        %dma_wait3A_552 = tpu.memref_slice %arg3[%dma_wait3A_550, %dma_wait3A_551] : memref<10000x128xf32, #tpu.memory_space<hbm>> -> memref<128x128xf32, #tpu.memory_space<hbm>>
        tpu.wait_dma2 semaphore(%arg14 : memref<!tpu.dma_semaphore, #tpu.memory_space<semaphore_mem>>) src(%dma_wait3A_552 : memref<128x128xf32, #tpu.memory_space<hbm>>) dst(%arg7 : memref<128x128xf32, #tpu.memory_space<vmem>>)
        %dma_start3A_553 = arith.constant 1 : i32
        %dma_start3A_554 = arith.constant 0 : i32
        %dma_start3A_555 = tpu.memref_slice %arg9[%dma_start3A_553, %dma_start3A_554] : memref<2x128xi32, #tpu.memory_space<vmem>> -> memref<1x128xi32, #tpu.memory_space<vmem>>
        %dma_start3A_556 = tpu.memref_squeeze %dma_start3A_555 : memref<1x128xi32, #tpu.memory_space<vmem>> -> memref<128xi32, #tpu.memory_space<vmem>>
        %dma_start3A_557 = arith.constant 0 : i32
        %dma_start3A_558 = arith.constant 0 : i32
        %dma_start3A_559 = tpu.memref_slice %arg22[%dma_start3A_557, %dma_start3A_558] : memref<10000x128xf32, #tpu.memory_space<vmem_shared>> -> memref<10000x128xf32, #tpu.memory_space<vmem_shared>>
        tpu.enqueue_indirect_dma source(%arg7 : memref<128x128xf32, #tpu.memory_space<vmem>>) target(%dma_start3A_559 : memref<10000x128xf32, #tpu.memory_space<vmem_shared>>) offsets(%dma_start3A_556 : memref<128xi32, #tpu.memory_space<vmem>>) semaphore(%arg21 : memref<!tpu.dma_semaphore, #tpu.memory_space<semaphore_mem>>) {add = true}
      } else {
      }
      %mul3A_390 = arith.constant 12 : i32
      %mul3A_391 = arith.muli %scan3A_233, %mul3A_390 : i32
      %add3A_392 = arith.constant 6 : i32
      %add3A_393 = arith.addi %mul3A_391, %add3A_392 : i32
      %lt3A_394 = arith.cmpi slt, %add3A_393, %add3A_20 : i32
      %add3A_395 = arith.constant 1 : i32
      %add3A_396 = arith.addi %add3A_393, %add3A_395 : i32
      %lt3A_397 = arith.cmpi slt, %add3A_396, %add3A_20 : i32
      %add3A_398 = arith.constant 2 : i32
      %add3A_399 = arith.addi %add3A_393, %add3A_398 : i32
      %lt3A_400 = arith.cmpi slt, %add3A_399, %add3A_20 : i32
      %ge3A_401 = arith.constant 2 : i32
      %ge3A_402 = arith.cmpi sge, %add3A_393, %ge3A_401 : i32
      %and3A_403 = arith.andi %ge3A_402, %lt3A_394 : i1
      %convert_element_type3A_404 = arith.extui %and3A_403 : i1 to i32
      %cond3A_405 = arith.constant 0 : i32
      %cond3A_406 = arith.cmpi ne, %convert_element_type3A_404, %cond3A_405 : i32
      scf.if %cond3A_406 {
        %dma_wait3A_547 = arith.constant 0 : i32
        %dma_wait3A_548 = arith.constant 0 : i32
        %dma_wait3A_549 = tpu.memref_slice %arg3[%dma_wait3A_547, %dma_wait3A_548] : memref<10000x128xf32, #tpu.memory_space<hbm>> -> memref<128x128xf32, #tpu.memory_space<hbm>>
        %dma_wait3A_550 = arith.constant 0 : i32
        %dma_wait3A_551 = arith.constant 0 : i32
        %dma_wait3A_552 = tpu.memref_slice %arg3[%dma_wait3A_550, %dma_wait3A_551] : memref<10000x128xf32, #tpu.memory_space<hbm>> -> memref<128x128xf32, #tpu.memory_space<hbm>>
        tpu.wait_dma2 semaphore(%arg20 : memref<!tpu.dma_semaphore, #tpu.memory_space<semaphore_mem>>) src(%dma_wait3A_552 : memref<128x128xf32, #tpu.memory_space<hbm>>) dst(%arg6 : memref<128x128xf32, #tpu.memory_space<vmem>>)
      } else {
      }
      %convert_element_type3A_407 = arith.extui %lt3A_400 : i1 to i32
      %cond3A_408 = arith.constant 0 : i32
      %cond3A_409 = arith.cmpi ne, %convert_element_type3A_407, %cond3A_408 : i32
      scf.if %cond3A_409 {
        %add3A_547 = arith.constant 2 : i32
        %add3A_548 = arith.addi %add3A_393, %add3A_547 : i32
        %mul3A_549 = arith.constant 32 : i32
        %mul3A_550 = arith.muli %add3A_548, %mul3A_549 : i32
        %add3A_551 = arith.addi %add3A, %mul3A_550 : i32
        %dma_start3A_552 = arith.constant 0 : i32
        %dma_start3A_553 = arith.constant 0 : i32
        %dma_start3A_554 = tpu.memref_slice %arg2[%add3A_551, %dma_start3A_552, %dma_start3A_553] : memref<2560x2x128xi32, #tpu.memory_space<hbm>> -> memref<1x2x128xi32, #tpu.memory_space<hbm>>
        %dma_start3A_555 = tpu.memref_squeeze %dma_start3A_554 : memref<1x2x128xi32, #tpu.memory_space<hbm>> -> memref<2x128xi32, #tpu.memory_space<hbm>>
        %dma_start3A_556 = arith.constant 0 : i32
        %dma_start3A_557 = arith.constant 0 : i32
        %dma_start3A_558 = tpu.memref_slice %arg2[%add3A_551, %dma_start3A_556, %dma_start3A_557] : memref<2560x2x128xi32, #tpu.memory_space<hbm>> -> memref<1x2x128xi32, #tpu.memory_space<hbm>>
        %dma_start3A_559 = tpu.memref_squeeze %dma_start3A_558 : memref<1x2x128xi32, #tpu.memory_space<hbm>> -> memref<2x128xi32, #tpu.memory_space<hbm>>
        tpu.enqueue_dma source(%dma_start3A_559 : memref<2x128xi32, #tpu.memory_space<hbm>>) target(%arg8 : memref<2x128xi32, #tpu.memory_space<vmem>>) target_semaphore(%arg15 : memref<!tpu.dma_semaphore, #tpu.memory_space<semaphore_mem>>)
      } else {
      }
      %convert_element_type3A_410 = arith.extui %lt3A_397 : i1 to i32
      %cond3A_411 = arith.constant 0 : i32
      %cond3A_412 = arith.cmpi ne, %convert_element_type3A_410, %cond3A_411 : i32
      scf.if %cond3A_412 {
        %dma_wait3A_547 = arith.constant 0 : i32
        %dma_wait3A_548 = arith.constant 0 : i32
        %dma_wait3A_549 = arith.constant 0 : i32
        %dma_wait3A_550 = tpu.memref_slice %arg2[%dma_wait3A_547, %dma_wait3A_548, %dma_wait3A_549] : memref<2560x2x128xi32, #tpu.memory_space<hbm>> -> memref<1x2x128xi32, #tpu.memory_space<hbm>>
        %dma_wait3A_551 = tpu.memref_squeeze %dma_wait3A_550 : memref<1x2x128xi32, #tpu.memory_space<hbm>> -> memref<2x128xi32, #tpu.memory_space<hbm>>
        %dma_wait3A_552 = arith.constant 0 : i32
        %dma_wait3A_553 = arith.constant 0 : i32
        %dma_wait3A_554 = tpu.memref_slice %arg2[%dma_wait3A_547, %dma_wait3A_552, %dma_wait3A_553] : memref<2560x2x128xi32, #tpu.memory_space<hbm>> -> memref<1x2x128xi32, #tpu.memory_space<hbm>>
        %dma_wait3A_555 = tpu.memref_squeeze %dma_wait3A_554 : memref<1x2x128xi32, #tpu.memory_space<hbm>> -> memref<2x128xi32, #tpu.memory_space<hbm>>
        tpu.wait_dma2 semaphore(%arg18 : memref<!tpu.dma_semaphore, #tpu.memory_space<semaphore_mem>>) src(%dma_wait3A_555 : memref<2x128xi32, #tpu.memory_space<hbm>>) dst(%arg11 : memref<2x128xi32, #tpu.memory_space<vmem>>)
        %dma_start3A_556 = arith.constant 0 : i32
        %dma_start3A_557 = arith.constant 0 : i32
        %dma_start3A_558 = tpu.memref_slice %arg11[%dma_start3A_556, %dma_start3A_557] : memref<2x128xi32, #tpu.memory_space<vmem>> -> memref<1x128xi32, #tpu.memory_space<vmem>>
        %dma_start3A_559 = tpu.memref_squeeze %dma_start3A_558 : memref<1x128xi32, #tpu.memory_space<vmem>> -> memref<128xi32, #tpu.memory_space<vmem>>
        %dma_start3A_560 = arith.constant 0 : i32
        %dma_start3A_561 = arith.constant 0 : i32
        %dma_start3A_562 = tpu.memref_slice %arg3[%dma_start3A_560, %dma_start3A_561] : memref<10000x128xf32, #tpu.memory_space<hbm>> -> memref<10000x128xf32, #tpu.memory_space<hbm>>
        tpu.enqueue_indirect_dma source(%dma_start3A_562 : memref<10000x128xf32, #tpu.memory_space<hbm>>) target(%arg6 : memref<128x128xf32, #tpu.memory_space<vmem>>) offsets(%dma_start3A_559 : memref<128xi32, #tpu.memory_space<vmem>>) semaphore(%arg13 : memref<!tpu.dma_semaphore, #tpu.memory_space<semaphore_mem>>)
      } else {
      }
      %convert_element_type3A_413 = arith.extui %lt3A_394 : i1 to i32
      %cond3A_414 = arith.constant 0 : i32
      %cond3A_415 = arith.cmpi ne, %convert_element_type3A_413, %cond3A_414 : i32
      scf.if %cond3A_415 {
        %dma_wait3A_547 = arith.constant 0 : i32
        %dma_wait3A_548 = arith.constant 0 : i32
        %dma_wait3A_549 = tpu.memref_slice %arg3[%dma_wait3A_547, %dma_wait3A_548] : memref<10000x128xf32, #tpu.memory_space<hbm>> -> memref<128x128xf32, #tpu.memory_space<hbm>>
        %dma_wait3A_550 = arith.constant 0 : i32
        %dma_wait3A_551 = arith.constant 0 : i32
        %dma_wait3A_552 = tpu.memref_slice %arg3[%dma_wait3A_550, %dma_wait3A_551] : memref<10000x128xf32, #tpu.memory_space<hbm>> -> memref<128x128xf32, #tpu.memory_space<hbm>>
        tpu.wait_dma2 semaphore(%arg12 : memref<!tpu.dma_semaphore, #tpu.memory_space<semaphore_mem>>) src(%dma_wait3A_552 : memref<128x128xf32, #tpu.memory_space<hbm>>) dst(%arg5 : memref<128x128xf32, #tpu.memory_space<vmem>>)
        %dma_start3A_553 = arith.constant 1 : i32
        %dma_start3A_554 = arith.constant 0 : i32
        %dma_start3A_555 = tpu.memref_slice %arg10[%dma_start3A_553, %dma_start3A_554] : memref<2x128xi32, #tpu.memory_space<vmem>> -> memref<1x128xi32, #tpu.memory_space<vmem>>
        %dma_start3A_556 = tpu.memref_squeeze %dma_start3A_555 : memref<1x128xi32, #tpu.memory_space<vmem>> -> memref<128xi32, #tpu.memory_space<vmem>>
        %dma_start3A_557 = arith.constant 0 : i32
        %dma_start3A_558 = arith.constant 0 : i32
        %dma_start3A_559 = tpu.memref_slice %arg22[%dma_start3A_557, %dma_start3A_558] : memref<10000x128xf32, #tpu.memory_space<vmem_shared>> -> memref<10000x128xf32, #tpu.memory_space<vmem_shared>>
        tpu.enqueue_indirect_dma source(%arg5 : memref<128x128xf32, #tpu.memory_space<vmem>>) target(%dma_start3A_559 : memref<10000x128xf32, #tpu.memory_space<vmem_shared>>) offsets(%dma_start3A_556 : memref<128xi32, #tpu.memory_space<vmem>>) semaphore(%arg19 : memref<!tpu.dma_semaphore, #tpu.memory_space<semaphore_mem>>) {add = true}
      } else {
      }
      %mul3A_416 = arith.constant 12 : i32
      %mul3A_417 = arith.muli %scan3A_233, %mul3A_416 : i32
      %add3A_418 = arith.constant 7 : i32
      %add3A_419 = arith.addi %mul3A_417, %add3A_418 : i32
      %lt3A_420 = arith.cmpi slt, %add3A_419, %add3A_20 : i32
      %add3A_421 = arith.constant 1 : i32
      %add3A_422 = arith.addi %add3A_419, %add3A_421 : i32
      %lt3A_423 = arith.cmpi slt, %add3A_422, %add3A_20 : i32
      %add3A_424 = arith.constant 2 : i32
      %add3A_425 = arith.addi %add3A_419, %add3A_424 : i32
      %lt3A_426 = arith.cmpi slt, %add3A_425, %add3A_20 : i32
      %ge3A_427 = arith.constant 2 : i32
      %ge3A_428 = arith.cmpi sge, %add3A_419, %ge3A_427 : i32
      %and3A_429 = arith.andi %ge3A_428, %lt3A_420 : i1
      %convert_element_type3A_430 = arith.extui %and3A_429 : i1 to i32
      %cond3A_431 = arith.constant 0 : i32
      %cond3A_432 = arith.cmpi ne, %convert_element_type3A_430, %cond3A_431 : i32
      scf.if %cond3A_432 {
        %dma_wait3A_547 = arith.constant 0 : i32
        %dma_wait3A_548 = arith.constant 0 : i32
        %dma_wait3A_549 = tpu.memref_slice %arg3[%dma_wait3A_547, %dma_wait3A_548] : memref<10000x128xf32, #tpu.memory_space<hbm>> -> memref<128x128xf32, #tpu.memory_space<hbm>>
        %dma_wait3A_550 = arith.constant 0 : i32
        %dma_wait3A_551 = arith.constant 0 : i32
        %dma_wait3A_552 = tpu.memref_slice %arg3[%dma_wait3A_550, %dma_wait3A_551] : memref<10000x128xf32, #tpu.memory_space<hbm>> -> memref<128x128xf32, #tpu.memory_space<hbm>>
        tpu.wait_dma2 semaphore(%arg21 : memref<!tpu.dma_semaphore, #tpu.memory_space<semaphore_mem>>) src(%dma_wait3A_552 : memref<128x128xf32, #tpu.memory_space<hbm>>) dst(%arg7 : memref<128x128xf32, #tpu.memory_space<vmem>>)
      } else {
      }
      %convert_element_type3A_433 = arith.extui %lt3A_426 : i1 to i32
      %cond3A_434 = arith.constant 0 : i32
      %cond3A_435 = arith.cmpi ne, %convert_element_type3A_433, %cond3A_434 : i32
      scf.if %cond3A_435 {
        %add3A_547 = arith.constant 2 : i32
        %add3A_548 = arith.addi %add3A_419, %add3A_547 : i32
        %mul3A_549 = arith.constant 32 : i32
        %mul3A_550 = arith.muli %add3A_548, %mul3A_549 : i32
        %add3A_551 = arith.addi %add3A, %mul3A_550 : i32
        %dma_start3A_552 = arith.constant 0 : i32
        %dma_start3A_553 = arith.constant 0 : i32
        %dma_start3A_554 = tpu.memref_slice %arg2[%add3A_551, %dma_start3A_552, %dma_start3A_553] : memref<2560x2x128xi32, #tpu.memory_space<hbm>> -> memref<1x2x128xi32, #tpu.memory_space<hbm>>
        %dma_start3A_555 = tpu.memref_squeeze %dma_start3A_554 : memref<1x2x128xi32, #tpu.memory_space<hbm>> -> memref<2x128xi32, #tpu.memory_space<hbm>>
        %dma_start3A_556 = arith.constant 0 : i32
        %dma_start3A_557 = arith.constant 0 : i32
        %dma_start3A_558 = tpu.memref_slice %arg2[%add3A_551, %dma_start3A_556, %dma_start3A_557] : memref<2560x2x128xi32, #tpu.memory_space<hbm>> -> memref<1x2x128xi32, #tpu.memory_space<hbm>>
        %dma_start3A_559 = tpu.memref_squeeze %dma_start3A_558 : memref<1x2x128xi32, #tpu.memory_space<hbm>> -> memref<2x128xi32, #tpu.memory_space<hbm>>
        tpu.enqueue_dma source(%dma_start3A_559 : memref<2x128xi32, #tpu.memory_space<hbm>>) target(%arg9 : memref<2x128xi32, #tpu.memory_space<vmem>>) target_semaphore(%arg16 : memref<!tpu.dma_semaphore, #tpu.memory_space<semaphore_mem>>)
      } else {
      }
      %convert_element_type3A_436 = arith.extui %lt3A_423 : i1 to i32
      %cond3A_437 = arith.constant 0 : i32
      %cond3A_438 = arith.cmpi ne, %convert_element_type3A_436, %cond3A_437 : i32
      scf.if %cond3A_438 {
        %dma_wait3A_547 = arith.constant 0 : i32
        %dma_wait3A_548 = arith.constant 0 : i32
        %dma_wait3A_549 = arith.constant 0 : i32
        %dma_wait3A_550 = tpu.memref_slice %arg2[%dma_wait3A_547, %dma_wait3A_548, %dma_wait3A_549] : memref<2560x2x128xi32, #tpu.memory_space<hbm>> -> memref<1x2x128xi32, #tpu.memory_space<hbm>>
        %dma_wait3A_551 = tpu.memref_squeeze %dma_wait3A_550 : memref<1x2x128xi32, #tpu.memory_space<hbm>> -> memref<2x128xi32, #tpu.memory_space<hbm>>
        %dma_wait3A_552 = arith.constant 0 : i32
        %dma_wait3A_553 = arith.constant 0 : i32
        %dma_wait3A_554 = tpu.memref_slice %arg2[%dma_wait3A_547, %dma_wait3A_552, %dma_wait3A_553] : memref<2560x2x128xi32, #tpu.memory_space<hbm>> -> memref<1x2x128xi32, #tpu.memory_space<hbm>>
        %dma_wait3A_555 = tpu.memref_squeeze %dma_wait3A_554 : memref<1x2x128xi32, #tpu.memory_space<hbm>> -> memref<2x128xi32, #tpu.memory_space<hbm>>
        tpu.wait_dma2 semaphore(%arg15 : memref<!tpu.dma_semaphore, #tpu.memory_space<semaphore_mem>>) src(%dma_wait3A_555 : memref<2x128xi32, #tpu.memory_space<hbm>>) dst(%arg8 : memref<2x128xi32, #tpu.memory_space<vmem>>)
        %dma_start3A_556 = arith.constant 0 : i32
        %dma_start3A_557 = arith.constant 0 : i32
        %dma_start3A_558 = tpu.memref_slice %arg8[%dma_start3A_556, %dma_start3A_557] : memref<2x128xi32, #tpu.memory_space<vmem>> -> memref<1x128xi32, #tpu.memory_space<vmem>>
        %dma_start3A_559 = tpu.memref_squeeze %dma_start3A_558 : memref<1x128xi32, #tpu.memory_space<vmem>> -> memref<128xi32, #tpu.memory_space<vmem>>
        %dma_start3A_560 = arith.constant 0 : i32
        %dma_start3A_561 = arith.constant 0 : i32
        %dma_start3A_562 = tpu.memref_slice %arg3[%dma_start3A_560, %dma_start3A_561] : memref<10000x128xf32, #tpu.memory_space<hbm>> -> memref<10000x128xf32, #tpu.memory_space<hbm>>
        tpu.enqueue_indirect_dma source(%dma_start3A_562 : memref<10000x128xf32, #tpu.memory_space<hbm>>) target(%arg7 : memref<128x128xf32, #tpu.memory_space<vmem>>) offsets(%dma_start3A_559 : memref<128xi32, #tpu.memory_space<vmem>>) semaphore(%arg14 : memref<!tpu.dma_semaphore, #tpu.memory_space<semaphore_mem>>)
      } else {
      }
      %convert_element_type3A_439 = arith.extui %lt3A_420 : i1 to i32
      %cond3A_440 = arith.constant 0 : i32
      %cond3A_441 = arith.cmpi ne, %convert_element_type3A_439, %cond3A_440 : i32
      scf.if %cond3A_441 {
        %dma_wait3A_547 = arith.constant 0 : i32
        %dma_wait3A_548 = arith.constant 0 : i32
        %dma_wait3A_549 = tpu.memref_slice %arg3[%dma_wait3A_547, %dma_wait3A_548] : memref<10000x128xf32, #tpu.memory_space<hbm>> -> memref<128x128xf32, #tpu.memory_space<hbm>>
        %dma_wait3A_550 = arith.constant 0 : i32
        %dma_wait3A_551 = arith.constant 0 : i32
        %dma_wait3A_552 = tpu.memref_slice %arg3[%dma_wait3A_550, %dma_wait3A_551] : memref<10000x128xf32, #tpu.memory_space<hbm>> -> memref<128x128xf32, #tpu.memory_space<hbm>>
        tpu.wait_dma2 semaphore(%arg13 : memref<!tpu.dma_semaphore, #tpu.memory_space<semaphore_mem>>) src(%dma_wait3A_552 : memref<128x128xf32, #tpu.memory_space<hbm>>) dst(%arg6 : memref<128x128xf32, #tpu.memory_space<vmem>>)
        %dma_start3A_553 = arith.constant 1 : i32
        %dma_start3A_554 = arith.constant 0 : i32
        %dma_start3A_555 = tpu.memref_slice %arg11[%dma_start3A_553, %dma_start3A_554] : memref<2x128xi32, #tpu.memory_space<vmem>> -> memref<1x128xi32, #tpu.memory_space<vmem>>
        %dma_start3A_556 = tpu.memref_squeeze %dma_start3A_555 : memref<1x128xi32, #tpu.memory_space<vmem>> -> memref<128xi32, #tpu.memory_space<vmem>>
        %dma_start3A_557 = arith.constant 0 : i32
        %dma_start3A_558 = arith.constant 0 : i32
        %dma_start3A_559 = tpu.memref_slice %arg22[%dma_start3A_557, %dma_start3A_558] : memref<10000x128xf32, #tpu.memory_space<vmem_shared>> -> memref<10000x128xf32, #tpu.memory_space<vmem_shared>>
        tpu.enqueue_indirect_dma source(%arg6 : memref<128x128xf32, #tpu.memory_space<vmem>>) target(%dma_start3A_559 : memref<10000x128xf32, #tpu.memory_space<vmem_shared>>) offsets(%dma_start3A_556 : memref<128xi32, #tpu.memory_space<vmem>>) semaphore(%arg20 : memref<!tpu.dma_semaphore, #tpu.memory_space<semaphore_mem>>) {add = true}
      } else {
      }
      %mul3A_442 = arith.constant 12 : i32
      %mul3A_443 = arith.muli %scan3A_233, %mul3A_442 : i32
      %add3A_444 = arith.constant 8 : i32
      %add3A_445 = arith.addi %mul3A_443, %add3A_444 : i32
      %lt3A_446 = arith.cmpi slt, %add3A_445, %add3A_20 : i32
      %add3A_447 = arith.constant 1 : i32
      %add3A_448 = arith.addi %add3A_445, %add3A_447 : i32
      %lt3A_449 = arith.cmpi slt, %add3A_448, %add3A_20 : i32
      %add3A_450 = arith.constant 2 : i32
      %add3A_451 = arith.addi %add3A_445, %add3A_450 : i32
      %lt3A_452 = arith.cmpi slt, %add3A_451, %add3A_20 : i32
      %ge3A_453 = arith.constant 2 : i32
      %ge3A_454 = arith.cmpi sge, %add3A_445, %ge3A_453 : i32
      %and3A_455 = arith.andi %ge3A_454, %lt3A_446 : i1
      %convert_element_type3A_456 = arith.extui %and3A_455 : i1 to i32
      %cond3A_457 = arith.constant 0 : i32
      %cond3A_458 = arith.cmpi ne, %convert_element_type3A_456, %cond3A_457 : i32
      scf.if %cond3A_458 {
        %dma_wait3A_547 = arith.constant 0 : i32
        %dma_wait3A_548 = arith.constant 0 : i32
        %dma_wait3A_549 = tpu.memref_slice %arg3[%dma_wait3A_547, %dma_wait3A_548] : memref<10000x128xf32, #tpu.memory_space<hbm>> -> memref<128x128xf32, #tpu.memory_space<hbm>>
        %dma_wait3A_550 = arith.constant 0 : i32
        %dma_wait3A_551 = arith.constant 0 : i32
        %dma_wait3A_552 = tpu.memref_slice %arg3[%dma_wait3A_550, %dma_wait3A_551] : memref<10000x128xf32, #tpu.memory_space<hbm>> -> memref<128x128xf32, #tpu.memory_space<hbm>>
        tpu.wait_dma2 semaphore(%arg19 : memref<!tpu.dma_semaphore, #tpu.memory_space<semaphore_mem>>) src(%dma_wait3A_552 : memref<128x128xf32, #tpu.memory_space<hbm>>) dst(%arg5 : memref<128x128xf32, #tpu.memory_space<vmem>>)
      } else {
      }
      %convert_element_type3A_459 = arith.extui %lt3A_452 : i1 to i32
      %cond3A_460 = arith.constant 0 : i32
      %cond3A_461 = arith.cmpi ne, %convert_element_type3A_459, %cond3A_460 : i32
      scf.if %cond3A_461 {
        %add3A_547 = arith.constant 2 : i32
        %add3A_548 = arith.addi %add3A_445, %add3A_547 : i32
        %mul3A_549 = arith.constant 32 : i32
        %mul3A_550 = arith.muli %add3A_548, %mul3A_549 : i32
        %add3A_551 = arith.addi %add3A, %mul3A_550 : i32
        %dma_start3A_552 = arith.constant 0 : i32
        %dma_start3A_553 = arith.constant 0 : i32
        %dma_start3A_554 = tpu.memref_slice %arg2[%add3A_551, %dma_start3A_552, %dma_start3A_553] : memref<2560x2x128xi32, #tpu.memory_space<hbm>> -> memref<1x2x128xi32, #tpu.memory_space<hbm>>
        %dma_start3A_555 = tpu.memref_squeeze %dma_start3A_554 : memref<1x2x128xi32, #tpu.memory_space<hbm>> -> memref<2x128xi32, #tpu.memory_space<hbm>>
        %dma_start3A_556 = arith.constant 0 : i32
        %dma_start3A_557 = arith.constant 0 : i32
        %dma_start3A_558 = tpu.memref_slice %arg2[%add3A_551, %dma_start3A_556, %dma_start3A_557] : memref<2560x2x128xi32, #tpu.memory_space<hbm>> -> memref<1x2x128xi32, #tpu.memory_space<hbm>>
        %dma_start3A_559 = tpu.memref_squeeze %dma_start3A_558 : memref<1x2x128xi32, #tpu.memory_space<hbm>> -> memref<2x128xi32, #tpu.memory_space<hbm>>
        tpu.enqueue_dma source(%dma_start3A_559 : memref<2x128xi32, #tpu.memory_space<hbm>>) target(%arg10 : memref<2x128xi32, #tpu.memory_space<vmem>>) target_semaphore(%arg17 : memref<!tpu.dma_semaphore, #tpu.memory_space<semaphore_mem>>)
      } else {
      }
      %convert_element_type3A_462 = arith.extui %lt3A_449 : i1 to i32
      %cond3A_463 = arith.constant 0 : i32
      %cond3A_464 = arith.cmpi ne, %convert_element_type3A_462, %cond3A_463 : i32
      scf.if %cond3A_464 {
        %dma_wait3A_547 = arith.constant 0 : i32
        %dma_wait3A_548 = arith.constant 0 : i32
        %dma_wait3A_549 = arith.constant 0 : i32
        %dma_wait3A_550 = tpu.memref_slice %arg2[%dma_wait3A_547, %dma_wait3A_548, %dma_wait3A_549] : memref<2560x2x128xi32, #tpu.memory_space<hbm>> -> memref<1x2x128xi32, #tpu.memory_space<hbm>>
        %dma_wait3A_551 = tpu.memref_squeeze %dma_wait3A_550 : memref<1x2x128xi32, #tpu.memory_space<hbm>> -> memref<2x128xi32, #tpu.memory_space<hbm>>
        %dma_wait3A_552 = arith.constant 0 : i32
        %dma_wait3A_553 = arith.constant 0 : i32
        %dma_wait3A_554 = tpu.memref_slice %arg2[%dma_wait3A_547, %dma_wait3A_552, %dma_wait3A_553] : memref<2560x2x128xi32, #tpu.memory_space<hbm>> -> memref<1x2x128xi32, #tpu.memory_space<hbm>>
        %dma_wait3A_555 = tpu.memref_squeeze %dma_wait3A_554 : memref<1x2x128xi32, #tpu.memory_space<hbm>> -> memref<2x128xi32, #tpu.memory_space<hbm>>
        tpu.wait_dma2 semaphore(%arg16 : memref<!tpu.dma_semaphore, #tpu.memory_space<semaphore_mem>>) src(%dma_wait3A_555 : memref<2x128xi32, #tpu.memory_space<hbm>>) dst(%arg9 : memref<2x128xi32, #tpu.memory_space<vmem>>)
        %dma_start3A_556 = arith.constant 0 : i32
        %dma_start3A_557 = arith.constant 0 : i32
        %dma_start3A_558 = tpu.memref_slice %arg9[%dma_start3A_556, %dma_start3A_557] : memref<2x128xi32, #tpu.memory_space<vmem>> -> memref<1x128xi32, #tpu.memory_space<vmem>>
        %dma_start3A_559 = tpu.memref_squeeze %dma_start3A_558 : memref<1x128xi32, #tpu.memory_space<vmem>> -> memref<128xi32, #tpu.memory_space<vmem>>
        %dma_start3A_560 = arith.constant 0 : i32
        %dma_start3A_561 = arith.constant 0 : i32
        %dma_start3A_562 = tpu.memref_slice %arg3[%dma_start3A_560, %dma_start3A_561] : memref<10000x128xf32, #tpu.memory_space<hbm>> -> memref<10000x128xf32, #tpu.memory_space<hbm>>
        tpu.enqueue_indirect_dma source(%dma_start3A_562 : memref<10000x128xf32, #tpu.memory_space<hbm>>) target(%arg5 : memref<128x128xf32, #tpu.memory_space<vmem>>) offsets(%dma_start3A_559 : memref<128xi32, #tpu.memory_space<vmem>>) semaphore(%arg12 : memref<!tpu.dma_semaphore, #tpu.memory_space<semaphore_mem>>)
      } else {
      }
      %convert_element_type3A_465 = arith.extui %lt3A_446 : i1 to i32
      %cond3A_466 = arith.constant 0 : i32
      %cond3A_467 = arith.cmpi ne, %convert_element_type3A_465, %cond3A_466 : i32
      scf.if %cond3A_467 {
        %dma_wait3A_547 = arith.constant 0 : i32
        %dma_wait3A_548 = arith.constant 0 : i32
        %dma_wait3A_549 = tpu.memref_slice %arg3[%dma_wait3A_547, %dma_wait3A_548] : memref<10000x128xf32, #tpu.memory_space<hbm>> -> memref<128x128xf32, #tpu.memory_space<hbm>>
        %dma_wait3A_550 = arith.constant 0 : i32
        %dma_wait3A_551 = arith.constant 0 : i32
        %dma_wait3A_552 = tpu.memref_slice %arg3[%dma_wait3A_550, %dma_wait3A_551] : memref<10000x128xf32, #tpu.memory_space<hbm>> -> memref<128x128xf32, #tpu.memory_space<hbm>>
        tpu.wait_dma2 semaphore(%arg14 : memref<!tpu.dma_semaphore, #tpu.memory_space<semaphore_mem>>) src(%dma_wait3A_552 : memref<128x128xf32, #tpu.memory_space<hbm>>) dst(%arg7 : memref<128x128xf32, #tpu.memory_space<vmem>>)
        %dma_start3A_553 = arith.constant 1 : i32
        %dma_start3A_554 = arith.constant 0 : i32
        %dma_start3A_555 = tpu.memref_slice %arg8[%dma_start3A_553, %dma_start3A_554] : memref<2x128xi32, #tpu.memory_space<vmem>> -> memref<1x128xi32, #tpu.memory_space<vmem>>
        %dma_start3A_556 = tpu.memref_squeeze %dma_start3A_555 : memref<1x128xi32, #tpu.memory_space<vmem>> -> memref<128xi32, #tpu.memory_space<vmem>>
        %dma_start3A_557 = arith.constant 0 : i32
        %dma_start3A_558 = arith.constant 0 : i32
        %dma_start3A_559 = tpu.memref_slice %arg22[%dma_start3A_557, %dma_start3A_558] : memref<10000x128xf32, #tpu.memory_space<vmem_shared>> -> memref<10000x128xf32, #tpu.memory_space<vmem_shared>>
        tpu.enqueue_indirect_dma source(%arg7 : memref<128x128xf32, #tpu.memory_space<vmem>>) target(%dma_start3A_559 : memref<10000x128xf32, #tpu.memory_space<vmem_shared>>) offsets(%dma_start3A_556 : memref<128xi32, #tpu.memory_space<vmem>>) semaphore(%arg21 : memref<!tpu.dma_semaphore, #tpu.memory_space<semaphore_mem>>) {add = true}
      } else {
      }
      %mul3A_468 = arith.constant 12 : i32
      %mul3A_469 = arith.muli %scan3A_233, %mul3A_468 : i32
      %add3A_470 = arith.constant 9 : i32
      %add3A_471 = arith.addi %mul3A_469, %add3A_470 : i32
      %lt3A_472 = arith.cmpi slt, %add3A_471, %add3A_20 : i32
      %add3A_473 = arith.constant 1 : i32
      %add3A_474 = arith.addi %add3A_471, %add3A_473 : i32
      %lt3A_475 = arith.cmpi slt, %add3A_474, %add3A_20 : i32
      %add3A_476 = arith.constant 2 : i32
      %add3A_477 = arith.addi %add3A_471, %add3A_476 : i32
      %lt3A_478 = arith.cmpi slt, %add3A_477, %add3A_20 : i32
      %ge3A_479 = arith.constant 2 : i32
      %ge3A_480 = arith.cmpi sge, %add3A_471, %ge3A_479 : i32
      %and3A_481 = arith.andi %ge3A_480, %lt3A_472 : i1
      %convert_element_type3A_482 = arith.extui %and3A_481 : i1 to i32
      %cond3A_483 = arith.constant 0 : i32
      %cond3A_484 = arith.cmpi ne, %convert_element_type3A_482, %cond3A_483 : i32
      scf.if %cond3A_484 {
        %dma_wait3A_547 = arith.constant 0 : i32
        %dma_wait3A_548 = arith.constant 0 : i32
        %dma_wait3A_549 = tpu.memref_slice %arg3[%dma_wait3A_547, %dma_wait3A_548] : memref<10000x128xf32, #tpu.memory_space<hbm>> -> memref<128x128xf32, #tpu.memory_space<hbm>>
        %dma_wait3A_550 = arith.constant 0 : i32
        %dma_wait3A_551 = arith.constant 0 : i32
        %dma_wait3A_552 = tpu.memref_slice %arg3[%dma_wait3A_550, %dma_wait3A_551] : memref<10000x128xf32, #tpu.memory_space<hbm>> -> memref<128x128xf32, #tpu.memory_space<hbm>>
        tpu.wait_dma2 semaphore(%arg20 : memref<!tpu.dma_semaphore, #tpu.memory_space<semaphore_mem>>) src(%dma_wait3A_552 : memref<128x128xf32, #tpu.memory_space<hbm>>) dst(%arg6 : memref<128x128xf32, #tpu.memory_space<vmem>>)
      } else {
      }
      %convert_element_type3A_485 = arith.extui %lt3A_478 : i1 to i32
      %cond3A_486 = arith.constant 0 : i32
      %cond3A_487 = arith.cmpi ne, %convert_element_type3A_485, %cond3A_486 : i32
      scf.if %cond3A_487 {
        %add3A_547 = arith.constant 2 : i32
        %add3A_548 = arith.addi %add3A_471, %add3A_547 : i32
        %mul3A_549 = arith.constant 32 : i32
        %mul3A_550 = arith.muli %add3A_548, %mul3A_549 : i32
        %add3A_551 = arith.addi %add3A, %mul3A_550 : i32
        %dma_start3A_552 = arith.constant 0 : i32
        %dma_start3A_553 = arith.constant 0 : i32
        %dma_start3A_554 = tpu.memref_slice %arg2[%add3A_551, %dma_start3A_552, %dma_start3A_553] : memref<2560x2x128xi32, #tpu.memory_space<hbm>> -> memref<1x2x128xi32, #tpu.memory_space<hbm>>
        %dma_start3A_555 = tpu.memref_squeeze %dma_start3A_554 : memref<1x2x128xi32, #tpu.memory_space<hbm>> -> memref<2x128xi32, #tpu.memory_space<hbm>>
        %dma_start3A_556 = arith.constant 0 : i32
        %dma_start3A_557 = arith.constant 0 : i32
        %dma_start3A_558 = tpu.memref_slice %arg2[%add3A_551, %dma_start3A_556, %dma_start3A_557] : memref<2560x2x128xi32, #tpu.memory_space<hbm>> -> memref<1x2x128xi32, #tpu.memory_space<hbm>>
        %dma_start3A_559 = tpu.memref_squeeze %dma_start3A_558 : memref<1x2x128xi32, #tpu.memory_space<hbm>> -> memref<2x128xi32, #tpu.memory_space<hbm>>
        tpu.enqueue_dma source(%dma_start3A_559 : memref<2x128xi32, #tpu.memory_space<hbm>>) target(%arg11 : memref<2x128xi32, #tpu.memory_space<vmem>>) target_semaphore(%arg18 : memref<!tpu.dma_semaphore, #tpu.memory_space<semaphore_mem>>)
      } else {
      }
      %convert_element_type3A_488 = arith.extui %lt3A_475 : i1 to i32
      %cond3A_489 = arith.constant 0 : i32
      %cond3A_490 = arith.cmpi ne, %convert_element_type3A_488, %cond3A_489 : i32
      scf.if %cond3A_490 {
        %dma_wait3A_547 = arith.constant 0 : i32
        %dma_wait3A_548 = arith.constant 0 : i32
        %dma_wait3A_549 = arith.constant 0 : i32
        %dma_wait3A_550 = tpu.memref_slice %arg2[%dma_wait3A_547, %dma_wait3A_548, %dma_wait3A_549] : memref<2560x2x128xi32, #tpu.memory_space<hbm>> -> memref<1x2x128xi32, #tpu.memory_space<hbm>>
        %dma_wait3A_551 = tpu.memref_squeeze %dma_wait3A_550 : memref<1x2x128xi32, #tpu.memory_space<hbm>> -> memref<2x128xi32, #tpu.memory_space<hbm>>
        %dma_wait3A_552 = arith.constant 0 : i32
        %dma_wait3A_553 = arith.constant 0 : i32
        %dma_wait3A_554 = tpu.memref_slice %arg2[%dma_wait3A_547, %dma_wait3A_552, %dma_wait3A_553] : memref<2560x2x128xi32, #tpu.memory_space<hbm>> -> memref<1x2x128xi32, #tpu.memory_space<hbm>>
        %dma_wait3A_555 = tpu.memref_squeeze %dma_wait3A_554 : memref<1x2x128xi32, #tpu.memory_space<hbm>> -> memref<2x128xi32, #tpu.memory_space<hbm>>
        tpu.wait_dma2 semaphore(%arg17 : memref<!tpu.dma_semaphore, #tpu.memory_space<semaphore_mem>>) src(%dma_wait3A_555 : memref<2x128xi32, #tpu.memory_space<hbm>>) dst(%arg10 : memref<2x128xi32, #tpu.memory_space<vmem>>)
        %dma_start3A_556 = arith.constant 0 : i32
        %dma_start3A_557 = arith.constant 0 : i32
        %dma_start3A_558 = tpu.memref_slice %arg10[%dma_start3A_556, %dma_start3A_557] : memref<2x128xi32, #tpu.memory_space<vmem>> -> memref<1x128xi32, #tpu.memory_space<vmem>>
        %dma_start3A_559 = tpu.memref_squeeze %dma_start3A_558 : memref<1x128xi32, #tpu.memory_space<vmem>> -> memref<128xi32, #tpu.memory_space<vmem>>
        %dma_start3A_560 = arith.constant 0 : i32
        %dma_start3A_561 = arith.constant 0 : i32
        %dma_start3A_562 = tpu.memref_slice %arg3[%dma_start3A_560, %dma_start3A_561] : memref<10000x128xf32, #tpu.memory_space<hbm>> -> memref<10000x128xf32, #tpu.memory_space<hbm>>
        tpu.enqueue_indirect_dma source(%dma_start3A_562 : memref<10000x128xf32, #tpu.memory_space<hbm>>) target(%arg6 : memref<128x128xf32, #tpu.memory_space<vmem>>) offsets(%dma_start3A_559 : memref<128xi32, #tpu.memory_space<vmem>>) semaphore(%arg13 : memref<!tpu.dma_semaphore, #tpu.memory_space<semaphore_mem>>)
      } else {
      }
      %convert_element_type3A_491 = arith.extui %lt3A_472 : i1 to i32
      %cond3A_492 = arith.constant 0 : i32
      %cond3A_493 = arith.cmpi ne, %convert_element_type3A_491, %cond3A_492 : i32
      scf.if %cond3A_493 {
        %dma_wait3A_547 = arith.constant 0 : i32
        %dma_wait3A_548 = arith.constant 0 : i32
        %dma_wait3A_549 = tpu.memref_slice %arg3[%dma_wait3A_547, %dma_wait3A_548] : memref<10000x128xf32, #tpu.memory_space<hbm>> -> memref<128x128xf32, #tpu.memory_space<hbm>>
        %dma_wait3A_550 = arith.constant 0 : i32
        %dma_wait3A_551 = arith.constant 0 : i32
        %dma_wait3A_552 = tpu.memref_slice %arg3[%dma_wait3A_550, %dma_wait3A_551] : memref<10000x128xf32, #tpu.memory_space<hbm>> -> memref<128x128xf32, #tpu.memory_space<hbm>>
        tpu.wait_dma2 semaphore(%arg12 : memref<!tpu.dma_semaphore, #tpu.memory_space<semaphore_mem>>) src(%dma_wait3A_552 : memref<128x128xf32, #tpu.memory_space<hbm>>) dst(%arg5 : memref<128x128xf32, #tpu.memory_space<vmem>>)
        %dma_start3A_553 = arith.constant 1 : i32
        %dma_start3A_554 = arith.constant 0 : i32
        %dma_start3A_555 = tpu.memref_slice %arg9[%dma_start3A_553, %dma_start3A_554] : memref<2x128xi32, #tpu.memory_space<vmem>> -> memref<1x128xi32, #tpu.memory_space<vmem>>
        %dma_start3A_556 = tpu.memref_squeeze %dma_start3A_555 : memref<1x128xi32, #tpu.memory_space<vmem>> -> memref<128xi32, #tpu.memory_space<vmem>>
        %dma_start3A_557 = arith.constant 0 : i32
        %dma_start3A_558 = arith.constant 0 : i32
        %dma_start3A_559 = tpu.memref_slice %arg22[%dma_start3A_557, %dma_start3A_558] : memref<10000x128xf32, #tpu.memory_space<vmem_shared>> -> memref<10000x128xf32, #tpu.memory_space<vmem_shared>>
        tpu.enqueue_indirect_dma source(%arg5 : memref<128x128xf32, #tpu.memory_space<vmem>>) target(%dma_start3A_559 : memref<10000x128xf32, #tpu.memory_space<vmem_shared>>) offsets(%dma_start3A_556 : memref<128xi32, #tpu.memory_space<vmem>>) semaphore(%arg19 : memref<!tpu.dma_semaphore, #tpu.memory_space<semaphore_mem>>) {add = true}
      } else {
      }
      %mul3A_494 = arith.constant 12 : i32
      %mul3A_495 = arith.muli %scan3A_233, %mul3A_494 : i32
      %add3A_496 = arith.constant 10 : i32
      %add3A_497 = arith.addi %mul3A_495, %add3A_496 : i32
      %lt3A_498 = arith.cmpi slt, %add3A_497, %add3A_20 : i32
      %add3A_499 = arith.constant 1 : i32
      %add3A_500 = arith.addi %add3A_497, %add3A_499 : i32
      %lt3A_501 = arith.cmpi slt, %add3A_500, %add3A_20 : i32
      %add3A_502 = arith.constant 2 : i32
      %add3A_503 = arith.addi %add3A_497, %add3A_502 : i32
      %lt3A_504 = arith.cmpi slt, %add3A_503, %add3A_20 : i32
      %ge3A_505 = arith.constant 2 : i32
      %ge3A_506 = arith.cmpi sge, %add3A_497, %ge3A_505 : i32
      %and3A_507 = arith.andi %ge3A_506, %lt3A_498 : i1
      %convert_element_type3A_508 = arith.extui %and3A_507 : i1 to i32
      %cond3A_509 = arith.constant 0 : i32
      %cond3A_510 = arith.cmpi ne, %convert_element_type3A_508, %cond3A_509 : i32
      scf.if %cond3A_510 {
        %dma_wait3A_547 = arith.constant 0 : i32
        %dma_wait3A_548 = arith.constant 0 : i32
        %dma_wait3A_549 = tpu.memref_slice %arg3[%dma_wait3A_547, %dma_wait3A_548] : memref<10000x128xf32, #tpu.memory_space<hbm>> -> memref<128x128xf32, #tpu.memory_space<hbm>>
        %dma_wait3A_550 = arith.constant 0 : i32
        %dma_wait3A_551 = arith.constant 0 : i32
        %dma_wait3A_552 = tpu.memref_slice %arg3[%dma_wait3A_550, %dma_wait3A_551] : memref<10000x128xf32, #tpu.memory_space<hbm>> -> memref<128x128xf32, #tpu.memory_space<hbm>>
        tpu.wait_dma2 semaphore(%arg21 : memref<!tpu.dma_semaphore, #tpu.memory_space<semaphore_mem>>) src(%dma_wait3A_552 : memref<128x128xf32, #tpu.memory_space<hbm>>) dst(%arg7 : memref<128x128xf32, #tpu.memory_space<vmem>>)
      } else {
      }
      %convert_element_type3A_511 = arith.extui %lt3A_504 : i1 to i32
      %cond3A_512 = arith.constant 0 : i32
      %cond3A_513 = arith.cmpi ne, %convert_element_type3A_511, %cond3A_512 : i32
      scf.if %cond3A_513 {
        %add3A_547 = arith.constant 2 : i32
        %add3A_548 = arith.addi %add3A_497, %add3A_547 : i32
        %mul3A_549 = arith.constant 32 : i32
        %mul3A_550 = arith.muli %add3A_548, %mul3A_549 : i32
        %add3A_551 = arith.addi %add3A, %mul3A_550 : i32
        %dma_start3A_552 = arith.constant 0 : i32
        %dma_start3A_553 = arith.constant 0 : i32
        %dma_start3A_554 = tpu.memref_slice %arg2[%add3A_551, %dma_start3A_552, %dma_start3A_553] : memref<2560x2x128xi32, #tpu.memory_space<hbm>> -> memref<1x2x128xi32, #tpu.memory_space<hbm>>
        %dma_start3A_555 = tpu.memref_squeeze %dma_start3A_554 : memref<1x2x128xi32, #tpu.memory_space<hbm>> -> memref<2x128xi32, #tpu.memory_space<hbm>>
        %dma_start3A_556 = arith.constant 0 : i32
        %dma_start3A_557 = arith.constant 0 : i32
        %dma_start3A_558 = tpu.memref_slice %arg2[%add3A_551, %dma_start3A_556, %dma_start3A_557] : memref<2560x2x128xi32, #tpu.memory_space<hbm>> -> memref<1x2x128xi32, #tpu.memory_space<hbm>>
        %dma_start3A_559 = tpu.memref_squeeze %dma_start3A_558 : memref<1x2x128xi32, #tpu.memory_space<hbm>> -> memref<2x128xi32, #tpu.memory_space<hbm>>
        tpu.enqueue_dma source(%dma_start3A_559 : memref<2x128xi32, #tpu.memory_space<hbm>>) target(%arg8 : memref<2x128xi32, #tpu.memory_space<vmem>>) target_semaphore(%arg15 : memref<!tpu.dma_semaphore, #tpu.memory_space<semaphore_mem>>)
      } else {
      }
      %convert_element_type3A_514 = arith.extui %lt3A_501 : i1 to i32
      %cond3A_515 = arith.constant 0 : i32
      %cond3A_516 = arith.cmpi ne, %convert_element_type3A_514, %cond3A_515 : i32
      scf.if %cond3A_516 {
        %dma_wait3A_547 = arith.constant 0 : i32
        %dma_wait3A_548 = arith.constant 0 : i32
        %dma_wait3A_549 = arith.constant 0 : i32
        %dma_wait3A_550 = tpu.memref_slice %arg2[%dma_wait3A_547, %dma_wait3A_548, %dma_wait3A_549] : memref<2560x2x128xi32, #tpu.memory_space<hbm>> -> memref<1x2x128xi32, #tpu.memory_space<hbm>>
        %dma_wait3A_551 = tpu.memref_squeeze %dma_wait3A_550 : memref<1x2x128xi32, #tpu.memory_space<hbm>> -> memref<2x128xi32, #tpu.memory_space<hbm>>
        %dma_wait3A_552 = arith.constant 0 : i32
        %dma_wait3A_553 = arith.constant 0 : i32
        %dma_wait3A_554 = tpu.memref_slice %arg2[%dma_wait3A_547, %dma_wait3A_552, %dma_wait3A_553] : memref<2560x2x128xi32, #tpu.memory_space<hbm>> -> memref<1x2x128xi32, #tpu.memory_space<hbm>>
        %dma_wait3A_555 = tpu.memref_squeeze %dma_wait3A_554 : memref<1x2x128xi32, #tpu.memory_space<hbm>> -> memref<2x128xi32, #tpu.memory_space<hbm>>
        tpu.wait_dma2 semaphore(%arg18 : memref<!tpu.dma_semaphore, #tpu.memory_space<semaphore_mem>>) src(%dma_wait3A_555 : memref<2x128xi32, #tpu.memory_space<hbm>>) dst(%arg11 : memref<2x128xi32, #tpu.memory_space<vmem>>)
        %dma_start3A_556 = arith.constant 0 : i32
        %dma_start3A_557 = arith.constant 0 : i32
        %dma_start3A_558 = tpu.memref_slice %arg11[%dma_start3A_556, %dma_start3A_557] : memref<2x128xi32, #tpu.memory_space<vmem>> -> memref<1x128xi32, #tpu.memory_space<vmem>>
        %dma_start3A_559 = tpu.memref_squeeze %dma_start3A_558 : memref<1x128xi32, #tpu.memory_space<vmem>> -> memref<128xi32, #tpu.memory_space<vmem>>
        %dma_start3A_560 = arith.constant 0 : i32
        %dma_start3A_561 = arith.constant 0 : i32
        %dma_start3A_562 = tpu.memref_slice %arg3[%dma_start3A_560, %dma_start3A_561] : memref<10000x128xf32, #tpu.memory_space<hbm>> -> memref<10000x128xf32, #tpu.memory_space<hbm>>
        tpu.enqueue_indirect_dma source(%dma_start3A_562 : memref<10000x128xf32, #tpu.memory_space<hbm>>) target(%arg7 : memref<128x128xf32, #tpu.memory_space<vmem>>) offsets(%dma_start3A_559 : memref<128xi32, #tpu.memory_space<vmem>>) semaphore(%arg14 : memref<!tpu.dma_semaphore, #tpu.memory_space<semaphore_mem>>)
      } else {
      }
      %convert_element_type3A_517 = arith.extui %lt3A_498 : i1 to i32
      %cond3A_518 = arith.constant 0 : i32
      %cond3A_519 = arith.cmpi ne, %convert_element_type3A_517, %cond3A_518 : i32
      scf.if %cond3A_519 {
        %dma_wait3A_547 = arith.constant 0 : i32
        %dma_wait3A_548 = arith.constant 0 : i32
        %dma_wait3A_549 = tpu.memref_slice %arg3[%dma_wait3A_547, %dma_wait3A_548] : memref<10000x128xf32, #tpu.memory_space<hbm>> -> memref<128x128xf32, #tpu.memory_space<hbm>>
        %dma_wait3A_550 = arith.constant 0 : i32
        %dma_wait3A_551 = arith.constant 0 : i32
        %dma_wait3A_552 = tpu.memref_slice %arg3[%dma_wait3A_550, %dma_wait3A_551] : memref<10000x128xf32, #tpu.memory_space<hbm>> -> memref<128x128xf32, #tpu.memory_space<hbm>>
        tpu.wait_dma2 semaphore(%arg13 : memref<!tpu.dma_semaphore, #tpu.memory_space<semaphore_mem>>) src(%dma_wait3A_552 : memref<128x128xf32, #tpu.memory_space<hbm>>) dst(%arg6 : memref<128x128xf32, #tpu.memory_space<vmem>>)
        %dma_start3A_553 = arith.constant 1 : i32
        %dma_start3A_554 = arith.constant 0 : i32
        %dma_start3A_555 = tpu.memref_slice %arg10[%dma_start3A_553, %dma_start3A_554] : memref<2x128xi32, #tpu.memory_space<vmem>> -> memref<1x128xi32, #tpu.memory_space<vmem>>
        %dma_start3A_556 = tpu.memref_squeeze %dma_start3A_555 : memref<1x128xi32, #tpu.memory_space<vmem>> -> memref<128xi32, #tpu.memory_space<vmem>>
        %dma_start3A_557 = arith.constant 0 : i32
        %dma_start3A_558 = arith.constant 0 : i32
        %dma_start3A_559 = tpu.memref_slice %arg22[%dma_start3A_557, %dma_start3A_558] : memref<10000x128xf32, #tpu.memory_space<vmem_shared>> -> memref<10000x128xf32, #tpu.memory_space<vmem_shared>>
        tpu.enqueue_indirect_dma source(%arg6 : memref<128x128xf32, #tpu.memory_space<vmem>>) target(%dma_start3A_559 : memref<10000x128xf32, #tpu.memory_space<vmem_shared>>) offsets(%dma_start3A_556 : memref<128xi32, #tpu.memory_space<vmem>>) semaphore(%arg20 : memref<!tpu.dma_semaphore, #tpu.memory_space<semaphore_mem>>) {add = true}
      } else {
      }
      %mul3A_520 = arith.constant 12 : i32
      %mul3A_521 = arith.muli %scan3A_233, %mul3A_520 : i32
      %add3A_522 = arith.constant 11 : i32
      %add3A_523 = arith.addi %mul3A_521, %add3A_522 : i32
      %lt3A_524 = arith.cmpi slt, %add3A_523, %add3A_20 : i32
      %add3A_525 = arith.constant 1 : i32
      %add3A_526 = arith.addi %add3A_523, %add3A_525 : i32
      %lt3A_527 = arith.cmpi slt, %add3A_526, %add3A_20 : i32
      %add3A_528 = arith.constant 2 : i32
      %add3A_529 = arith.addi %add3A_523, %add3A_528 : i32
      %lt3A_530 = arith.cmpi slt, %add3A_529, %add3A_20 : i32
      %ge3A_531 = arith.constant 2 : i32
      %ge3A_532 = arith.cmpi sge, %add3A_523, %ge3A_531 : i32
      %and3A_533 = arith.andi %ge3A_532, %lt3A_524 : i1
      %convert_element_type3A_534 = arith.extui %and3A_533 : i1 to i32
      %cond3A_535 = arith.constant 0 : i32
      %cond3A_536 = arith.cmpi ne, %convert_element_type3A_534, %cond3A_535 : i32
      scf.if %cond3A_536 {
        %dma_wait3A_547 = arith.constant 0 : i32
        %dma_wait3A_548 = arith.constant 0 : i32
        %dma_wait3A_549 = tpu.memref_slice %arg3[%dma_wait3A_547, %dma_wait3A_548] : memref<10000x128xf32, #tpu.memory_space<hbm>> -> memref<128x128xf32, #tpu.memory_space<hbm>>
        %dma_wait3A_550 = arith.constant 0 : i32
        %dma_wait3A_551 = arith.constant 0 : i32
        %dma_wait3A_552 = tpu.memref_slice %arg3[%dma_wait3A_550, %dma_wait3A_551] : memref<10000x128xf32, #tpu.memory_space<hbm>> -> memref<128x128xf32, #tpu.memory_space<hbm>>
        tpu.wait_dma2 semaphore(%arg19 : memref<!tpu.dma_semaphore, #tpu.memory_space<semaphore_mem>>) src(%dma_wait3A_552 : memref<128x128xf32, #tpu.memory_space<hbm>>) dst(%arg5 : memref<128x128xf32, #tpu.memory_space<vmem>>)
      } else {
      }
      %convert_element_type3A_537 = arith.extui %lt3A_530 : i1 to i32
      %cond3A_538 = arith.constant 0 : i32
      %cond3A_539 = arith.cmpi ne, %convert_element_type3A_537, %cond3A_538 : i32
      scf.if %cond3A_539 {
        %add3A_547 = arith.constant 2 : i32
        %add3A_548 = arith.addi %add3A_523, %add3A_547 : i32
        %mul3A_549 = arith.constant 32 : i32
        %mul3A_550 = arith.muli %add3A_548, %mul3A_549 : i32
        %add3A_551 = arith.addi %add3A, %mul3A_550 : i32
        %dma_start3A_552 = arith.constant 0 : i32
        %dma_start3A_553 = arith.constant 0 : i32
        %dma_start3A_554 = tpu.memref_slice %arg2[%add3A_551, %dma_start3A_552, %dma_start3A_553] : memref<2560x2x128xi32, #tpu.memory_space<hbm>> -> memref<1x2x128xi32, #tpu.memory_space<hbm>>
        %dma_start3A_555 = tpu.memref_squeeze %dma_start3A_554 : memref<1x2x128xi32, #tpu.memory_space<hbm>> -> memref<2x128xi32, #tpu.memory_space<hbm>>
        %dma_start3A_556 = arith.constant 0 : i32
        %dma_start3A_557 = arith.constant 0 : i32
        %dma_start3A_558 = tpu.memref_slice %arg2[%add3A_551, %dma_start3A_556, %dma_start3A_557] : memref<2560x2x128xi32, #tpu.memory_space<hbm>> -> memref<1x2x128xi32, #tpu.memory_space<hbm>>
        %dma_start3A_559 = tpu.memref_squeeze %dma_start3A_558 : memref<1x2x128xi32, #tpu.memory_space<hbm>> -> memref<2x128xi32, #tpu.memory_space<hbm>>
        tpu.enqueue_dma source(%dma_start3A_559 : memref<2x128xi32, #tpu.memory_space<hbm>>) target(%arg9 : memref<2x128xi32, #tpu.memory_space<vmem>>) target_semaphore(%arg16 : memref<!tpu.dma_semaphore, #tpu.memory_space<semaphore_mem>>)
      } else {
      }
      %convert_element_type3A_540 = arith.extui %lt3A_527 : i1 to i32
      %cond3A_541 = arith.constant 0 : i32
      %cond3A_542 = arith.cmpi ne, %convert_element_type3A_540, %cond3A_541 : i32
      scf.if %cond3A_542 {
        %dma_wait3A_547 = arith.constant 0 : i32
        %dma_wait3A_548 = arith.constant 0 : i32
        %dma_wait3A_549 = arith.constant 0 : i32
        %dma_wait3A_550 = tpu.memref_slice %arg2[%dma_wait3A_547, %dma_wait3A_548, %dma_wait3A_549] : memref<2560x2x128xi32, #tpu.memory_space<hbm>> -> memref<1x2x128xi32, #tpu.memory_space<hbm>>
        %dma_wait3A_551 = tpu.memref_squeeze %dma_wait3A_550 : memref<1x2x128xi32, #tpu.memory_space<hbm>> -> memref<2x128xi32, #tpu.memory_space<hbm>>
        %dma_wait3A_552 = arith.constant 0 : i32
        %dma_wait3A_553 = arith.constant 0 : i32
        %dma_wait3A_554 = tpu.memref_slice %arg2[%dma_wait3A_547, %dma_wait3A_552, %dma_wait3A_553] : memref<2560x2x128xi32, #tpu.memory_space<hbm>> -> memref<1x2x128xi32, #tpu.memory_space<hbm>>
        %dma_wait3A_555 = tpu.memref_squeeze %dma_wait3A_554 : memref<1x2x128xi32, #tpu.memory_space<hbm>> -> memref<2x128xi32, #tpu.memory_space<hbm>>
        tpu.wait_dma2 semaphore(%arg15 : memref<!tpu.dma_semaphore, #tpu.memory_space<semaphore_mem>>) src(%dma_wait3A_555 : memref<2x128xi32, #tpu.memory_space<hbm>>) dst(%arg8 : memref<2x128xi32, #tpu.memory_space<vmem>>)
        %dma_start3A_556 = arith.constant 0 : i32
        %dma_start3A_557 = arith.constant 0 : i32
        %dma_start3A_558 = tpu.memref_slice %arg8[%dma_start3A_556, %dma_start3A_557] : memref<2x128xi32, #tpu.memory_space<vmem>> -> memref<1x128xi32, #tpu.memory_space<vmem>>
        %dma_start3A_559 = tpu.memref_squeeze %dma_start3A_558 : memref<1x128xi32, #tpu.memory_space<vmem>> -> memref<128xi32, #tpu.memory_space<vmem>>
        %dma_start3A_560 = arith.constant 0 : i32
        %dma_start3A_561 = arith.constant 0 : i32
        %dma_start3A_562 = tpu.memref_slice %arg3[%dma_start3A_560, %dma_start3A_561] : memref<10000x128xf32, #tpu.memory_space<hbm>> -> memref<10000x128xf32, #tpu.memory_space<hbm>>
        tpu.enqueue_indirect_dma source(%dma_start3A_562 : memref<10000x128xf32, #tpu.memory_space<hbm>>) target(%arg5 : memref<128x128xf32, #tpu.memory_space<vmem>>) offsets(%dma_start3A_559 : memref<128xi32, #tpu.memory_space<vmem>>) semaphore(%arg12 : memref<!tpu.dma_semaphore, #tpu.memory_space<semaphore_mem>>)
      } else {
      }
      %convert_element_type3A_543 = arith.extui %lt3A_524 : i1 to i32
      %cond3A_544 = arith.constant 0 : i32
      %cond3A_545 = arith.cmpi ne, %convert_element_type3A_543, %cond3A_544 : i32
      scf.if %cond3A_545 {
        %dma_wait3A_547 = arith.constant 0 : i32
        %dma_wait3A_548 = arith.constant 0 : i32
        %dma_wait3A_549 = tpu.memref_slice %arg3[%dma_wait3A_547, %dma_wait3A_548] : memref<10000x128xf32, #tpu.memory_space<hbm>> -> memref<128x128xf32, #tpu.memory_space<hbm>>
        %dma_wait3A_550 = arith.constant 0 : i32
        %dma_wait3A_551 = arith.constant 0 : i32
        %dma_wait3A_552 = tpu.memref_slice %arg3[%dma_wait3A_550, %dma_wait3A_551] : memref<10000x128xf32, #tpu.memory_space<hbm>> -> memref<128x128xf32, #tpu.memory_space<hbm>>
        tpu.wait_dma2 semaphore(%arg14 : memref<!tpu.dma_semaphore, #tpu.memory_space<semaphore_mem>>) src(%dma_wait3A_552 : memref<128x128xf32, #tpu.memory_space<hbm>>) dst(%arg7 : memref<128x128xf32, #tpu.memory_space<vmem>>)
        %dma_start3A_553 = arith.constant 1 : i32
        %dma_start3A_554 = arith.constant 0 : i32
        %dma_start3A_555 = tpu.memref_slice %arg11[%dma_start3A_553, %dma_start3A_554] : memref<2x128xi32, #tpu.memory_space<vmem>> -> memref<1x128xi32, #tpu.memory_space<vmem>>
        %dma_start3A_556 = tpu.memref_squeeze %dma_start3A_555 : memref<1x128xi32, #tpu.memory_space<vmem>> -> memref<128xi32, #tpu.memory_space<vmem>>
        %dma_start3A_557 = arith.constant 0 : i32
        %dma_start3A_558 = arith.constant 0 : i32
        %dma_start3A_559 = tpu.memref_slice %arg22[%dma_start3A_557, %dma_start3A_558] : memref<10000x128xf32, #tpu.memory_space<vmem_shared>> -> memref<10000x128xf32, #tpu.memory_space<vmem_shared>>
        tpu.enqueue_indirect_dma source(%arg7 : memref<128x128xf32, #tpu.memory_space<vmem>>) target(%dma_start3A_559 : memref<10000x128xf32, #tpu.memory_space<vmem_shared>>) offsets(%dma_start3A_556 : memref<128xi32, #tpu.memory_space<vmem>>) semaphore(%arg21 : memref<!tpu.dma_semaphore, #tpu.memory_space<semaphore_mem>>) {add = true}
      } else {
      }
      %scan3A_546 = arith.constant 0 : i32
      scf.yield %scan3A_546 : i32
    }
    %scan3A_87 = arith.constant 7 : i32
    %sub3A_88 = arith.constant 1 : i32
    %sub3A_89 = arith.subi %add3A_20, %sub3A_88 : i32
    %jit3A_90 = arith.constant 3 : i32
    %eq3A_91 = arith.constant 0 : i32
    %eq3A_92 = arith.cmpi eq, %jit3A_90, %eq3A_91 : i32
    %jit3A_93 = arith.constant 1 : i32
    %select_n3A_94 = arith.select %eq3A_92, %jit3A_93, %jit3A_90 : i32
    %rem3A_95 = arith.remsi %sub3A_89, %select_n3A_94 : i32
    %ne3A_96 = arith.constant 0 : i32
    %ne3A_97 = arith.cmpi ne, %rem3A_95, %ne3A_96 : i32
    %lt3A_98 = arith.constant 0 : i32
    %lt3A_99 = arith.cmpi slt, %rem3A_95, %lt3A_98 : i32
    %lt3A_100 = arith.constant 0 : i32
    %lt3A_101 = arith.cmpi slt, %select_n3A_94, %lt3A_100 : i32
    %ne3A_102 = arith.xori %lt3A_99, %lt3A_101 : i1
    %and3A_103 = arith.andi %ne3A_102, %ne3A_97 : i1
    %add3A_104 = arith.addi %rem3A_95, %select_n3A_94 : i32
    %select_n3A_105 = arith.select %and3A_103, %add3A_104, %rem3A_95 : i32
    %eq3A_106 = arith.constant 0 : i32
    %eq3A_107 = arith.cmpi eq, %select_n3A_105, %eq3A_106 : i32
    %sub3A_108 = arith.constant 1 : i32
    %sub3A_109 = arith.subi %sub3A_89, %sub3A_108 : i32
    %jit3A_110 = arith.constant 3 : i32
    %eq3A_111 = arith.constant 0 : i32
    %eq3A_112 = arith.cmpi eq, %jit3A_110, %eq3A_111 : i32
    %jit3A_113 = arith.constant 1 : i32
    %select_n3A_114 = arith.select %eq3A_112, %jit3A_113, %jit3A_110 : i32
    %rem3A_115 = arith.remsi %sub3A_109, %select_n3A_114 : i32
    %ne3A_116 = arith.constant 0 : i32
    %ne3A_117 = arith.cmpi ne, %rem3A_115, %ne3A_116 : i32
    %lt3A_118 = arith.constant 0 : i32
    %lt3A_119 = arith.cmpi slt, %rem3A_115, %lt3A_118 : i32
    %lt3A_120 = arith.constant 0 : i32
    %lt3A_121 = arith.cmpi slt, %select_n3A_114, %lt3A_120 : i32
    %ne3A_122 = arith.xori %lt3A_119, %lt3A_121 : i1
    %and3A_123 = arith.andi %ne3A_122, %ne3A_117 : i1
    %add3A_124 = arith.addi %rem3A_115, %select_n3A_114 : i32
    %select_n3A_125 = arith.select %and3A_123, %add3A_124, %rem3A_115 : i32
    %eq3A_126 = arith.constant 0 : i32
    %eq3A_127 = arith.cmpi eq, %select_n3A_125, %eq3A_126 : i32
    %or3A = arith.ori %eq3A_107, %eq3A_127 : i1
    %convert_element_type3A_128 = arith.extui %or3A : i1 to i32
    %cond3A_129 = arith.constant 0 : i32
    %cond3A_130 = arith.cmpi ne, %convert_element_type3A_128, %cond3A_129 : i32
    scf.if %cond3A_130 {
      %dma_wait3A_233 = arith.constant 0 : i32
      %dma_wait3A_234 = arith.constant 0 : i32
      %dma_wait3A_235 = tpu.memref_slice %arg3[%dma_wait3A_233, %dma_wait3A_234] : memref<10000x128xf32, #tpu.memory_space<hbm>> -> memref<128x128xf32, #tpu.memory_space<hbm>>
      %dma_wait3A_236 = arith.constant 0 : i32
      %dma_wait3A_237 = arith.constant 0 : i32
      %dma_wait3A_238 = tpu.memref_slice %arg3[%dma_wait3A_236, %dma_wait3A_237] : memref<10000x128xf32, #tpu.memory_space<hbm>> -> memref<128x128xf32, #tpu.memory_space<hbm>>
      tpu.wait_dma2 semaphore(%arg19 : memref<!tpu.dma_semaphore, #tpu.memory_space<semaphore_mem>>) src(%dma_wait3A_238 : memref<128x128xf32, #tpu.memory_space<hbm>>) dst(%arg5 : memref<128x128xf32, #tpu.memory_space<vmem>>)
    } else {
    }
    %jit3A_131 = arith.constant 3 : i32
    %eq3A_132 = arith.constant 0 : i32
    %eq3A_133 = arith.cmpi eq, %jit3A_131, %eq3A_132 : i32
    %jit3A_134 = arith.constant 1 : i32
    %select_n3A_135 = arith.select %eq3A_133, %jit3A_134, %jit3A_131 : i32
    %rem3A_136 = arith.remsi %sub3A_89, %select_n3A_135 : i32
    %ne3A_137 = arith.constant 0 : i32
    %ne3A_138 = arith.cmpi ne, %rem3A_136, %ne3A_137 : i32
    %lt3A_139 = arith.constant 0 : i32
    %lt3A_140 = arith.cmpi slt, %rem3A_136, %lt3A_139 : i32
    %lt3A_141 = arith.constant 0 : i32
    %lt3A_142 = arith.cmpi slt, %select_n3A_135, %lt3A_141 : i32
    %ne3A_143 = arith.xori %lt3A_140, %lt3A_142 : i1
    %and3A_144 = arith.andi %ne3A_143, %ne3A_138 : i1
    %add3A_145 = arith.addi %rem3A_136, %select_n3A_135 : i32
    %select_n3A_146 = arith.select %and3A_144, %add3A_145, %rem3A_136 : i32
    %eq3A_147 = arith.constant 1 : i32
    %eq3A_148 = arith.cmpi eq, %select_n3A_146, %eq3A_147 : i32
    %sub3A_149 = arith.constant 1 : i32
    %sub3A_150 = arith.subi %sub3A_89, %sub3A_149 : i32
    %jit3A_151 = arith.constant 3 : i32
    %eq3A_152 = arith.constant 0 : i32
    %eq3A_153 = arith.cmpi eq, %jit3A_151, %eq3A_152 : i32
    %jit3A_154 = arith.constant 1 : i32
    %select_n3A_155 = arith.select %eq3A_153, %jit3A_154, %jit3A_151 : i32
    %rem3A_156 = arith.remsi %sub3A_150, %select_n3A_155 : i32
    %ne3A_157 = arith.constant 0 : i32
    %ne3A_158 = arith.cmpi ne, %rem3A_156, %ne3A_157 : i32
    %lt3A_159 = arith.constant 0 : i32
    %lt3A_160 = arith.cmpi slt, %rem3A_156, %lt3A_159 : i32
    %lt3A_161 = arith.constant 0 : i32
    %lt3A_162 = arith.cmpi slt, %select_n3A_155, %lt3A_161 : i32
    %ne3A_163 = arith.xori %lt3A_160, %lt3A_162 : i1
    %and3A_164 = arith.andi %ne3A_163, %ne3A_158 : i1
    %add3A_165 = arith.addi %rem3A_156, %select_n3A_155 : i32
    %select_n3A_166 = arith.select %and3A_164, %add3A_165, %rem3A_156 : i32
    %eq3A_167 = arith.constant 1 : i32
    %eq3A_168 = arith.cmpi eq, %select_n3A_166, %eq3A_167 : i32
    %or3A_169 = arith.ori %eq3A_148, %eq3A_168 : i1
    %convert_element_type3A_170 = arith.extui %or3A_169 : i1 to i32
    %cond3A_171 = arith.constant 0 : i32
    %cond3A_172 = arith.cmpi ne, %convert_element_type3A_170, %cond3A_171 : i32
    scf.if %cond3A_172 {
      %dma_wait3A_233 = arith.constant 0 : i32
      %dma_wait3A_234 = arith.constant 0 : i32
      %dma_wait3A_235 = tpu.memref_slice %arg3[%dma_wait3A_233, %dma_wait3A_234] : memref<10000x128xf32, #tpu.memory_space<hbm>> -> memref<128x128xf32, #tpu.memory_space<hbm>>
      %dma_wait3A_236 = arith.constant 0 : i32
      %dma_wait3A_237 = arith.constant 0 : i32
      %dma_wait3A_238 = tpu.memref_slice %arg3[%dma_wait3A_236, %dma_wait3A_237] : memref<10000x128xf32, #tpu.memory_space<hbm>> -> memref<128x128xf32, #tpu.memory_space<hbm>>
      tpu.wait_dma2 semaphore(%arg20 : memref<!tpu.dma_semaphore, #tpu.memory_space<semaphore_mem>>) src(%dma_wait3A_238 : memref<128x128xf32, #tpu.memory_space<hbm>>) dst(%arg6 : memref<128x128xf32, #tpu.memory_space<vmem>>)
    } else {
    }
    %jit3A_173 = arith.constant 3 : i32
    %eq3A_174 = arith.constant 0 : i32
    %eq3A_175 = arith.cmpi eq, %jit3A_173, %eq3A_174 : i32
    %jit3A_176 = arith.constant 1 : i32
    %select_n3A_177 = arith.select %eq3A_175, %jit3A_176, %jit3A_173 : i32
    %rem3A_178 = arith.remsi %sub3A_89, %select_n3A_177 : i32
    %ne3A_179 = arith.constant 0 : i32
    %ne3A_180 = arith.cmpi ne, %rem3A_178, %ne3A_179 : i32
    %lt3A_181 = arith.constant 0 : i32
    %lt3A_182 = arith.cmpi slt, %rem3A_178, %lt3A_181 : i32
    %lt3A_183 = arith.constant 0 : i32
    %lt3A_184 = arith.cmpi slt, %select_n3A_177, %lt3A_183 : i32
    %ne3A_185 = arith.xori %lt3A_182, %lt3A_184 : i1
    %and3A_186 = arith.andi %ne3A_185, %ne3A_180 : i1
    %add3A_187 = arith.addi %rem3A_178, %select_n3A_177 : i32
    %select_n3A_188 = arith.select %and3A_186, %add3A_187, %rem3A_178 : i32
    %eq3A_189 = arith.constant 2 : i32
    %eq3A_190 = arith.cmpi eq, %select_n3A_188, %eq3A_189 : i32
    %sub3A_191 = arith.constant 1 : i32
    %sub3A_192 = arith.subi %sub3A_89, %sub3A_191 : i32
    %jit3A_193 = arith.constant 3 : i32
    %eq3A_194 = arith.constant 0 : i32
    %eq3A_195 = arith.cmpi eq, %jit3A_193, %eq3A_194 : i32
    %jit3A_196 = arith.constant 1 : i32
    %select_n3A_197 = arith.select %eq3A_195, %jit3A_196, %jit3A_193 : i32
    %rem3A_198 = arith.remsi %sub3A_192, %select_n3A_197 : i32
    %ne3A_199 = arith.constant 0 : i32
    %ne3A_200 = arith.cmpi ne, %rem3A_198, %ne3A_199 : i32
    %lt3A_201 = arith.constant 0 : i32
    %lt3A_202 = arith.cmpi slt, %rem3A_198, %lt3A_201 : i32
    %lt3A_203 = arith.constant 0 : i32
    %lt3A_204 = arith.cmpi slt, %select_n3A_197, %lt3A_203 : i32
    %ne3A_205 = arith.xori %lt3A_202, %lt3A_204 : i1
    %and3A_206 = arith.andi %ne3A_205, %ne3A_200 : i1
    %add3A_207 = arith.addi %rem3A_198, %select_n3A_197 : i32
    %select_n3A_208 = arith.select %and3A_206, %add3A_207, %rem3A_198 : i32
    %eq3A_209 = arith.constant 2 : i32
    %eq3A_210 = arith.cmpi eq, %select_n3A_208, %eq3A_209 : i32
    %or3A_211 = arith.ori %eq3A_190, %eq3A_210 : i1
    %convert_element_type3A_212 = arith.extui %or3A_211 : i1 to i32
    %cond3A_213 = arith.constant 0 : i32
    %cond3A_214 = arith.cmpi ne, %convert_element_type3A_212, %cond3A_213 : i32
    scf.if %cond3A_214 {
      %dma_wait3A_233 = arith.constant 0 : i32
      %dma_wait3A_234 = arith.constant 0 : i32
      %dma_wait3A_235 = tpu.memref_slice %arg3[%dma_wait3A_233, %dma_wait3A_234] : memref<10000x128xf32, #tpu.memory_space<hbm>> -> memref<128x128xf32, #tpu.memory_space<hbm>>
      %dma_wait3A_236 = arith.constant 0 : i32
      %dma_wait3A_237 = arith.constant 0 : i32
      %dma_wait3A_238 = tpu.memref_slice %arg3[%dma_wait3A_236, %dma_wait3A_237] : memref<10000x128xf32, #tpu.memory_space<hbm>> -> memref<128x128xf32, #tpu.memory_space<hbm>>
      tpu.wait_dma2 semaphore(%arg21 : memref<!tpu.dma_semaphore, #tpu.memory_space<semaphore_mem>>) src(%dma_wait3A_238 : memref<128x128xf32, #tpu.memory_space<hbm>>) dst(%arg7 : memref<128x128xf32, #tpu.memory_space<vmem>>)
    } else {
    }
    %barrier3A_215 = arith.constant 0 : index
    tpu.barrier barrier_id(%barrier3A_215)
    %while3A_216 = arith.constant 0 : i32
    %while3A_217 = arith.constant 0 : i32
    %while3A_218 = arith.subi %add3A_52, %while3A_216 : i32
    %while3A_219 = arith.addi %while3A_216, %while3A_218 : i32
    %while3A_220 = arith.constant 1 : i32
    %while3A_221 = arith.divsi %while3A_218, %while3A_220 : i32
    %while3A_222 = arith.muli %while3A_221, %while3A_220 : i32
    %while3A_223 = arith.addi %while3A_216, %while3A_222 : i32
    %while3A_224 = arith.constant 1 : i32
    %while3A_225 = scf.for %while3A_233 = %while3A_216 to %while3A_223 step %while3A_224 iter_args(%while3A_234 = %while3A_217) -> (i32)  : i32 {
      %mul3A_235 = arith.constant 16 : i32
      %mul3A_236 = arith.muli %while3A_233, %mul3A_235 : i32
      %add3A_237 = arith.addi %arg1, %mul3A_236 : i32
      %mul3A_238 = arith.constant 128 : i32
      %mul3A_239 = arith.muli %add3A_237, %mul3A_238 : i32
      %mul3A_240 = arith.constant 10000 : i32
      %mul3A_241 = arith.muli %arg0, %mul3A_240 : i32
      %add3A_242 = arith.addi %mul3A_241, %mul3A_239 : i32
      "tpu.region"() ({
        %run_scoped3A = tpu.sem_alloc : memref<!tpu.dma_semaphore, #tpu.memory_space<semaphore_mem>>
        %dma_start3A_244 = arith.constant 0 : i32
        %dma_start3A_245 = tpu.memref_slice %arg4[%add3A_242, %dma_start3A_244] : memref<20000x128xf32, #tpu.memory_space<hbm>> -> memref<128x128xf32, #tpu.memory_space<hbm>>
        %dma_start3A_246 = arith.constant 0 : i32
        %dma_start3A_247 = tpu.memref_slice %arg22[%mul3A_239, %dma_start3A_246] : memref<10000x128xf32, #tpu.memory_space<vmem_shared>> -> memref<128x128xf32, #tpu.memory_space<vmem_shared>>
        tpu.enqueue_dma source(%dma_start3A_247 : memref<128x128xf32, #tpu.memory_space<vmem_shared>>) target(%dma_start3A_245 : memref<128x128xf32, #tpu.memory_space<hbm>>) target_semaphore(%run_scoped3A : memref<!tpu.dma_semaphore, #tpu.memory_space<semaphore_mem>>)
        %dma_wait3A_248 = arith.constant 0 : i32
        %dma_wait3A_249 = tpu.memref_slice %arg4[%add3A_242, %dma_wait3A_248] : memref<20000x128xf32, #tpu.memory_space<hbm>> -> memref<128x128xf32, #tpu.memory_space<hbm>>
        %dma_wait3A_250 = arith.constant 0 : i32
        %dma_wait3A_251 = tpu.memref_slice %arg22[%mul3A_239, %dma_wait3A_250] : memref<10000x128xf32, #tpu.memory_space<vmem_shared>> -> memref<128x128xf32, #tpu.memory_space<vmem_shared>>
        tpu.wait_dma2 semaphore(%run_scoped3A : memref<!tpu.dma_semaphore, #tpu.memory_space<semaphore_mem>>) src(%dma_wait3A_251 : memref<128x128xf32, #tpu.memory_space<vmem_shared>>) dst(%dma_wait3A_249 : memref<128x128xf32, #tpu.memory_space<hbm>>)
        tpu.yield
      }) : () -> ()
      %while3A_243 = arith.constant 0 : i32
      scf.yield %while3A_243 : i32
    }
    %while3A_226 = arith.constant 1 : i32
    %while3A_227 = scf.for %while3A_233 = %while3A_223 to %while3A_219 step %while3A_226 iter_args(%while3A_234 = %while3A_225) -> (i32)  : i32 {
      %mul3A_235 = arith.constant 16 : i32
      %mul3A_236 = arith.muli %while3A_233, %mul3A_235 : i32
      %add3A_237 = arith.addi %arg1, %mul3A_236 : i32
      %mul3A_238 = arith.constant 128 : i32
      %mul3A_239 = arith.muli %add3A_237, %mul3A_238 : i32
      %mul3A_240 = arith.constant 10000 : i32
      %mul3A_241 = arith.muli %arg0, %mul3A_240 : i32
      %add3A_242 = arith.addi %mul3A_241, %mul3A_239 : i32
      "tpu.region"() ({
        %run_scoped3A = tpu.sem_alloc : memref<!tpu.dma_semaphore, #tpu.memory_space<semaphore_mem>>
        %dma_start3A_244 = arith.constant 0 : i32
        %dma_start3A_245 = tpu.memref_slice %arg4[%add3A_242, %dma_start3A_244] : memref<20000x128xf32, #tpu.memory_space<hbm>> -> memref<128x128xf32, #tpu.memory_space<hbm>>
        %dma_start3A_246 = arith.constant 0 : i32
        %dma_start3A_247 = tpu.memref_slice %arg22[%mul3A_239, %dma_start3A_246] : memref<10000x128xf32, #tpu.memory_space<vmem_shared>> -> memref<128x128xf32, #tpu.memory_space<vmem_shared>>
        tpu.enqueue_dma source(%dma_start3A_247 : memref<128x128xf32, #tpu.memory_space<vmem_shared>>) target(%dma_start3A_245 : memref<128x128xf32, #tpu.memory_space<hbm>>) target_semaphore(%run_scoped3A : memref<!tpu.dma_semaphore, #tpu.memory_space<semaphore_mem>>)
        %dma_wait3A_248 = arith.constant 0 : i32
        %dma_wait3A_249 = tpu.memref_slice %arg4[%add3A_242, %dma_wait3A_248] : memref<20000x128xf32, #tpu.memory_space<hbm>> -> memref<128x128xf32, #tpu.memory_space<hbm>>
        %dma_wait3A_250 = arith.constant 0 : i32
        %dma_wait3A_251 = tpu.memref_slice %arg22[%mul3A_239, %dma_wait3A_250] : memref<10000x128xf32, #tpu.memory_space<vmem_shared>> -> memref<128x128xf32, #tpu.memory_space<vmem_shared>>
        tpu.wait_dma2 semaphore(%run_scoped3A : memref<!tpu.dma_semaphore, #tpu.memory_space<semaphore_mem>>) src(%dma_wait3A_251 : memref<128x128xf32, #tpu.memory_space<vmem_shared>>) dst(%dma_wait3A_249 : memref<128x128xf32, #tpu.memory_space<hbm>>)
        tpu.yield
      }) : () -> ()
      %while3A_243 = arith.constant 0 : i32
      scf.yield %while3A_243 : i32
    }
    %eq3A_228 = arith.constant 15 : i32
    %eq3A_229 = arith.cmpi eq, %arg1, %eq3A_228 : i32
    %convert_element_type3A_230 = arith.extui %eq3A_229 : i1 to i32
    %cond3A_231 = arith.constant 0 : i32
    %cond3A_232 = arith.cmpi ne, %convert_element_type3A_230, %cond3A_231 : i32
    scf.if %cond3A_232 {
      %mul3A_233 = arith.constant 10000 : i32
      %mul3A_234 = arith.muli %arg0, %mul3A_233 : i32
      %add3A_235 = arith.constant 9984 : i32
      %add3A_236 = arith.addi %mul3A_234, %add3A_235 : i32
      "tpu.region"() ({
        %run_scoped3A = tpu.sem_alloc : memref<!tpu.dma_semaphore, #tpu.memory_space<semaphore_mem>>
        %dma_start3A_237 = arith.constant 0 : i32
        %dma_start3A_238 = tpu.memref_slice %arg4[%add3A_236, %dma_start3A_237] : memref<20000x128xf32, #tpu.memory_space<hbm>> -> memref<16x128xf32, #tpu.memory_space<hbm>>
        %dma_start3A_239 = arith.constant 9984 : i32
        %dma_start3A_240 = arith.constant 0 : i32
        %dma_start3A_241 = tpu.memref_slice %arg22[%dma_start3A_239, %dma_start3A_240] : memref<10000x128xf32, #tpu.memory_space<vmem_shared>> -> memref<16x128xf32, #tpu.memory_space<vmem_shared>>
        tpu.enqueue_dma source(%dma_start3A_241 : memref<16x128xf32, #tpu.memory_space<vmem_shared>>) target(%dma_start3A_238 : memref<16x128xf32, #tpu.memory_space<hbm>>) target_semaphore(%run_scoped3A : memref<!tpu.dma_semaphore, #tpu.memory_space<semaphore_mem>>)
        %dma_wait3A_242 = arith.constant 0 : i32
        %dma_wait3A_243 = tpu.memref_slice %arg4[%add3A_236, %dma_wait3A_242] : memref<20000x128xf32, #tpu.memory_space<hbm>> -> memref<16x128xf32, #tpu.memory_space<hbm>>
        %dma_wait3A_244 = arith.constant 9984 : i32
        %dma_wait3A_245 = arith.constant 0 : i32
        %dma_wait3A_246 = tpu.memref_slice %arg22[%dma_wait3A_244, %dma_wait3A_245] : memref<10000x128xf32, #tpu.memory_space<vmem_shared>> -> memref<16x128xf32, #tpu.memory_space<vmem_shared>>
        tpu.wait_dma2 semaphore(%run_scoped3A : memref<!tpu.dma_semaphore, #tpu.memory_space<semaphore_mem>>) src(%dma_wait3A_246 : memref<16x128xf32, #tpu.memory_space<vmem_shared>>) dst(%dma_wait3A_243 : memref<16x128xf32, #tpu.memory_space<hbm>>)
        tpu.yield
      }) : () -> ()
    } else {
    }
    return
  }
}

#map = affine_map<(d0, d1) -> (0, 0, 0, 0)>
#map1 = affine_map<(d0, d1) -> (0)>
module attributes {stable_mosaic.version = 14 : i64} {
  func.func @_sc_deg(%arg0: i32, %arg1: i32, %arg2: memref<32x80x2x128xi32, #tpu.memory_space<hbm>>, %arg3: memref<20480xf32, #tpu.memory_space<hbm>>, %arg4: memref<80x2x128xi32, #tpu.memory_space<vmem>>, %arg5: memref<128xf32, #tpu.memory_space<vmem>>, %arg6: memref<640xf32, #tpu.memory_space<vmem>>, %arg7: memref<10240xf32, #tpu.memory_space<vmem_shared>>, %arg8: memref<!tpu.dma_semaphore, #tpu.memory_space<semaphore_mem>>, %arg9: memref<!tpu.dma_semaphore, #tpu.memory_space<semaphore_mem>>) attributes {dimension_semantics = [#tpu.dimension_semantics<core_parallel>, #tpu.dimension_semantics<subcore_parallel>], iteration_bounds = array<i64: 2, 16>, scalar_prefetch = 0 : i64, scratch_operands = 6 : i64, tpu.core_type = #tpu.core_type<sc_vector_subcore>, window_params = [{transform_indices = #map}, {transform_indices = #map1}]} {
    %mul3A = arith.constant 2 : i32
    %mul3A_0 = arith.muli %arg1, %mul3A : i32
    %add3A = arith.addi %mul3A_0, %arg0 : i32
    %mul3A_1 = arith.constant 80 : i32
    %mul3A_2 = arith.muli %add3A, %mul3A_1 : i32
    %sub3A = arith.constant 2500 : i32
    %sub3A_3 = arith.subi %sub3A, %mul3A_2 : i32
    %jit3A = arith.constant 0 : i32
    %jit3A_4 = arith.constant 80 : i32
    %max3A = arith.maxsi %jit3A, %sub3A_3 : i32
    %min3A = arith.minsi %jit3A_4, %max3A : i32
    %dma_start3A = arith.constant 0 : i32
    %dma_start3A_5 = arith.constant 0 : i32
    %dma_start3A_6 = arith.constant 0 : i32
    %dma_start3A_7 = tpu.memref_slice %arg2[%add3A, %dma_start3A, %dma_start3A_5, %dma_start3A_6] : memref<32x80x2x128xi32, #tpu.memory_space<hbm>> -> memref<1x80x2x128xi32, #tpu.memory_space<hbm>>
    %dma_start3A_8 = tpu.memref_squeeze %dma_start3A_7 : memref<1x80x2x128xi32, #tpu.memory_space<hbm>> -> memref<80x2x128xi32, #tpu.memory_space<hbm>>
    %dma_start3A_9 = arith.constant 0 : i32
    %dma_start3A_10 = arith.constant 0 : i32
    %dma_start3A_11 = arith.constant 0 : i32
    %dma_start3A_12 = tpu.memref_slice %arg2[%add3A, %dma_start3A_9, %dma_start3A_10, %dma_start3A_11] : memref<32x80x2x128xi32, #tpu.memory_space<hbm>> -> memref<1x80x2x128xi32, #tpu.memory_space<hbm>>
    %dma_start3A_13 = tpu.memref_squeeze %dma_start3A_12 : memref<1x80x2x128xi32, #tpu.memory_space<hbm>> -> memref<80x2x128xi32, #tpu.memory_space<hbm>>
    tpu.enqueue_dma source(%dma_start3A_13 : memref<80x2x128xi32, #tpu.memory_space<hbm>>) target(%arg4 : memref<80x2x128xi32, #tpu.memory_space<vmem>>) target_semaphore(%arg8 : memref<!tpu.dma_semaphore, #tpu.memory_space<semaphore_mem>>)
    %broadcast_in_dim3A = arith.constant 1.000000e+00 : f32
    %broadcast_in_dim3A_14 = vector.broadcast %broadcast_in_dim3A : f32 to vector<16xf32>
    %swap3A = arith.constant 0 : index
    %swap3A_15 = tpu.vector_load %arg5[%swap3A] {strides = array<i32>} : memref<128xf32, #tpu.memory_space<vmem>>, vector<16xf32>,
    %swap3A_16 = vector.shape_cast %swap3A_15 : vector<16xf32> to vector<16xf32>
    %swap3A_17 = vector.shape_cast %broadcast_in_dim3A_14 : vector<16xf32> to vector<16xf32>
    tpu.vector_store %arg5[%swap3A], %swap3A_17 {strides = array<i32>} : memref<128xf32, #tpu.memory_space<vmem>>, vector<16xf32>,
    %swap3A_18 = arith.constant 16 : index
    %swap3A_19 = tpu.vector_load %arg5[%swap3A_18] {strides = array<i32>} : memref<128xf32, #tpu.memory_space<vmem>>, vector<16xf32>,
    %swap3A_20 = vector.shape_cast %swap3A_19 : vector<16xf32> to vector<16xf32>
    %swap3A_21 = vector.shape_cast %broadcast_in_dim3A_14 : vector<16xf32> to vector<16xf32>
    tpu.vector_store %arg5[%swap3A_18], %swap3A_21 {strides = array<i32>} : memref<128xf32, #tpu.memory_space<vmem>>, vector<16xf32>,
    %swap3A_22 = arith.constant 32 : index
    %swap3A_23 = tpu.vector_load %arg5[%swap3A_22] {strides = array<i32>} : memref<128xf32, #tpu.memory_space<vmem>>, vector<16xf32>,
    %swap3A_24 = vector.shape_cast %swap3A_23 : vector<16xf32> to vector<16xf32>
    %swap3A_25 = vector.shape_cast %broadcast_in_dim3A_14 : vector<16xf32> to vector<16xf32>
    tpu.vector_store %arg5[%swap3A_22], %swap3A_25 {strides = array<i32>} : memref<128xf32, #tpu.memory_space<vmem>>, vector<16xf32>,
    %swap3A_26 = arith.constant 48 : index
    %swap3A_27 = tpu.vector_load %arg5[%swap3A_26] {strides = array<i32>} : memref<128xf32, #tpu.memory_space<vmem>>, vector<16xf32>,
    %swap3A_28 = vector.shape_cast %swap3A_27 : vector<16xf32> to vector<16xf32>
    %swap3A_29 = vector.shape_cast %broadcast_in_dim3A_14 : vector<16xf32> to vector<16xf32>
    tpu.vector_store %arg5[%swap3A_26], %swap3A_29 {strides = array<i32>} : memref<128xf32, #tpu.memory_space<vmem>>, vector<16xf32>,
    %swap3A_30 = arith.constant 64 : index
    %swap3A_31 = tpu.vector_load %arg5[%swap3A_30] {strides = array<i32>} : memref<128xf32, #tpu.memory_space<vmem>>, vector<16xf32>,
    %swap3A_32 = vector.shape_cast %swap3A_31 : vector<16xf32> to vector<16xf32>
    %swap3A_33 = vector.shape_cast %broadcast_in_dim3A_14 : vector<16xf32> to vector<16xf32>
    tpu.vector_store %arg5[%swap3A_30], %swap3A_33 {strides = array<i32>} : memref<128xf32, #tpu.memory_space<vmem>>, vector<16xf32>,
    %swap3A_34 = arith.constant 80 : index
    %swap3A_35 = tpu.vector_load %arg5[%swap3A_34] {strides = array<i32>} : memref<128xf32, #tpu.memory_space<vmem>>, vector<16xf32>,
    %swap3A_36 = vector.shape_cast %swap3A_35 : vector<16xf32> to vector<16xf32>
    %swap3A_37 = vector.shape_cast %broadcast_in_dim3A_14 : vector<16xf32> to vector<16xf32>
    tpu.vector_store %arg5[%swap3A_34], %swap3A_37 {strides = array<i32>} : memref<128xf32, #tpu.memory_space<vmem>>, vector<16xf32>,
    %swap3A_38 = arith.constant 96 : index
    %swap3A_39 = tpu.vector_load %arg5[%swap3A_38] {strides = array<i32>} : memref<128xf32, #tpu.memory_space<vmem>>, vector<16xf32>,
    %swap3A_40 = vector.shape_cast %swap3A_39 : vector<16xf32> to vector<16xf32>
    %swap3A_41 = vector.shape_cast %broadcast_in_dim3A_14 : vector<16xf32> to vector<16xf32>
    tpu.vector_store %arg5[%swap3A_38], %swap3A_41 {strides = array<i32>} : memref<128xf32, #tpu.memory_space<vmem>>, vector<16xf32>,
    %swap3A_42 = arith.constant 112 : index
    %swap3A_43 = tpu.vector_load %arg5[%swap3A_42] {strides = array<i32>} : memref<128xf32, #tpu.memory_space<vmem>>, vector<16xf32>,
    %swap3A_44 = vector.shape_cast %swap3A_43 : vector<16xf32> to vector<16xf32>
    %swap3A_45 = vector.shape_cast %broadcast_in_dim3A_14 : vector<16xf32> to vector<16xf32>
    tpu.vector_store %arg5[%swap3A_42], %swap3A_45 {strides = array<i32>} : memref<128xf32, #tpu.memory_space<vmem>>, vector<16xf32>,
    %broadcast_in_dim3A_46 = arith.constant 0.000000e+00 : f32
    %broadcast_in_dim3A_47 = vector.broadcast %broadcast_in_dim3A_46 : f32 to vector<16xf32>
    %scan3A = arith.constant 0 : i32
    %scan3A_48 = arith.constant 0 : i32
    %scan3A_49 = arith.constant 40 : i32
    %scan3A_50 = arith.addi %scan3A_48, %scan3A_49 : i32
    %scan3A_51 = arith.constant 4 : i32
    %scan3A_52 = scf.for %scan3A_97 = %scan3A_48 to %scan3A_50 step %scan3A_51 iter_args(%scan3A_98 = %scan3A) -> (i32)  : i32 {
      %mul3A_99 = arith.constant 16 : i32
      %mul3A_100 = arith.muli %scan3A_97, %mul3A_99 : i32
      %swap3A_101 = arith.index_cast %mul3A_100 : i32 to index
      %swap3A_102 = tpu.vector_load %arg6[%swap3A_101] {strides = array<i32>} : memref<640xf32, #tpu.memory_space<vmem>>, vector<16xf32>,
      %swap3A_103 = vector.shape_cast %swap3A_102 : vector<16xf32> to vector<16xf32>
      %swap3A_104 = vector.shape_cast %broadcast_in_dim3A_47 : vector<16xf32> to vector<16xf32>
      tpu.vector_store %arg6[%swap3A_101], %swap3A_104 {strides = array<i32>} : memref<640xf32, #tpu.memory_space<vmem>>, vector<16xf32>,
      %scan3A_105 = arith.constant 0 : i32
      %scan3A_106 = arith.constant 1 : i32
      %scan3A_107 = arith.addi %scan3A_97, %scan3A_106 : i32
      %mul3A_108 = arith.constant 16 : i32
      %mul3A_109 = arith.muli %scan3A_107, %mul3A_108 : i32
      %swap3A_110 = arith.index_cast %mul3A_109 : i32 to index
      %swap3A_111 = tpu.vector_load %arg6[%swap3A_110] {strides = array<i32>} : memref<640xf32, #tpu.memory_space<vmem>>, vector<16xf32>,
      %swap3A_112 = vector.shape_cast %swap3A_111 : vector<16xf32> to vector<16xf32>
      %swap3A_113 = vector.shape_cast %broadcast_in_dim3A_47 : vector<16xf32> to vector<16xf32>
      tpu.vector_store %arg6[%swap3A_110], %swap3A_113 {strides = array<i32>} : memref<640xf32, #tpu.memory_space<vmem>>, vector<16xf32>,
      %scan3A_114 = arith.constant 0 : i32
      %scan3A_115 = arith.constant 2 : i32
      %scan3A_116 = arith.addi %scan3A_97, %scan3A_115 : i32
      %mul3A_117 = arith.constant 16 : i32
      %mul3A_118 = arith.muli %scan3A_116, %mul3A_117 : i32
      %swap3A_119 = arith.index_cast %mul3A_118 : i32 to index
      %swap3A_120 = tpu.vector_load %arg6[%swap3A_119] {strides = array<i32>} : memref<640xf32, #tpu.memory_space<vmem>>, vector<16xf32>,
      %swap3A_121 = vector.shape_cast %swap3A_120 : vector<16xf32> to vector<16xf32>
      %swap3A_122 = vector.shape_cast %broadcast_in_dim3A_47 : vector<16xf32> to vector<16xf32>
      tpu.vector_store %arg6[%swap3A_119], %swap3A_122 {strides = array<i32>} : memref<640xf32, #tpu.memory_space<vmem>>, vector<16xf32>,
      %scan3A_123 = arith.constant 0 : i32
      %scan3A_124 = arith.constant 3 : i32
      %scan3A_125 = arith.addi %scan3A_97, %scan3A_124 : i32
      %mul3A_126 = arith.constant 16 : i32
      %mul3A_127 = arith.muli %scan3A_125, %mul3A_126 : i32
      %swap3A_128 = arith.index_cast %mul3A_127 : i32 to index
      %swap3A_129 = tpu.vector_load %arg6[%swap3A_128] {strides = array<i32>} : memref<640xf32, #tpu.memory_space<vmem>>, vector<16xf32>,
      %swap3A_130 = vector.shape_cast %swap3A_129 : vector<16xf32> to vector<16xf32>
      %swap3A_131 = vector.shape_cast %broadcast_in_dim3A_47 : vector<16xf32> to vector<16xf32>
      tpu.vector_store %arg6[%swap3A_128], %swap3A_131 {strides = array<i32>} : memref<640xf32, #tpu.memory_space<vmem>>, vector<16xf32>,
      %scan3A_132 = arith.constant 0 : i32
      scf.yield %scan3A_132 : i32
    }
    %scan3A_53 = arith.constant 40 : i32
    %mul3A_54 = arith.constant 640 : i32
    %mul3A_55 = arith.muli %arg1, %mul3A_54 : i32
    "tpu.region"() ({
      %run_scoped3A = tpu.sem_alloc : memref<!tpu.dma_semaphore, #tpu.memory_space<semaphore_mem>>
      %dma_start3A_97 = tpu.memref_slice %arg7[%mul3A_55] : memref<10240xf32, #tpu.memory_space<vmem_shared>> -> memref<640xf32, #tpu.memory_space<vmem_shared>>
      %dma_start3A_98 = tpu.memref_slice %arg7[%mul3A_55] : memref<10240xf32, #tpu.memory_space<vmem_shared>> -> memref<640xf32, #tpu.memory_space<vmem_shared>>
      tpu.enqueue_dma source(%arg6 : memref<640xf32, #tpu.memory_space<vmem>>) target(%dma_start3A_98 : memref<640xf32, #tpu.memory_space<vmem_shared>>) target_semaphore(%run_scoped3A : memref<!tpu.dma_semaphore, #tpu.memory_space<semaphore_mem>>)
      %dma_wait3A_99 = tpu.memref_slice %arg7[%mul3A_55] : memref<10240xf32, #tpu.memory_space<vmem_shared>> -> memref<640xf32, #tpu.memory_space<vmem_shared>>
      %dma_wait3A_100 = tpu.memref_slice %arg7[%mul3A_55] : memref<10240xf32, #tpu.memory_space<vmem_shared>> -> memref<640xf32, #tpu.memory_space<vmem_shared>>
      tpu.wait_dma2 semaphore(%run_scoped3A : memref<!tpu.dma_semaphore, #tpu.memory_space<semaphore_mem>>) src(%arg6 : memref<640xf32, #tpu.memory_space<vmem>>) dst(%dma_wait3A_100 : memref<640xf32, #tpu.memory_space<vmem_shared>>)
      tpu.yield
    }) : () -> ()
    %dma_wait3A = arith.constant 0 : i32
    %dma_wait3A_56 = arith.constant 0 : i32
    %dma_wait3A_57 = arith.constant 0 : i32
    %dma_wait3A_58 = arith.constant 0 : i32
    %dma_wait3A_59 = tpu.memref_slice %arg2[%dma_wait3A, %dma_wait3A_56, %dma_wait3A_57, %dma_wait3A_58] : memref<32x80x2x128xi32, #tpu.memory_space<hbm>> -> memref<1x80x2x128xi32, #tpu.memory_space<hbm>>
    %dma_wait3A_60 = tpu.memref_squeeze %dma_wait3A_59 : memref<1x80x2x128xi32, #tpu.memory_space<hbm>> -> memref<80x2x128xi32, #tpu.memory_space<hbm>>
    %dma_wait3A_61 = arith.constant 0 : i32
    %dma_wait3A_62 = arith.constant 0 : i32
    %dma_wait3A_63 = arith.constant 0 : i32
    %dma_wait3A_64 = tpu.memref_slice %arg2[%dma_wait3A, %dma_wait3A_61, %dma_wait3A_62, %dma_wait3A_63] : memref<32x80x2x128xi32, #tpu.memory_space<hbm>> -> memref<1x80x2x128xi32, #tpu.memory_space<hbm>>
    %dma_wait3A_65 = tpu.memref_squeeze %dma_wait3A_64 : memref<1x80x2x128xi32, #tpu.memory_space<hbm>> -> memref<80x2x128xi32, #tpu.memory_space<hbm>>
    tpu.wait_dma2 semaphore(%arg8 : memref<!tpu.dma_semaphore, #tpu.memory_space<semaphore_mem>>) src(%dma_wait3A_65 : memref<80x2x128xi32, #tpu.memory_space<hbm>>) dst(%arg4 : memref<80x2x128xi32, #tpu.memory_space<vmem>>)
    %barrier3A = arith.constant 0 : index
    tpu.barrier barrier_id(%barrier3A)
    %while3A = arith.constant 0 : i32
    %while3A_66 = arith.constant 0 : i32
    %while3A_67 = arith.subi %min3A, %while3A : i32
    %while3A_68 = arith.addi %while3A, %while3A_67 : i32
    %while3A_69 = arith.constant 1 : i32
    %while3A_70 = arith.divsi %while3A_67, %while3A_69 : i32
    %while3A_71 = arith.muli %while3A_70, %while3A_69 : i32
    %while3A_72 = arith.addi %while3A, %while3A_71 : i32
    %while3A_73 = arith.constant 1 : i32
    %while3A_74 = scf.for %while3A_97 = %while3A to %while3A_72 step %while3A_73 iter_args(%while3A_98 = %while3A_66) -> (i32)  : i32 {
      %dma_start3A_99 = arith.constant 1 : i32
      %dma_start3A_100 = arith.constant 0 : i32
      %dma_start3A_101 = tpu.memref_slice %arg4[%while3A_97, %dma_start3A_99, %dma_start3A_100] : memref<80x2x128xi32, #tpu.memory_space<vmem>> -> memref<1x1x128xi32, #tpu.memory_space<vmem>>
      %dma_start3A_102 = tpu.memref_squeeze %dma_start3A_101 : memref<1x1x128xi32, #tpu.memory_space<vmem>> -> memref<128xi32, #tpu.memory_space<vmem>>
      %dma_start3A_103 = arith.constant 0 : i32
      %dma_start3A_104 = tpu.memref_slice %arg7[%dma_start3A_103] : memref<10240xf32, #tpu.memory_space<vmem_shared>> -> memref<10240xf32, #tpu.memory_space<vmem_shared>>
      tpu.enqueue_indirect_dma source(%arg5 : memref<128xf32, #tpu.memory_space<vmem>>) target(%dma_start3A_104 : memref<10240xf32, #tpu.memory_space<vmem_shared>>) offsets(%dma_start3A_102 : memref<128xi32, #tpu.memory_space<vmem>>) semaphore(%arg9 : memref<!tpu.dma_semaphore, #tpu.memory_space<semaphore_mem>>) {add = true}
      %while3A_105 = arith.constant 0 : i32
      scf.yield %while3A_105 : i32
    }
    %while3A_75 = arith.constant 1 : i32
    %while3A_76 = scf.for %while3A_97 = %while3A_72 to %while3A_68 step %while3A_75 iter_args(%while3A_98 = %while3A_74) -> (i32)  : i32 {
      %dma_start3A_99 = arith.constant 1 : i32
      %dma_start3A_100 = arith.constant 0 : i32
      %dma_start3A_101 = tpu.memref_slice %arg4[%while3A_97, %dma_start3A_99, %dma_start3A_100] : memref<80x2x128xi32, #tpu.memory_space<vmem>> -> memref<1x1x128xi32, #tpu.memory_space<vmem>>
      %dma_start3A_102 = tpu.memref_squeeze %dma_start3A_101 : memref<1x1x128xi32, #tpu.memory_space<vmem>> -> memref<128xi32, #tpu.memory_space<vmem>>
      %dma_start3A_103 = arith.constant 0 : i32
      %dma_start3A_104 = tpu.memref_slice %arg7[%dma_start3A_103] : memref<10240xf32, #tpu.memory_space<vmem_shared>> -> memref<10240xf32, #tpu.memory_space<vmem_shared>>
      tpu.enqueue_indirect_dma source(%arg5 : memref<128xf32, #tpu.memory_space<vmem>>) target(%dma_start3A_104 : memref<10240xf32, #tpu.memory_space<vmem_shared>>) offsets(%dma_start3A_102 : memref<128xi32, #tpu.memory_space<vmem>>) semaphore(%arg9 : memref<!tpu.dma_semaphore, #tpu.memory_space<semaphore_mem>>) {add = true}
      %while3A_105 = arith.constant 0 : i32
      scf.yield %while3A_105 : i32
    }
    %while3A_77 = arith.constant 0 : i32
    %while3A_78 = arith.constant 0 : i32
    %while3A_79 = arith.subi %min3A, %while3A_77 : i32
    %while3A_80 = arith.addi %while3A_77, %while3A_79 : i32
    %while3A_81 = arith.constant 1 : i32
    %while3A_82 = arith.divsi %while3A_79, %while3A_81 : i32
    %while3A_83 = arith.muli %while3A_82, %while3A_81 : i32
    %while3A_84 = arith.addi %while3A_77, %while3A_83 : i32
    %while3A_85 = arith.constant 1 : i32
    %while3A_86 = scf.for %while3A_97 = %while3A_77 to %while3A_84 step %while3A_85 iter_args(%while3A_98 = %while3A_78) -> (i32)  : i32 {
      %dma_wait3A_99 = arith.constant 0 : i32
      %dma_wait3A_100 = arith.constant 0 : i32
      %dma_wait3A_101 = arith.constant 1 : i32
      %dma_wait3A_102 = arith.constant 0 : i32
      %dma_wait3A_103 = arith.constant 1 : i32
      %dma_wait3A_104 = arith.constant 0 : i32
      %dma_wait3A_105 = tpu.memref_slice %arg4[%dma_wait3A_102, %dma_wait3A_103, %dma_wait3A_104] : memref<80x2x128xi32, #tpu.memory_space<vmem>> -> memref<1x1x128xi32, #tpu.memory_space<vmem>>
      %dma_wait3A_106 = tpu.memref_squeeze %dma_wait3A_105 : memref<1x1x128xi32, #tpu.memory_space<vmem>> -> memref<128xi32, #tpu.memory_space<vmem>>
      %dma_wait3A_107 = arith.constant 0 : i32
      %dma_wait3A_108 = tpu.memref_slice %arg2[%dma_wait3A_99, %dma_wait3A_100, %dma_wait3A_101, %dma_wait3A_107] : memref<32x80x2x128xi32, #tpu.memory_space<hbm>> -> memref<1x1x1x128xi32, #tpu.memory_space<hbm>>
      %dma_wait3A_109 = tpu.memref_squeeze %dma_wait3A_108 : memref<1x1x1x128xi32, #tpu.memory_space<hbm>> -> memref<128xi32, #tpu.memory_space<hbm>>
      %dma_wait3A_110 = arith.constant 0 : i32
      %dma_wait3A_111 = tpu.memref_slice %arg4[%dma_wait3A_102, %dma_wait3A_103, %dma_wait3A_110] : memref<80x2x128xi32, #tpu.memory_space<vmem>> -> memref<1x1x128xi32, #tpu.memory_space<vmem>>
      %dma_wait3A_112 = tpu.memref_squeeze %dma_wait3A_111 : memref<1x1x128xi32, #tpu.memory_space<vmem>> -> memref<128xi32, #tpu.memory_space<vmem>>
      %dma_wait3A_113 = arith.constant 0 : i32
      %dma_wait3A_114 = tpu.memref_slice %arg2[%dma_wait3A_99, %dma_wait3A_100, %dma_wait3A_101, %dma_wait3A_113] : memref<32x80x2x128xi32, #tpu.memory_space<hbm>> -> memref<1x1x1x128xi32, #tpu.memory_space<hbm>>
      %dma_wait3A_115 = tpu.memref_squeeze %dma_wait3A_114 : memref<1x1x1x128xi32, #tpu.memory_space<hbm>> -> memref<128xi32, #tpu.memory_space<hbm>>
      tpu.wait_dma2 semaphore(%arg9 : memref<!tpu.dma_semaphore, #tpu.memory_space<semaphore_mem>>) src(%dma_wait3A_115 : memref<128xi32, #tpu.memory_space<hbm>>) dst(%dma_wait3A_112 : memref<128xi32, #tpu.memory_space<vmem>>)
      %while3A_116 = arith.constant 0 : i32
      scf.yield %while3A_116 : i32
    }
    %while3A_87 = arith.constant 1 : i32
    %while3A_88 = scf.for %while3A_97 = %while3A_84 to %while3A_80 step %while3A_87 iter_args(%while3A_98 = %while3A_86) -> (i32)  : i32 {
      %dma_wait3A_99 = arith.constant 0 : i32
      %dma_wait3A_100 = arith.constant 0 : i32
      %dma_wait3A_101 = arith.constant 1 : i32
      %dma_wait3A_102 = arith.constant 0 : i32
      %dma_wait3A_103 = arith.constant 1 : i32
      %dma_wait3A_104 = arith.constant 0 : i32
      %dma_wait3A_105 = tpu.memref_slice %arg4[%dma_wait3A_102, %dma_wait3A_103, %dma_wait3A_104] : memref<80x2x128xi32, #tpu.memory_space<vmem>> -> memref<1x1x128xi32, #tpu.memory_space<vmem>>
      %dma_wait3A_106 = tpu.memref_squeeze %dma_wait3A_105 : memref<1x1x128xi32, #tpu.memory_space<vmem>> -> memref<128xi32, #tpu.memory_space<vmem>>
      %dma_wait3A_107 = arith.constant 0 : i32
      %dma_wait3A_108 = tpu.memref_slice %arg2[%dma_wait3A_99, %dma_wait3A_100, %dma_wait3A_101, %dma_wait3A_107] : memref<32x80x2x128xi32, #tpu.memory_space<hbm>> -> memref<1x1x1x128xi32, #tpu.memory_space<hbm>>
      %dma_wait3A_109 = tpu.memref_squeeze %dma_wait3A_108 : memref<1x1x1x128xi32, #tpu.memory_space<hbm>> -> memref<128xi32, #tpu.memory_space<hbm>>
      %dma_wait3A_110 = arith.constant 0 : i32
      %dma_wait3A_111 = tpu.memref_slice %arg4[%dma_wait3A_102, %dma_wait3A_103, %dma_wait3A_110] : memref<80x2x128xi32, #tpu.memory_space<vmem>> -> memref<1x1x128xi32, #tpu.memory_space<vmem>>
      %dma_wait3A_112 = tpu.memref_squeeze %dma_wait3A_111 : memref<1x1x128xi32, #tpu.memory_space<vmem>> -> memref<128xi32, #tpu.memory_space<vmem>>
      %dma_wait3A_113 = arith.constant 0 : i32
      %dma_wait3A_114 = tpu.memref_slice %arg2[%dma_wait3A_99, %dma_wait3A_100, %dma_wait3A_101, %dma_wait3A_113] : memref<32x80x2x128xi32, #tpu.memory_space<hbm>> -> memref<1x1x1x128xi32, #tpu.memory_space<hbm>>
      %dma_wait3A_115 = tpu.memref_squeeze %dma_wait3A_114 : memref<1x1x1x128xi32, #tpu.memory_space<hbm>> -> memref<128xi32, #tpu.memory_space<hbm>>
      tpu.wait_dma2 semaphore(%arg9 : memref<!tpu.dma_semaphore, #tpu.memory_space<semaphore_mem>>) src(%dma_wait3A_115 : memref<128xi32, #tpu.memory_space<hbm>>) dst(%dma_wait3A_112 : memref<128xi32, #tpu.memory_space<vmem>>)
      %while3A_116 = arith.constant 0 : i32
      scf.yield %while3A_116 : i32
    }
    %barrier3A_89 = arith.constant 0 : index
    tpu.barrier barrier_id(%barrier3A_89)
    %mul3A_90 = arith.constant 640 : i32
    %mul3A_91 = arith.muli %arg1, %mul3A_90 : i32
    %mul3A_92 = arith.constant 10240 : i32
    %mul3A_93 = arith.muli %arg0, %mul3A_92 : i32
    %mul3A_94 = arith.constant 640 : i32
    %mul3A_95 = arith.muli %arg1, %mul3A_94 : i32
    %add3A_96 = arith.addi %mul3A_93, %mul3A_95 : i32
    "tpu.region"() ({
      %run_scoped3A = tpu.sem_alloc : memref<!tpu.dma_semaphore, #tpu.memory_space<semaphore_mem>>
      %dma_start3A_97 = tpu.memref_slice %arg3[%add3A_96] : memref<20480xf32, #tpu.memory_space<hbm>> -> memref<640xf32, #tpu.memory_space<hbm>>
      %dma_start3A_98 = tpu.memref_slice %arg7[%mul3A_91] : memref<10240xf32, #tpu.memory_space<vmem_shared>> -> memref<640xf32, #tpu.memory_space<vmem_shared>>
      tpu.enqueue_dma source(%dma_start3A_98 : memref<640xf32, #tpu.memory_space<vmem_shared>>) target(%dma_start3A_97 : memref<640xf32, #tpu.memory_space<hbm>>) target_semaphore(%run_scoped3A : memref<!tpu.dma_semaphore, #tpu.memory_space<semaphore_mem>>)
      %dma_wait3A_99 = tpu.memref_slice %arg3[%add3A_96] : memref<20480xf32, #tpu.memory_space<hbm>> -> memref<640xf32, #tpu.memory_space<hbm>>
      %dma_wait3A_100 = tpu.memref_slice %arg7[%mul3A_91] : memref<10240xf32, #tpu.memory_space<vmem_shared>> -> memref<640xf32, #tpu.memory_space<vmem_shared>>
      tpu.wait_dma2 semaphore(%run_scoped3A : memref<!tpu.dma_semaphore, #tpu.memory_space<semaphore_mem>>) src(%dma_wait3A_100 : memref<640xf32, #tpu.memory_space<vmem_shared>>) dst(%dma_wait3A_99 : memref<640xf32, #tpu.memory_space<hbm>>)
      tpu.yield
    }) : () -> ()
    return
  }
}

module attributes {stable_mosaic.version = 14 : i64} {
  func.func @_prep_body(%arg0: i32, %arg1: memref<2000x128xf32, #tpu.memory_space<vmem>>, %arg2: memref<128x128xf32, #tpu.memory_space<vmem>>, %arg3: memref<2000x1xf32, #tpu.memory_space<vmem>>, %arg4: memref<2000x128xf32, #tpu.memory_space<vmem>>) attributes {dimension_semantics = [#tpu.dimension_semantics<arbitrary>], iteration_bounds = array<i64: 5>, scalar_prefetch = 0 : i64, scratch_operands = 0 : i64, tpu.core_type = #tpu.core_type<tc>, window_params = [{transform_indices = @transform_0, window_bounds = array<i64: 2000, 128>}, {pipeline_mode = #tpu.pipeline_mode<synchronous>, transform_indices = @transform_1, window_bounds = array<i64: 128, 128>}, {transform_indices = @transform_2, window_bounds = array<i64: 2000, 1>}, {transform_indices = @transform_3, window_bounds = array<i64: 2000, 128>}]} {
    %get3A = arith.constant 0 : index
    %get3A_0 = arith.constant 0 : index
    %get3A_1 = vector.load %arg3[%get3A, %get3A_0] : memref<2000x1xf32, #tpu.memory_space<vmem>>, vector<2000x1xf32>
    %add3A = arith.constant 1.000000e+00 : f32
    %add3A_2 = vector.broadcast %add3A : f32 to vector<2000x1xf32>
    %add3A_3 = arith.addf %get3A_1, %add3A_2 : vector<2000x1xf32>
    %rsqrt3A = math.rsqrt %add3A_3 : vector<2000x1xf32>
    %get3A_4 = arith.constant 0 : index
    %get3A_5 = arith.constant 0 : index
    %get3A_6 = vector.load %arg1[%get3A_4, %get3A_5] : memref<2000x128xf32, #tpu.memory_space<vmem>>, vector<2000x128xf32>
    %get3A_7 = arith.constant 0 : index
    %get3A_8 = arith.constant 0 : index
    %get3A_9 = vector.load %arg2[%get3A_7, %get3A_8] : memref<128x128xf32, #tpu.memory_space<vmem>>, vector<128x128xf32>
    %dot_general3A = arith.constant dense<0.000000e+00> : vector<2000x128xf32>
    %dot_general3A_10 = tpu.matmul %get3A_6, %get3A_9, %dot_general3A {dimension_numbers = #tpu.dot_dimension_numbers<[1], [1], [0], [0], [0, 0, 1, 0], [], []>, transpose_lhs_hint = false} : vector<2000x128xf32>, vector<128x128xf32>, vector<2000x128xf32> -> vector<2000x128xf32>
    %mul3A = vector.broadcast %rsqrt3A : vector<2000x1xf32> to vector<2000x128xf32>
    %mul3A_11 = arith.mulf %dot_general3A_10, %mul3A : vector<2000x128xf32>
    %swap3A = arith.constant 0 : index
    %swap3A_12 = arith.constant 0 : index
    %swap3A_13 = vector.load %arg4[%swap3A, %swap3A_12] : memref<2000x128xf32, #tpu.memory_space<vmem>>, vector<2000x128xf32>
    tpu.vector_store %arg4[%swap3A, %swap3A_12], %mul3A_11 {strides = array<i32>} : memref<2000x128xf32, #tpu.memory_space<vmem>>, vector<2000x128xf32>,
    return
  }
  func.func @transform_0(%arg0: i32) -> (i32, i32) {
    %c0_i32 = arith.constant 0 : i32
    %c0_i32_0 = arith.constant 0 : i32
    return %arg0, %c0_i32 : i32, i32
  }
  func.func @transform_1(%arg0: i32) -> (i32, i32) {
    %c0_i32 = arith.constant 0 : i32
    %c0_i32_0 = arith.constant 0 : i32
    %c0_i32_1 = arith.constant 0 : i32
    return %c0_i32, %c0_i32_0 : i32, i32
  }
  func.func @transform_2(%arg0: i32) -> (i32, i32) {
    %c0_i32 = arith.constant 0 : i32
    %c0_i32_0 = arith.constant 0 : i32
    return %arg0, %c0_i32 : i32, i32
  }
  func.func @transform_3(%arg0: i32) -> (i32, i32) {
    %c0_i32 = arith.constant 0 : i32
    %c0_i32_0 = arith.constant 0 : i32
    return %arg0, %c0_i32 : i32, i32
  }
}

module attributes {stable_mosaic.version = 14 : i64} {
  func.func @_post_body(%arg0: i32, %arg1: memref<2000x128xf32, #tpu.memory_space<vmem>>, %arg2: memref<2000x128xf32, #tpu.memory_space<vmem>>, %arg3: memref<2000x128xf32, #tpu.memory_space<vmem>>, %arg4: memref<2000x1xf32, #tpu.memory_space<vmem>>, %arg5: memref<1x128xf32, #tpu.memory_space<vmem>>, %arg6: memref<1x128xf32, #tpu.memory_space<vmem>>, %arg7: memref<1x128xf32, #tpu.memory_space<vmem>>, %arg8: memref<2000x128xf32, #tpu.memory_space<vmem>>) attributes {dimension_semantics = [#tpu.dimension_semantics<arbitrary>], iteration_bounds = array<i64: 5>, scalar_prefetch = 0 : i64, scratch_operands = 0 : i64, tpu.core_type = #tpu.core_type<tc>, window_params = [{transform_indices = @transform_0, window_bounds = array<i64: 2000, 128>}, {transform_indices = @transform_1, window_bounds = array<i64: 2000, 128>}, {transform_indices = @transform_2, window_bounds = array<i64: 2000, 128>}, {transform_indices = @transform_3, window_bounds = array<i64: 2000, 1>}, {pipeline_mode = #tpu.pipeline_mode<synchronous>, transform_indices = @transform_4, window_bounds = array<i64: 1, 128>}, {pipeline_mode = #tpu.pipeline_mode<synchronous>, transform_indices = @transform_5, window_bounds = array<i64: 1, 128>}, {pipeline_mode = #tpu.pipeline_mode<synchronous>, transform_indices = @transform_6, window_bounds = array<i64: 1, 128>}, {transform_indices = @transform_7, window_bounds = array<i64: 2000, 128>}]} {
    %get3A = arith.constant 0 : index
    %get3A_0 = arith.constant 0 : index
    %get3A_1 = vector.load %arg4[%get3A, %get3A_0] : memref<2000x1xf32, #tpu.memory_space<vmem>>, vector<2000x1xf32>
    %add3A = arith.constant 1.000000e+00 : f32
    %add3A_2 = vector.broadcast %add3A : f32 to vector<2000x1xf32>
    %add3A_3 = arith.addf %get3A_1, %add3A_2 : vector<2000x1xf32>
    %rsqrt3A = math.rsqrt %add3A_3 : vector<2000x1xf32>
    %get3A_4 = arith.constant 0 : index
    %get3A_5 = arith.constant 0 : index
    %get3A_6 = vector.load %arg1[%get3A_4, %get3A_5] : memref<2000x128xf32, #tpu.memory_space<vmem>>, vector<2000x128xf32>
    %get3A_7 = arith.constant 0 : index
    %get3A_8 = arith.constant 0 : index
    %get3A_9 = vector.load %arg2[%get3A_7, %get3A_8] : memref<2000x128xf32, #tpu.memory_space<vmem>>, vector<2000x128xf32>
    %add3A_10 = arith.addf %get3A_6, %get3A_9 : vector<2000x128xf32>
    %get3A_11 = arith.constant 0 : index
    %get3A_12 = arith.constant 0 : index
    %get3A_13 = vector.load %arg3[%get3A_11, %get3A_12] : memref<2000x128xf32, #tpu.memory_space<vmem>>, vector<2000x128xf32>
    %add3A_14 = arith.addf %add3A_10, %get3A_13 : vector<2000x128xf32>
    %mul3A = vector.broadcast %rsqrt3A : vector<2000x1xf32> to vector<2000x128xf32>
    %mul3A_15 = arith.mulf %add3A_14, %mul3A : vector<2000x128xf32>
    %get3A_16 = arith.constant 0 : index
    %get3A_17 = arith.constant 0 : index
    %get3A_18 = vector.load %arg5[%get3A_16, %get3A_17] : memref<1x128xf32, #tpu.memory_space<vmem>>, vector<1x128xf32>
    %add3A_19 = vector.broadcast %get3A_18 : vector<1x128xf32> to vector<2000x128xf32>
    %add3A_20 = arith.addf %mul3A_15, %add3A_19 : vector<2000x128xf32>
    %reduce_sum3A = arith.constant dense<0.000000e+00> : vector<2000xf32>
    %reduce_sum3A_21 = vector.multi_reduction <add>, %add3A_20, %reduce_sum3A [1] : vector<2000x128xf32> to vector<2000xf32>
    %broadcast_in_dim3A = vector.shape_cast %reduce_sum3A_21 : vector<2000xf32> to vector<2000x1xf32>
    %div3A = arith.constant 1.280000e+02 : f32
    %div3A_22 = vector.broadcast %div3A : f32 to vector<2000x1xf32>
    %div3A_23 = arith.divf %broadcast_in_dim3A, %div3A_22 : vector<2000x1xf32>
    %sub3A = vector.broadcast %div3A_23 : vector<2000x1xf32> to vector<2000x128xf32>
    %sub3A_24 = arith.subf %add3A_20, %sub3A : vector<2000x128xf32>
    %mul3A_25 = arith.mulf %sub3A_24, %sub3A_24 : vector<2000x128xf32>
    %reduce_sum3A_26 = arith.constant dense<0.000000e+00> : vector<2000xf32>
    %reduce_sum3A_27 = vector.multi_reduction <add>, %mul3A_25, %reduce_sum3A_26 [1] : vector<2000x128xf32> to vector<2000xf32>
    %broadcast_in_dim3A_28 = vector.shape_cast %reduce_sum3A_27 : vector<2000xf32> to vector<2000x1xf32>
    %div3A_29 = arith.constant 1.280000e+02 : f32
    %div3A_30 = vector.broadcast %div3A_29 : f32 to vector<2000x1xf32>
    %div3A_31 = arith.divf %broadcast_in_dim3A_28, %div3A_30 : vector<2000x1xf32>
    %add3A_32 = arith.constant 9.99999974E-6 : f32
    %add3A_33 = vector.broadcast %add3A_32 : f32 to vector<2000x1xf32>
    %add3A_34 = arith.addf %div3A_31, %add3A_33 : vector<2000x1xf32>
    %rsqrt3A_35 = math.rsqrt %add3A_34 : vector<2000x1xf32>
    %mul3A_36 = vector.broadcast %rsqrt3A_35 : vector<2000x1xf32> to vector<2000x128xf32>
    %mul3A_37 = arith.mulf %sub3A_24, %mul3A_36 : vector<2000x128xf32>
    %get3A_38 = arith.constant 0 : index
    %get3A_39 = arith.constant 0 : index
    %get3A_40 = vector.load %arg6[%get3A_38, %get3A_39] : memref<1x128xf32, #tpu.memory_space<vmem>>, vector<1x128xf32>
    %mul3A_41 = vector.broadcast %get3A_40 : vector<1x128xf32> to vector<2000x128xf32>
    %mul3A_42 = arith.mulf %mul3A_37, %mul3A_41 : vector<2000x128xf32>
    %get3A_43 = arith.constant 0 : index
    %get3A_44 = arith.constant 0 : index
    %get3A_45 = vector.load %arg7[%get3A_43, %get3A_44] : memref<1x128xf32, #tpu.memory_space<vmem>>, vector<1x128xf32>
    %add3A_46 = vector.broadcast %get3A_45 : vector<1x128xf32> to vector<2000x128xf32>
    %add3A_47 = arith.addf %mul3A_42, %add3A_46 : vector<2000x128xf32>
    %max3A = arith.constant 0.000000e+00 : f32
    %max3A_48 = vector.broadcast %max3A : f32 to vector<2000x128xf32>
    %max3A_49 = arith.maximumf %add3A_47, %max3A_48 : vector<2000x128xf32>
    %swap3A = arith.constant 0 : index
    %swap3A_50 = arith.constant 0 : index
    %swap3A_51 = vector.load %arg8[%swap3A, %swap3A_50] : memref<2000x128xf32, #tpu.memory_space<vmem>>, vector<2000x128xf32>
    tpu.vector_store %arg8[%swap3A, %swap3A_50], %max3A_49 {strides = array<i32>} : memref<2000x128xf32, #tpu.memory_space<vmem>>, vector<2000x128xf32>,
    return
  }
  func.func @transform_0(%arg0: i32) -> (i32, i32) {
    %c0_i32 = arith.constant 0 : i32
    %c0_i32_0 = arith.constant 0 : i32
    return %arg0, %c0_i32 : i32, i32
  }
  func.func @transform_1(%arg0: i32) -> (i32, i32) {
    %add3A = arith.constant 5 : i32
    %add3A_0 = arith.addi %arg0, %add3A : i32
    %c0_i32 = arith.constant 0 : i32
    %c0_i32_1 = arith.constant 0 : i32
    return %add3A_0, %c0_i32 : i32, i32
  }
  func.func @transform_2(%arg0: i32) -> (i32, i32) {
    %c0_i32 = arith.constant 0 : i32
    %c0_i32_0 = arith.constant 0 : i32
    return %arg0, %c0_i32 : i32, i32
  }
  func.func @transform_3(%arg0: i32) -> (i32, i32) {
    %c0_i32 = arith.constant 0 : i32
    %c0_i32_0 = arith.constant 0 : i32
    return %arg0, %c0_i32 : i32, i32
  }
  func.func @transform_4(%arg0: i32) -> (i32, i32) {
    %c0_i32 = arith.constant 0 : i32
    %c0_i32_0 = arith.constant 0 : i32
    %c0_i32_1 = arith.constant 0 : i32
    return %c0_i32, %c0_i32_0 : i32, i32
  }
  func.func @transform_5(%arg0: i32) -> (i32, i32) {
    %c0_i32 = arith.constant 0 : i32
    %c0_i32_0 = arith.constant 0 : i32
    %c0_i32_1 = arith.constant 0 : i32
    return %c0_i32, %c0_i32_0 : i32, i32
  }
  func.func @transform_6(%arg0: i32) -> (i32, i32) {
    %c0_i32 = arith.constant 0 : i32
    %c0_i32_0 = arith.constant 0 : i32
    %c0_i32_1 = arith.constant 0 : i32
    return %c0_i32, %c0_i32_0 : i32, i32
  }
  func.func @transform_7(%arg0: i32) -> (i32, i32) {
    %c0_i32 = arith.constant 0 : i32
    %c0_i32_0 = arith.constant 0 : i32
    return %arg0, %c0_i32 : i32, i32
  }
}

</mosaic_0001>

<sc_bundles>
// kernel: kernel.6.cloned.1.call-start
scs
__scs_entry_jumppad:
0x0: {  	(pc) =	sbr.rel $0x88, $3  }
0x1: {  	(tag) =	ssettag $0x0;
	lr =	simm.s32 $0x1  }
0x2: {  	[smem:$0x3F9B] =	sst lr;
	_ =	strace $0xD0000000  }
0x3: {  	_ = 	snop  }
0x4: {  	_ = 	snop  }
0x5: {  	_ = 	snop  }
0x6: {  	_ = 	snop  }
0x7: {  	_ = 	snop  }
__scs_overlays_trampoline_lowered:
0x8: {  	[smem:$0x3FAA] =	sst s0  }
0x9: {  	[smem:$0x3FAB] =	sst s1  }
0xa: {  	[smem:$0x3FAC] =	sst s2  }
0xb: {  	[smem:$0x3FAD] =	sst s3  }
0xc: {  	[smem:$0x3FAE] =	sst s4  }
0xd: {  	[smem:$0x3FAF] =	sst s5  }
0xe: {  	[smem:$0x3FB0] =	sst s6  }
0xf: {  	[smem:$0x3FB1] =	sst s7  }
0x10: {  	[smem:$0x3FB2] =	sst s8  }
0x11: {  	[smem:$0x3FB3] =	sst s9;
	s0 =	simm.s32 @!p0 $0x0  }
0x12: {  	s1 =	sld [smem:$0x3F99];
	s0 =	simm.s32 @p0 $0x1  }
0x13: {  	[smem:$0x3FB4] =	sst s0;
	s0 =	simm.s32 @!p1 $0x0  }
0x14: {  	s2 =	sld [smem:$0x3F98];
	s0 =	simm.s32 @p1 $0x1  }
0x15: {  	[smem:$0x3FB5] =	sst s0;
	s0 =	simm.s32 @!p2 $0x0  }
0x16: {  	s3 =	sld [smem:$0x3FDB];
	s0 =	simm.s32 @p2 $0x1  }
0x17: {  	s4 =	simm.s32 $0x1BF5;
	[smem:$0x3FB7] =	sst s0  }
0x18: {  	s0 =	sld [smem:$0x3F9A];
	_ =	swait.ge [sflag:s4], $0x0  }
0x19: {  	s7 =	sld [smem:$0x3F9B]  }
0x1a: {  	s8 =	sadd.s32 $0xFFFFE003, lr  }
0x1b: {  	s9 =	sadd.s32 $0xFFFFFEF7, lr;
	s5 =	simm.s32 $0xFFFFFFFF;
	p2 =	slt.u32 s8, $0xFFFFF086  }
0x1c: {  	p1 =	slt.u32 s9, $0xF7A;
	s5 =	simm.s32 @!p2 $0x0  }
0x1d: {  	s5 =	simm.s32 @p1 $0x1;
	p0 =	seq.s32 s7, s2  }
0x1e: {  	s7 =	smul.u32 @!p0 $0xF7A, s2;
	p2 =	seq.s32 @!p0 s5, $0x0  }
0x1f: {  	s9 =	smul.u32 $0xF7A, s1;
	s8 =	simm.s32 @!p0 $0x1BF5;
	p2 =	por !p2, p0  }
0x20: {  	[sflag:s8] =	ssyncset.s32 @!p0 $0xFFFFF086;
	s6 =	sadd.s32 @!p0 s3, s7;
	s7 =	simm.s32 @!p0 $0x108  }
0x21: {  	s3 =	sadd.s32 s3, s9;
	s6 =	sadd.s32 @!p0 $0x88, s6;
	s7 =	simm.s32 @p2 $0x1082  }
0x22: {  	[simem:s7], [sflag:s8] =	dma.local @!p0 [hbm:s6], $0xF7A  }
0x23: {  	s9 =	sor.u32 $0xD0000000, s2;
	s6 =	simm.s32 $0x108;
	_ =	swait.ge @!p0 [sflag:s8], $0x0  }
0x24: {  	s3 =	sadd.s32 $0x88, s3;
	s6 =	simm.s32 @!p1 $0x1082;
	[sflag:s4] =	ssyncset.s32 $0xFFFFF086  }
0x25: {  	[simem:s6], [sflag:s4] =	dma.local [hbm:s3], $0xF7A  }
0x26: {  	[smem:$0x3F9B] =	sst s1;
	(tag) =	ssettag s2;
	_ =	strace s9  }
0x27: {  	s1 =	sld [smem:$0x3FAB]  }
0x28: {  	s2 =	sld [smem:$0x3FAC]  }
0x29: {  	s4 =	sld [smem:$0x3FAE]  }
0x2a: {  	p0 =	seq.s32 s5, $0x0;
	s5 =	sld [smem:$0x3FAF]  }
0x2b: {  	s6 =	sld [smem:$0x3FB0]  }
0x2c: {  	s7 =	sld [smem:$0x3FB1]  }
0x2d: {  	s3 =	simm.s32 $0x108;
	s8 =	sld [smem:$0x3FB2]  }
0x2e: {  	s3 =	simm.s32 @!p0 $0x1082;
	s9 =	sld [smem:$0x3FB3]  }
0x2f: {  	lr =	sadd.s32 s0, s3;
	s0 =	sld [smem:$0x3FAA]  }
0x30: {  	s3 =	sld [smem:$0x3FAD]  }
0x31: {  	[smem:$0x3FB6] =	sst s10  }
0x32: {  	s10 =	sld [smem:$0x3FB4];
	_ =	sdelay $0x3  }
0x33: {  	p0 =	seq.s32 s10, $0x1;
	s10 =	sld [smem:$0x3FB6];
	_ =	sdelay $0x3  }
0x34: {  	[smem:$0x3FB6] =	sst s10  }
0x35: {  	s10 =	sld [smem:$0x3FB5];
	_ =	sdelay $0x3  }
0x36: {  	p1 =	seq.s32 s10, $0x1;
	s10 =	sld [smem:$0x3FB6];
	_ =	sdelay $0x3  }
0x37: {  	[smem:$0x3FB6] =	sst s10  }
0x38: {  	s10 =	sld [smem:$0x3FB7]  }
0x39: {  	_ = 	snop;
	(pc) =	sbr.ind lr, $3  }
0x3a: {  	_ = 	snop  }
0x3b: {  	_ = 	snop  }
0x3c: {  	p2 =	seq.s32 s10, $0x1;
	s10 =	sld [smem:$0x3FB6]  }
0x3d: {  	_ =	shalt  }
0x3e: {  	_ =	shalt  }
0x3f: {  	_ =	shalt  }
0x40: {  	_ =	shalt  }
0x41: {  	_ =	shalt  }
0x42: {  	_ =	shalt  }
0x43: {  	_ =	shalt  }
0x44: {  	_ =	shalt  }
0x45: {  	_ =	shalt  }
0x46: {  	_ =	shalt  }
0x47: {  	_ =	shalt  }
0x48: {  	_ =	shalt  }
0x49: {  	_ =	shalt  }
0x4a: {  	_ =	shalt  }
0x4b: {  	_ =	shalt  }
0x4c: {  	_ =	shalt  }
0x4d: {  	_ =	shalt  }
0x4e: {  	_ =	shalt  }
0x4f: {  	_ =	shalt  }
0x50: {  	_ =	shalt  }
0x51: {  	_ =	shalt  }
0x52: {  	_ =	shalt  }
0x53: {  	_ =	shalt  }
0x54: {  	_ =	shalt  }
0x55: {  	_ =	shalt  }
0x56: {  	_ =	shalt  }
0x57: {  	_ =	shalt  }
0x58: {  	_ =	shalt  }
0x59: {  	_ =	shalt  }
0x5a: {  	_ =	shalt  }
0x5b: {  	_ =	shalt  }
0x5c: {  	_ =	shalt  }
0x5d: {  	_ =	shalt  }
0x5e: {  	_ =	shalt  }
0x5f: {  	_ =	shalt  }
0x60: {  	_ =	shalt  }
0x61: {  	_ =	shalt  }
0x62: {  	_ =	shalt  }
0x63: {  	_ =	shalt  }
0x64: {  	_ =	shalt  }
0x65: {  	_ =	shalt  }
0x66: {  	_ =	shalt  }
0x67: {  	_ =	shalt  }
0x68: {  	_ =	shalt  }
0x69: {  	_ =	shalt  }
0x6a: {  	_ =	shalt  }
0x6b: {  	_ =	shalt  }
0x6c: {  	_ =	shalt  }
0x6d: {  	_ =	shalt  }
0x6e: {  	_ =	shalt  }
0x6f: {  	_ =	shalt  }
0x70: {  	_ =	shalt  }
0x71: {  	_ =	shalt  }
0x72: {  	_ =	shalt  }
0x73: {  	_ =	shalt  }
0x74: {  	_ =	shalt  }
0x75: {  	_ =	shalt  }
0x76: {  	_ =	shalt  }
0x77: {  	_ =	shalt  }
0x78: {  	_ =	shalt  }
0x79: {  	_ =	shalt  }
0x7a: {  	_ =	shalt  }
0x7b: {  	_ =	shalt  }
0x7c: {  	_ =	shalt  }
0x7d: {  	_ =	shalt  }
0x7e: {  	_ =	shalt  }
0x7f: {  	_ =	shalt  }
0x80: {  	_ =	shalt  }
0x81: {  	_ =	shalt  }
0x82: {  	_ =	shalt  }
0x83: {  	_ =	shalt  }
0x84: {  	_ =	shalt  }
0x85: {  	_ =	shalt  }
0x86: {  	_ =	shalt  }
0x87: {  	_ =	shalt  }
.Lfunc_end0:
.L_simem_size_0:
called_computation_lowered:
.L_overlay_start_0:
0x88: {  	s2 =	sld [smem:$0x3FD9]  }
0x89: {  	s3 =	sld [smem:$0x3FFE];
	_ =	sdelay $0x1  }
0x8a: {  	s1 =	srdreg.scid  }
0x8b: {  	s0 =	sand.u32 $0x1, s1  }
0x8c: {  	s17 =	sshll.u32 s0, $0xA;
	s2 =	sadd.s32 s3, s2  }
0x8d: {  	s2 =	sadd.s32 s2, s17  }
0x8e: {  	[smem:$0x3FC2] =	sst s2  }
0x8f: {  	_ = 	snop  }
0x90: {  	s2 =	sld [smem:$0x3FD0];
	(tm) =	ssettm $0x1  }
0x91: {  	s18 =	sld [smem:$0x3FFB];
	_ =	sdelay $0x3  }
0x92: {  	_ =	strace s18  }
0x93: {  	s3 =	sld [smem:$0x3FFC];
	_ =	sdelay $0x3  }
0x94: {  	_ =	strace s3  }
0x95: {  	s3 =	sld [smem:$0x3FFD];
	_ =	sdelay $0x3  }
0x96: {  	_ =	strace s3  }
0x97: {  	_ =	strace $0x8FFFFFFF  }
0x98: {  	s19 =	sld [smem:$0x3FDB];
	_ =	sdelay $0x1  }
0x99: {  	s4 =	simm.s32 $_scs_section_size  }
0x9a: {  	s5 =	simm.s32 $_size__tile_overlayer_lowered;
	s6 =	simm.s32 $_tile_overlayer_lowered  }
0x9b: {  	s22 =	simm.s32 $0x1BFF;
	s21 =	sshll.u32 s6, $0x1;
	s3 =	sadd.s32 s4, s19  }
0x9c: {  	s7 =	simm.s32 $0x0;
	s20 =	sshll.u32 s5, $0x1;
	s5 =	sadd.s32 s21, s3  }
0x9d: {  	[timem:s7], [sflag:s22] =	dma.local [hbm:s5], s20  }
0x9e: {  	_ =	swait.ge [sflag:s22], s20  }
0x9f: {  	s4 =	ssub.s32 $0x0, s20;
	[sflag:s22] =	ssyncset.done $0x0  }
0xa0: {  	[sflag:s22] =	ssyncadd.s32 s4;
	_ =	sdelay $0x1  }
0xa1: {  	s23 =	simm.s32 $0x1B8B  }
0xa2: {  	_ =	swait.ge [sflag:s23], $0x1  }
0xa3: {  	[sflag:s23] =	ssyncset.done $0x0  }
0xa4: {  	s25 =	simm.s32 $0x1B8E;
	s24 =	sld [smem:$0x3FFE];
	[sflag:s23] =	ssyncadd.s32 $0xFFFFFFFF  }
0xa5: {  	s26 =	simm.s32 $execute0_lowered;
	[smem:$0x3FD2] =	sst s25  }
0xa6: {  	s5 =	sshll.u32 s26, $0x1;
	_ =	strace $0x80000046;
	[dreg:$0x1] =	wrdreg $0xFFFFFFFF  }
0xa7: {  	s28 =	simm.s32 $_size_execute0_lowered;
	s3 =	sadd.s32 s3, s5;
	[dreg:$0x0] =	wrdreg $0x0  }
0xa8: {  	s5 =	sshll.u32 s28, $0x1;
	[dreg:$0x2] =	wrdreg s3  }
0xa9: {  	[dreg:$0x3] =	wrdreg s5  }
0xaa: {  	[dreg:$0x4] =	wrdreg $0xC0  }
0xab: {  	_ =	task [dreg:s7], $0x5FFFF  }
0xac: {  	[dreg:$0x1] =	wrdreg $0xFFFFFFFF  }
0xad: {  	[dreg:$0x0] =	wrdreg $0x60  }
0xae: {  	[dreg:$0x2] =	wrdreg s24  }
0xaf: {  	[dreg:$0x3] =	wrdreg s2  }
0xb0: {  	[dreg:$0x4] =	wrdreg $0x53000  }
0xb1: {  	[dreg:$0x5] =	wrdreg $0x9  }
0xb2: {  	_ =	task.clear_ibuf [dreg:s7], $0x6FFFF;
	_ =	strace $0x90000046  }
0xb3: {  	s29 =	simm.s32 $0x9;
	_ =	strace $0x80000048  }
0xb4: {  	_ =	swait.ge [sflag:s29], $0x1  }
0xb5: {  	[sflag:s29] =	ssyncadd.s32 $0xFFFFFFFF  }
0xb6: {  	_ =	strace $0x90000048  }
0xb7: {  	_ =	sfence  }
0xb8: {  	s30 =	sld [smem:$0x0];
	_ =	sdelay $0x2  }
0xb9: {  	s31 =	sshll.u32 s1, $0xD;
	s1 =	sshrl.u32 s1, $0x2  }
0xba: {  	s3 =	sand.u32 $0x4000, s31;
	s1 =	sadd.s32 s1, s30  }
0xbb: {  	s0 =	sor.u32 s3, s0;
	s1 =	sshll.u32 s1, $0x11  }
0xbc: {  	s0 =	sor.u32 s1, s0  }
0xbd: {  	s0 =	sadd.s32 $0x8F2B, s0  }
0xbe: {  	[sflag:s0] =	ssyncadd.remote.s32 $0x1  }
0xbf: {  	_ =	sfence.sel $0xFFFF  }
0xc0: {  	[dreg:$0x0] =	wrdreg $0xFFFFFFFF;
	(pc) =	sbr.abs _section_cstart, $3  }
0xc1: {  	[dreg:$0x1] =	wrdreg $0xFFFFFFFF  }
0xc2: {  	_ =	task.clear_ibuf [dreg:s7], $0x2FFFF;
	_ =	strace $0x9FFFFFFF  }
0xc3: {  	(tm) =	ssettm $0x7FFFFFFF  }
tec
execute0_lowered:
.L_overlay_start_1:
0x0: {  	(tag) =	ssettag $0x1  }
0x1: {  	s4 =	rddreg [dreg:$0x0]  }
0x2: {  	s1 =	srdreg.scid;
	s7 =	rddreg [dreg:$0x1]  }
0x3: {  	s0 =	stileid.u32;
	s2 =	rddreg [dreg:$0x2];
	s3 =	simm.s32 $0x0  }
0x4: {  	s12 =	simm.s32 $0x80;
	s13 =	simm.s32 $0x5000;
	s14 =	simm.s32 $0x2  }
0x5: {  	s5 =	sand.u32 $0x1, s1;
	s29 =	sshll.u32 s0, $0x1;
	s9 =	smul.u32 $0x280, s0  }
0x6: {  	s6 =	sor.u32 s5, s29;
	s10 =	ssub.s32 $0x2, s5;
	s5 =	smul.u32 $0x2800, s5  }
0x7: {  	s17 =	simm.s32 $0x0;
	s1 =	rddreg [dreg:$0x3];
	s8 =	smul.u32 $0xA00, s6  }
0x8: {  	[smem:$0x7FF] =	sst s3;
	s15 =	sshll.u32 s0, $0x6;
	s6 =	smul.u32 $0xFFFFFFB0, s6  }
0x9: {  	_ =	strace $0x80000047;
	s15 =	sor.u32 $0x1C03, s15;
	s30 =	sshrl.u32 s10, $0x1  }
0xa: {  	s10 =	ssub.s32 s10, s30;
	s11 =	sadd.s32 s9, s5;
	p0 =	slt.s32 s6, $0xFFFFF68C  }
0xb: {  	s8 =	sadd.s32 s8, s4;
	s31 =	sshrl.u32 s11, $0x3;
	s11 =	simm.s32 $0x1  }
0xc: {  	s6 =	simm.s32 @!p0 $0xFFFFF68C;
	s5 =	sadd.s32 $0x2000, s8;
	s7 =	sadd.s32 s7, s31  }
0xd: {  	s8 =	smax.u32 s10, $0x1;
	s4 =	sadd.s32 $0x9C4, s6;
	s6 =	sadd.s32 s9, s2  }
0xe: {  	v0 =	vimm.f32 $1.000000000e+00;
	v1 =	vimm.f32 $0.0e+00;
	s10 =	simm.s32 $0x3;
	s9 =	simm.s32 $0x5080;
	s16 =	sshrl.u32 s6, $0x3  }
.LBB2_1:
0xf: {  	[tilespmem:s3], [sflag:$0x1] =	stream.linear.gather [hbm4b:s5+s3], $0x5000, $0x38;
	[tilespmem:$0x5580] =	vst v63  }
0x10: {  	[tilespmem:$0x5000] =	vst v0  }
0x11: {  	[tilespmem:$0x5010] =	vst v0  }
0x12: {  	[tilespmem:$0x5020] =	vst v0  }
0x13: {  	[tilespmem:$0x5030] =	vst v0  }
0x14: {  	[tilespmem:$0x5040] =	vst v0  }
0x15: {  	[tilespmem:$0x5050] =	vst v0  }
0x16: {  	[tilespmem:$0x5060] =	vst v0  }
0x17: {  	[tilespmem:$0x5070] =	vst v0  }
0x18: {  	[tilespmem:$0x5080] =	vst v1  }
0x19: {  	[tilespmem:$0x5090] =	vst v1  }
0x1a: {  	[tilespmem:$0x50A0] =	vst v1  }
0x1b: {  	[tilespmem:$0x50B0] =	vst v1  }
0x1c: {  	[tilespmem:$0x50C0] =	vst v1  }
0x1d: {  	[tilespmem:$0x50D0] =	vst v1  }
0x1e: {  	[tilespmem:$0x50E0] =	vst v1  }
0x1f: {  	[tilespmem:$0x50F0] =	vst v1  }
0x20: {  	[tilespmem:$0x5100] =	vst v1  }
0x21: {  	[tilespmem:$0x5110] =	vst v1  }
0x22: {  	[tilespmem:$0x5120] =	vst v1  }
0x23: {  	[tilespmem:$0x5130] =	vst v1  }
0x24: {  	[tilespmem:$0x5140] =	vst v1  }
0x25: {  	[tilespmem:$0x5150] =	vst v1  }
0x26: {  	[tilespmem:$0x5160] =	vst v1  }
0x27: {  	[tilespmem:$0x5170] =	vst v1  }
0x28: {  	[tilespmem:$0x5180] =	vst v1  }
0x29: {  	[tilespmem:$0x5190] =	vst v1  }
0x2a: {  	[tilespmem:$0x51A0] =	vst v1  }
0x2b: {  	[tilespmem:$0x51B0] =	vst v1  }
0x2c: {  	[tilespmem:$0x51C0] =	vst v1  }
0x2d: {  	[tilespmem:$0x51D0] =	vst v1  }
0x2e: {  	[tilespmem:$0x51E0] =	vst v1  }
0x2f: {  	[tilespmem:$0x51F0] =	vst v1  }
0x30: {  	[tilespmem:$0x5200] =	vst v1  }
0x31: {  	[tilespmem:$0x5210] =	vst v1  }
0x32: {  	[tilespmem:$0x5220] =	vst v1  }
0x33: {  	[tilespmem:$0x5230] =	vst v1  }
0x34: {  	[tilespmem:$0x5240] =	vst v1  }
0x35: {  	[tilespmem:$0x5250] =	vst v1  }
0x36: {  	[tilespmem:$0x5260] =	vst v1  }
0x37: {  	[tilespmem:$0x5270] =	vst v1  }
0x38: {  	[tilespmem:$0x5280] =	vst v1  }
0x39: {  	[tilespmem:$0x5290] =	vst v1  }
0x3a: {  	[tilespmem:$0x52A0] =	vst v1  }
0x3b: {  	[tilespmem:$0x52B0] =	vst v1  }
0x3c: {  	[tilespmem:$0x52C0] =	vst v1  }
0x3d: {  	[tilespmem:$0x52D0] =	vst v1  }
0x3e: {  	[tilespmem:$0x52E0] =	vst v1  }
0x3f: {  	[tilespmem:$0x52F0] =	vst v1  }
0x40: {  	[spmem:s6] =	stream.linear.scatter [tilespmem:s9], [sflag:$0x3], $0x280, $0x38;
	[tilespmem:$0x5580] =	vst v63  }
0x41: {  	_ =	swait.ge [sflag:s10], $0x280  }
0x42: {  	[sflag:s10] =	ssyncset.done $0x0  }
0x43: {  	p0 =	sgt.u32 s4, $0x1;
	[sflag:s10] =	ssyncadd.s32 $0xFFFFFD80  }
.Ltmp0:
0x44: {  	_ =	swait.ge [sflag:s11], $0x5000;
	(pc) =	sbr.rel @!p0 .LBB2_3-.Ltmp0, $4  }
0x45: {  	[sflag:s11] =	ssyncset.done $0x0  }
0x46: {  	[sflag:s11] =	ssyncadd.s32 $0xFFFFB000  }
0x47: {  	s18 =	simm.s32 $0x1;
	s19 =	simm.s32 $0x80;
	[bflag:$0x0] =	sbarrier.arrive $0xFFFF  }
0x48: {  	[spmem:s2] =	stream.indirect.scatter.add.f32 [tilespmem:s13], [sflag:$0x2], $0x1, s12, s12, $0xb8;
	[tilespmem:$0x5580] =	vst v63  }
.LBB2_2:
0x49: {  	s18 =	sadd.s32 $0x1, s18  }
0x4a: {  	p0 =	slt.u32 s18, s4  }
.Ltmp1:
0x4b: {  	_ = 	snop;
	(pc) =	sbr.rel @p0 .LBB2_2-.Ltmp1, $3  }
0x4c: {  	_ = 	snop  }
0x4d: {  	s19 =	sadd.s32 $0x100, s19;
	_ =	sdelay $0x1  }
0x4e: {  	[spmem:s2] =	stream.indirect.scatter.add.f32 [tilespmem:s13], [sflag:$0x2], $0x1, s19, s12, $0xb8;
	[tilespmem:$0x5580] =	vst v63  }
.LBB2_3:
0x4f: {  	p0 =	sgt.u32 s4, $0x1  }
.Ltmp2:
0x50: {  	_ = 	snop;
	(pc) =	sbr.rel @!p0 .LBB2_5-.Ltmp2, $3  }
0x51: {  	_ =	sdelay $0x1  }
0x52: {  	_ =	swait.ge [sflag:s14], $0x80  }
0x53: {  	s18 =	simm.s32 $0x1;
	[sflag:s14] =	ssyncset.done $0x0  }
.LBB2_4:
0x54: {  	s18 =	sadd.s32 $0x1, s18  }
0x55: {  	[sflag:s14] =	ssyncadd.s32 $0xFFFFFF80;
	p0 =	slt.u32 s18, s4  }
.Ltmp3:
0x56: {  	(pc) =	sbr.rel @p0 .LBB2_4-.Ltmp3, $3  }
0x57: {  	_ =	sdelay $0x1  }
0x58: {  	_ =	swait.ge [sflag:s14], $0x80  }
0x59: {  	[sflag:s14] =	ssyncset.done $0x0  }
.LBB2_5:
0x5a: {  	s17 =	sadd.s32 $0x1, s17  }
0x5b: {  	[sflag:s14] =	ssyncadd.s32 $0xFFFFFF80;
	p0 =	sne.s32 s17, s8  }
.Ltmp4:
0x5c: {  	[bflag:$0x0] =	sbarrier.arrive $0xFFFF;
	(pc) =	sbr.rel @p0 .LBB2_1-.Ltmp4, $4  }
0x5d: {  	[hbm:s7], [sflag:s15] =	dma.local [spmem:s16], $0x50  }
0x5e: {  	_ =	swait.ge [sflag:s10], $0x50  }
0x5f: {  	[sflag:s10] =	ssyncset.done $0x0  }
0x60: {  	[sflag:s10] =	ssyncadd.s32 $0xFFFFFFB0  }
0x61: {  	_ =	sfence.sel $0x180000  }
0x62: {  	[bflag:$0x0] =	sbarrier.arrive $0xFFFF  }
0x63: {  	p0 =	sne.s32 s0, $0x0;
	_ =	strace $0x90000047  }
0x64: {  	s0 =	sadd.s32 @!p0 $0x100000, s1;
	[bflag:$0x2] =	sbarrier.arrive $0xFFFF  }
0x65: {  	[sflag:s0] =	ssyncadd.tile.s32 @!p0 $0x1;
	_ =	shalt  }
.Lfunc_end2:
_tile_overlayer_lowered:
.L_overlay_start_2:
0x66: {  	(tag) =	ssettag $0x2  }
0x67: {  	s0 =	rddreg [dreg:$0x0];
	s2 =	stileid.u32  }
0x68: {  	s1 =	rddreg [dreg:$0x1];
	p0 =	sne.s32 s2, $0x0  }
0x69: {  	s3 =	rddreg [dreg:$0x2];
	[bflag:$0x3] =	sbarrier.arrive $0xFFFF;
	s2 =	simm.s32 @!p0 $0x1C03  }
0x6a: {  	[timem:s3], [sflag:s2] =	dma.local @!p0 [hbm:s0], s1  }
0x6b: {  	s0 =	simm.s32 @!p0 $0x3  }
0x6c: {  	_ =	swait.ge @!p0 [sflag:s0], s1  }
0x6d: {  	s1 =	ssub.s32 @!p0 $0x0, s1;
	[sflag:s0] =	ssyncset.done @!p0 $0x0  }
0x6e: {  	[sflag:s0] =	ssyncadd.s32 @!p0 s1  }
0x6f: {  	[bflag:$0x3] =	sbarrier.arrive $0xFFFF  }
0x70: {  	_ =	shalt  }

// kernel: kernel.9.cloned.1.call-start
scs
__scs_entry_jumppad:
0x0: {  	(pc) =	sbr.rel $0x88, $3  }
0x1: {  	(tag) =	ssettag $0x0;
	lr =	simm.s32 $0x1  }
0x2: {  	[smem:$0x3F9B] =	sst lr;
	_ =	strace $0xD0000000  }
0x3: {  	_ = 	snop  }
0x4: {  	_ = 	snop  }
0x5: {  	_ = 	snop  }
0x6: {  	_ = 	snop  }
0x7: {  	_ = 	snop  }
__scs_overlays_trampoline_lowered:
0x8: {  	[smem:$0x3FAA] =	sst s0  }
0x9: {  	[smem:$0x3FAB] =	sst s1  }
0xa: {  	[smem:$0x3FAC] =	sst s2  }
0xb: {  	[smem:$0x3FAD] =	sst s3  }
0xc: {  	[smem:$0x3FAE] =	sst s4  }
0xd: {  	[smem:$0x3FAF] =	sst s5  }
0xe: {  	[smem:$0x3FB0] =	sst s6  }
0xf: {  	[smem:$0x3FB1] =	sst s7  }
0x10: {  	[smem:$0x3FB2] =	sst s8  }
0x11: {  	[smem:$0x3FB3] =	sst s9;
	s0 =	simm.s32 @!p0 $0x0  }
0x12: {  	s1 =	sld [smem:$0x3F99];
	s0 =	simm.s32 @p0 $0x1  }
0x13: {  	[smem:$0x3FB4] =	sst s0;
	s0 =	simm.s32 @!p1 $0x0  }
0x14: {  	s2 =	sld [smem:$0x3F98];
	s0 =	simm.s32 @p1 $0x1  }
0x15: {  	[smem:$0x3FB5] =	sst s0;
	s0 =	simm.s32 @!p2 $0x0  }
0x16: {  	s3 =	sld [smem:$0x3FDB];
	s0 =	simm.s32 @p2 $0x1  }
0x17: {  	s4 =	simm.s32 $0x1BF5;
	[smem:$0x3FB7] =	sst s0  }
0x18: {  	s0 =	sld [smem:$0x3F9A];
	_ =	swait.ge [sflag:s4], $0x0  }
0x19: {  	s7 =	sld [smem:$0x3F9B]  }
0x1a: {  	s8 =	sadd.s32 $0xFFFFE003, lr  }
0x1b: {  	s9 =	sadd.s32 $0xFFFFFEF7, lr;
	s5 =	simm.s32 $0xFFFFFFFF;
	p2 =	slt.u32 s8, $0xFFFFF086  }
0x1c: {  	p1 =	slt.u32 s9, $0xF7A;
	s5 =	simm.s32 @!p2 $0x0  }
0x1d: {  	s5 =	simm.s32 @p1 $0x1;
	p0 =	seq.s32 s7, s2  }
0x1e: {  	s7 =	smul.u32 @!p0 $0xF7A, s2;
	p2 =	seq.s32 @!p0 s5, $0x0  }
0x1f: {  	s9 =	smul.u32 $0xF7A, s1;
	s8 =	simm.s32 @!p0 $0x1BF5;
	p2 =	por !p2, p0  }
0x20: {  	[sflag:s8] =	ssyncset.s32 @!p0 $0xFFFFF086;
	s6 =	sadd.s32 @!p0 s3, s7;
	s7 =	simm.s32 @!p0 $0x108  }
0x21: {  	s3 =	sadd.s32 s3, s9;
	s6 =	sadd.s32 @!p0 $0x88, s6;
	s7 =	simm.s32 @p2 $0x1082  }
0x22: {  	[simem:s7], [sflag:s8] =	dma.local @!p0 [hbm:s6], $0xF7A  }
0x23: {  	s9 =	sor.u32 $0xD0000000, s2;
	s6 =	simm.s32 $0x108;
	_ =	swait.ge @!p0 [sflag:s8], $0x0  }
0x24: {  	s3 =	sadd.s32 $0x88, s3;
	s6 =	simm.s32 @!p1 $0x1082;
	[sflag:s4] =	ssyncset.s32 $0xFFFFF086  }
0x25: {  	[simem:s6], [sflag:s4] =	dma.local [hbm:s3], $0xF7A  }
0x26: {  	[smem:$0x3F9B] =	sst s1;
	(tag) =	ssettag s2;
	_ =	strace s9  }
0x27: {  	s1 =	sld [smem:$0x3FAB]  }
0x28: {  	s2 =	sld [smem:$0x3FAC]  }
0x29: {  	s4 =	sld [smem:$0x3FAE]  }
0x2a: {  	p0 =	seq.s32 s5, $0x0;
	s5 =	sld [smem:$0x3FAF]  }
0x2b: {  	s6 =	sld [smem:$0x3FB0]  }
0x2c: {  	s7 =	sld [smem:$0x3FB1]  }
0x2d: {  	s3 =	simm.s32 $0x108;
	s8 =	sld [smem:$0x3FB2]  }
0x2e: {  	s3 =	simm.s32 @!p0 $0x1082;
	s9 =	sld [smem:$0x3FB3]  }
0x2f: {  	lr =	sadd.s32 s0, s3;
	s0 =	sld [smem:$0x3FAA]  }
0x30: {  	s3 =	sld [smem:$0x3FAD]  }
0x31: {  	[smem:$0x3FB6] =	sst s10  }
0x32: {  	s10 =	sld [smem:$0x3FB4];
	_ =	sdelay $0x3  }
0x33: {  	p0 =	seq.s32 s10, $0x1;
	s10 =	sld [smem:$0x3FB6];
	_ =	sdelay $0x3  }
0x34: {  	[smem:$0x3FB6] =	sst s10  }
0x35: {  	s10 =	sld [smem:$0x3FB5];
	_ =	sdelay $0x3  }
0x36: {  	p1 =	seq.s32 s10, $0x1;
	s10 =	sld [smem:$0x3FB6];
	_ =	sdelay $0x3  }
0x37: {  	[smem:$0x3FB6] =	sst s10  }
0x38: {  	s10 =	sld [smem:$0x3FB7]  }
0x39: {  	_ = 	snop;
	(pc) =	sbr.ind lr, $3  }
0x3a: {  	_ = 	snop  }
0x3b: {  	_ = 	snop  }
0x3c: {  	p2 =	seq.s32 s10, $0x1;
	s10 =	sld [smem:$0x3FB6]  }
0x3d: {  	_ =	shalt  }
0x3e: {  	_ =	shalt  }
0x3f: {  	_ =	shalt  }
0x40: {  	_ =	shalt  }
0x41: {  	_ =	shalt  }
0x42: {  	_ =	shalt  }
0x43: {  	_ =	shalt  }
0x44: {  	_ =	shalt  }
0x45: {  	_ =	shalt  }
0x46: {  	_ =	shalt  }
0x47: {  	_ =	shalt  }
0x48: {  	_ =	shalt  }
0x49: {  	_ =	shalt  }
0x4a: {  	_ =	shalt  }
0x4b: {  	_ =	shalt  }
0x4c: {  	_ =	shalt  }
0x4d: {  	_ =	shalt  }
0x4e: {  	_ =	shalt  }
0x4f: {  	_ =	shalt  }
0x50: {  	_ =	shalt  }
0x51: {  	_ =	shalt  }
0x52: {  	_ =	shalt  }
0x53: {  	_ =	shalt  }
0x54: {  	_ =	shalt  }
0x55: {  	_ =	shalt  }
0x56: {  	_ =	shalt  }
0x57: {  	_ =	shalt  }
0x58: {  	_ =	shalt  }
0x59: {  	_ =	shalt  }
0x5a: {  	_ =	shalt  }
0x5b: {  	_ =	shalt  }
0x5c: {  	_ =	shalt  }
0x5d: {  	_ =	shalt  }
0x5e: {  	_ =	shalt  }
0x5f: {  	_ =	shalt  }
0x60: {  	_ =	shalt  }
0x61: {  	_ =	shalt  }
0x62: {  	_ =	shalt  }
0x63: {  	_ =	shalt  }
0x64: {  	_ =	shalt  }
0x65: {  	_ =	shalt  }
0x66: {  	_ =	shalt  }
0x67: {  	_ =	shalt  }
0x68: {  	_ =	shalt  }
0x69: {  	_ =	shalt  }
0x6a: {  	_ =	shalt  }
0x6b: {  	_ =	shalt  }
0x6c: {  	_ =	shalt  }
0x6d: {  	_ =	shalt  }
0x6e: {  	_ =	shalt  }
0x6f: {  	_ =	shalt  }
0x70: {  	_ =	shalt  }
0x71: {  	_ =	shalt  }
0x72: {  	_ =	shalt  }
0x73: {  	_ =	shalt  }
0x74: {  	_ =	shalt  }
0x75: {  	_ =	shalt  }
0x76: {  	_ =	shalt  }
0x77: {  	_ =	shalt  }
0x78: {  	_ =	shalt  }
0x79: {  	_ =	shalt  }
0x7a: {  	_ =	shalt  }
0x7b: {  	_ =	shalt  }
0x7c: {  	_ =	shalt  }
0x7d: {  	_ =	shalt  }
0x7e: {  	_ =	shalt  }
0x7f: {  	_ =	shalt  }
0x80: {  	_ =	shalt  }
0x81: {  	_ =	shalt  }
0x82: {  	_ =	shalt  }
0x83: {  	_ =	shalt  }
0x84: {  	_ =	shalt  }
0x85: {  	_ =	shalt  }
0x86: {  	_ =	shalt  }
0x87: {  	_ =	shalt  }
.Lfunc_end0:
.L_simem_size_0:
called_computation.1_lowered:
.L_overlay_start_0:
0x88: {  	s2 =	sld [smem:$0x3FD9]  }
0x89: {  	s3 =	sld [smem:$0x3FFE];
	_ =	sdelay $0x1  }
0x8a: {  	s1 =	srdreg.scid  }
0x8b: {  	s0 =	sand.u32 $0x1, s1  }
0x8c: {  	s17 =	sshll.u32 s0, $0xA;
	s2 =	sadd.s32 s3, s2  }
0x8d: {  	s2 =	sadd.s32 s2, s17  }
0x8e: {  	[smem:$0x3FC2] =	sst s2  }
0x8f: {  	_ = 	snop  }
0x90: {  	s2 =	sld [smem:$0x3FD0];
	(tm) =	ssettm $0x1  }
0x91: {  	s18 =	sld [smem:$0x3FFB];
	_ =	sdelay $0x3  }
0x92: {  	_ =	strace s18  }
0x93: {  	s3 =	sld [smem:$0x3FFC];
	_ =	sdelay $0x3  }
0x94: {  	_ =	strace s3  }
0x95: {  	s3 =	sld [smem:$0x3FFD];
	_ =	sdelay $0x3  }
0x96: {  	_ =	strace s3  }
0x97: {  	_ =	strace $0x8FFFFFFF  }
0x98: {  	s19 =	sld [smem:$0x3FDB];
	_ =	sdelay $0x1  }
0x99: {  	s4 =	simm.s32 $_scs_section_size  }
0x9a: {  	s5 =	simm.s32 $_size__tile_overlayer_lowered;
	s6 =	simm.s32 $_tile_overlayer_lowered  }
0x9b: {  	s22 =	simm.s32 $0x1BFF;
	s21 =	sshll.u32 s6, $0x1;
	s3 =	sadd.s32 s4, s19  }
0x9c: {  	s7 =	simm.s32 $0x0;
	s20 =	sshll.u32 s5, $0x1;
	s5 =	sadd.s32 s21, s3  }
0x9d: {  	[timem:s7], [sflag:s22] =	dma.local [hbm:s5], s20  }
0x9e: {  	_ =	swait.ge [sflag:s22], s20  }
0x9f: {  	s4 =	ssub.s32 $0x0, s20;
	[sflag:s22] =	ssyncset.done $0x0  }
0xa0: {  	[sflag:s22] =	ssyncadd.s32 s4;
	_ =	sdelay $0x1  }
0xa1: {  	s23 =	simm.s32 $0x1B8B  }
0xa2: {  	_ =	swait.ge [sflag:s23], $0x1  }
0xa3: {  	[sflag:s23] =	ssyncset.done $0x0  }
0xa4: {  	s25 =	simm.s32 $0x1B8E;
	s24 =	sld [smem:$0x3FFE];
	[sflag:s23] =	ssyncadd.s32 $0xFFFFFFFF  }
0xa5: {  	s26 =	simm.s32 $execute0_lowered;
	[smem:$0x3FD2] =	sst s25  }
0xa6: {  	s5 =	sshll.u32 s26, $0x1;
	_ =	strace $0x80000049;
	[dreg:$0x1] =	wrdreg $0xFFFFFFFF  }
0xa7: {  	s28 =	simm.s32 $_size_execute0_lowered;
	s3 =	sadd.s32 s3, s5;
	[dreg:$0x0] =	wrdreg $0x0  }
0xa8: {  	s5 =	sshll.u32 s28, $0x1;
	[dreg:$0x2] =	wrdreg s3  }
0xa9: {  	[dreg:$0x3] =	wrdreg s5  }
0xaa: {  	[dreg:$0x4] =	wrdreg $0xC0  }
0xab: {  	_ =	task [dreg:s7], $0x5FFFF  }
0xac: {  	[dreg:$0x1] =	wrdreg $0xFFFFFFFF  }
0xad: {  	[dreg:$0x0] =	wrdreg $0x60  }
0xae: {  	[dreg:$0x2] =	wrdreg s24  }
0xaf: {  	[dreg:$0x3] =	wrdreg s2  }
0xb0: {  	[dreg:$0x4] =	wrdreg $0xC4000  }
0xb1: {  	[dreg:$0x5] =	wrdreg $0x9  }
0xb2: {  	_ =	task.clear_ibuf [dreg:s7], $0x6FFFF;
	_ =	strace $0x90000049  }
0xb3: {  	s29 =	simm.s32 $0x9;
	_ =	strace $0x8000004B  }
0xb4: {  	_ =	swait.ge [sflag:s29], $0x1  }
0xb5: {  	[sflag:s29] =	ssyncadd.s32 $0xFFFFFFFF  }
0xb6: {  	_ =	strace $0x9000004B  }
0xb7: {  	_ =	sfence  }
0xb8: {  	s30 =	sld [smem:$0x0];
	_ =	sdelay $0x2  }
0xb9: {  	s31 =	sshll.u32 s1, $0xD;
	s1 =	sshrl.u32 s1, $0x2  }
0xba: {  	s3 =	sand.u32 $0x4000, s31;
	s1 =	sadd.s32 s1, s30  }
0xbb: {  	s0 =	sor.u32 s3, s0;
	s1 =	sshll.u32 s1, $0x11  }
0xbc: {  	s0 =	sor.u32 s1, s0  }
0xbd: {  	s0 =	sadd.s32 $0x8F2B, s0  }
0xbe: {  	[sflag:s0] =	ssyncadd.remote.s32 $0x1  }
0xbf: {  	_ =	sfence.sel $0xFFFF  }
0xc0: {  	[dreg:$0x0] =	wrdreg $0xFFFFFFFF;
	(pc) =	sbr.abs _section_cstart, $3  }
0xc1: {  	[dreg:$0x1] =	wrdreg $0xFFFFFFFF  }
0xc2: {  	_ =	task.clear_ibuf [dreg:s7], $0x2FFFF;
	_ =	strace $0x9FFFFFFF  }
0xc3: {  	(tm) =	ssettm $0x7FFFFFFF  }
tec
execute0_lowered:
.L_overlay_start_1:
0x0: {  	(tag) =	ssettag $0x1  }
0x1: {  	s0 =	srdreg.scid  }
0x2: {  	s13 =	stileid.u32;
	s1 =	rddreg [dreg:$0x0]  }
0x3: {  	s2 =	rddreg [dreg:$0x1];
	s4 =	simm.s32 $0x0;
	s20 =	simm.s32 $0x5  }
0x4: {  	s28 =	simm.s32 $0xB;
	s25 =	simm.s32 $0xC280;
	s30 =	simm.s32 $0x1  }
0x5: {  	s29 =	simm.s32 $0xC180;
	s31 =	simm.s32 $0x3;
	s0 =	sand.u32 $0x1, s0  }
0x6: {  	s3 =	sshll.u32 s13, $0x1;
	[smem:$0x7FF] =	sst s4;
	s10 =	sadd.s32 $0x2000, s1  }
0x7: {  	s1 =	sadd.s32 $0x16000, s1;
	p0 =	slt.u32 s13, $0xE;
	s18 =	sshll.u32 s13, $0x6  }
0x8: {  	s23 =	sshll.u32 s13, $0xB;
	s6 =	sor.u32 s0, s3;
	s3 =	rddreg [dreg:$0x2]  }
0x9: {  	_ =	strace $0x8000004A;
	s11 =	ssub.s32 $0x2, s0;
	s15 =	smul.u32 $0x138800, s0  }
0xa: {  	s19 =	smul.u32 $0x27100, s0;
	[dreg:$0xb] =	wrdreg s18;
	s22 =	sadd.s32 s18, s10  }
0xb: {  	s0 =	sshll.u32 s0, $0x5;
	s18 =	simm.s32 $0xC100;
	[dreg:$0x4] =	wrdreg s25  }
0xc: {  	s25 =	simm.s32 $0x7;
	s5 =	ssub.s32 $0x9C3, s6;
	s6 =	sshll.u32 s6, $0x5  }
0xd: {  	s12 =	sshrl.u32 s11, $0x1;
	s16 =	sadd.s32 $0x138000, s3;
	s5 =	sshrl.u32 s5, $0x5  }
0xe: {  	s14 =	sadd.s32 s10, s6;
	s11 =	ssub.s32 s11, s12;
	s17 =	sshrl.u32 s15, $0x3  }
0xf: {  	s15 =	sadd.s32 s0, s22;
	s22 =	simm.s32 $0x80;
	[dreg:$0xa] =	wrdreg s16  }
0x10: {  	s7 =	smul.u32 $0x56, s5;
	s9 =	sadd.s32 $0xFFFFFFFF, s5;
	[dreg:$0x6] =	wrdreg s14  }
0x11: {  	s12 =	sadd.s32 $0x400, s14;
	s14 =	sshll.u32 s13, $0xE;
	s8 =	smul.u32 $0xAB, s9  }
0x12: {  	s21 =	smax.u32 s11, $0x1;
	[dreg:$0x7] =	wrdreg s12;
	s7 =	sshrl.u32 s7, $0x8  }
0x13: {  	s12 =	simm.s32 $0x5;
	s7 =	smul.u32 $0x3, s7;
	s8 =	sshrl.u32 s8, $0x9  }
0x14: {  	s14 =	sadd.s32 s14, s3;
	[dreg:$0xd] =	wrdreg s21;
	s26 =	smul.u32 $0x3, s8  }
0x15: {  	s21 =	simm.s32 $0xC200;
	s12 =	simm.s32 @!p0 $0x4;
	[dreg:$0x9] =	wrdreg s14  }
0x16: {  	[dreg:$0x8] =	wrdreg s12;
	s7 =	ssub.s32 s5, s7;
	s6 =	ssub.s32 s9, s26  }
0x17: {  	s7 =	sand.u32 $0xFF, s7;
	s26 =	simm.s32 $0xC380;
	s6 =	sand.u32 $0xFF, s6  }
0x18: {  	s9 =	simm.s32 $0x0;
	p1 =	seq.s32 s7, $0x0;
	p2 =	seq.s32 s6, $0x0  }
0x19: {  	p3 =	seq.s32 s7, $0x1;
	p5 =	seq.s32 s7, $0x2;
	p0 =	por p1, p2  }
0x1a: {  	[dreg:$0x5] =	wrdreg s26;
	p4 =	seq.s32 s6, $0x1;
	s8 =	simm.s32 @!p0 $0x0  }
0x1b: {  	s26 =	simm.s32 $0xC300;
	s8 =	simm.s32 @p0 $0x1;
	p0 =	por p3, p4  }
0x1c: {  	p6 =	seq.s32 s6, $0x2;
	[smem:$0x7FB] =	sst s8;
	s8 =	simm.s32 @!p0 $0x0  }
0x1d: {  	s7 =	simm.s32 $0x8;
	s8 =	simm.s32 @p0 $0x1;
	p0 =	por p5, p6  }
0x1e: {  	p3 =	sne.s32 s13, $0xF;
	s13 =	simm.s32 $0x4;
	s6 =	simm.s32 @!p0 $0x0  }
0x1f: {  	[smem:$0x7FC] =	sst s8;
	s8 =	simm.s32 $0x8000;
	s6 =	simm.s32 @p0 $0x1  }
0x20: {  	[smem:$0x7FD] =	sst s6;
	s6 =	sadd.s32 s1, s17;
	s1 =	sadd.s32 s19, s1  }
0x21: {  	s17 =	simm.s32 $0xC000;
	s19 =	simm.s32 $0x6;
	s6 =	sadd.s32 $0x27000, s6  }
0x22: {  	s24 =	sadd.s32 s23, s1;
	s23 =	simm.s32 $0x4000;
	[dreg:$0xc] =	wrdreg s6  }
0x23: {  	v0 =	vimm.f32 $0.0e+00;
	s1 =	simm.s32 $0x2;
	[dreg:$0xe] =	wrdreg s24;
	s24 =	simm.s32 $0xC080  }
.LBB2_1:
0x24: {  	s0 =	rddreg [dreg:$0x6]  }
0x25: {  	[tilespmem:s17], [sflag:$0x4] =	stream.linear.gather [hbm4b:s0+s4], $0x100, $0x38;
	[tilespmem:$0x1FC80] =	vst v63  }
0x26: {  	s11 =	rddreg [dreg:$0x7];
	s6 =	simm.s32 $0x8040  }
0x27: {  	[tilespmem:s18], [sflag:$0x5] =	stream.linear.gather [hbm4b:s11+s4], $0x100, $0x38;
	[tilespmem:$0x1FC80] =	vst v63  }
0x28: {  	[tilespmem:s6+$0xFFFFFFC0] =	vst v0  }
0x29: {  	[tilespmem:s6+$0x30] =	vst v0  }
0x2a: {  	[tilespmem:s6+$0x20] =	vst v0  }
0x2b: {  	[tilespmem:s6+$0x10] =	vst v0  }
0x2c: {  	[tilespmem:s6+$0x0] =	vst v0  }
0x2d: {  	[tilespmem:s6+$0xFFFFFFF0] =	vst v0  }
0x2e: {  	[dreg:$0xf] =	wrdreg s9;
	s9 =	simm.s32 $0x0;
	[tilespmem:s6+$0xFFFFFFE0] =	vst v0  }
.LBB2_2:
0x2f: {  	s9 =	sadd.s32 $0x8, s9;
	[tilespmem:s6+$0xFFFFFFD0] =	vst v0;
	s6 =	sadd.s32 $0x80, s6  }
0x30: {  	[tilespmem:s6+$0xFFFFFFC0] =	vst v0;
	p0 =	slt.u32 s9, $0x3F8  }
0x31: {  	[tilespmem:s6+$0x30] =	vst v0  }
.Ltmp0:
0x32: {  	[tilespmem:s6+$0x20] =	vst v0;
	(pc) =	sbr.rel @p0 .LBB2_2-.Ltmp0, $4  }
0x33: {  	[tilespmem:s6+$0x10] =	vst v0  }
0x34: {  	[tilespmem:s6+$0x0] =	vst v0  }
0x35: {  	[tilespmem:s6+$0xFFFFFFF0] =	vst v0  }
0x36: {  	[tilespmem:s6+$0xFFFFFFE0] =	vst v0  }
0x37: {  	p0 =	sne.s32 s12, $0x1  }
.Ltmp1:
0x38: {  	[tilespmem:s6+$0xFFFFFFD0] =	vst v0;
	(pc) =	sbr.rel @!p0 .LBB2_5-.Ltmp1, $4  }
0x39: {  	[spmem:s14] =	stream.linear.scatter [tilespmem:s8], [sflag:$0xB], $0x4000, $0x38;
	[tilespmem:$0x1FC80] =	vst v63  }
0x3a: {  	s6 =	sadd.s32 $0xFFFFFFFF, s12;
	s10 =	simm.s32 @!p0 $0x0  }
0x3b: {  	s9 =	smov.u32 s14;
	_ =	swait.ge [sflag:s28], $0x4000;
	s10 =	simm.s32 @p0 $0x1  }
0x3c: {  	s0 =	simm.s32 $0xA;
	[sflag:s28] =	ssyncset.done $0x0;
	[smem:$0x7FA] =	sst s10  }
.LBB2_4:
0x3d: {  	p0 =	sne.s32 s6, $0x1;
	[sflag:s28] =	ssyncadd.s32 $0xFFFFC000;
	s9 =	sadd.s32 $0x40000, s9  }
.Ltmp2:
0x3e: {  	s6 =	sadd.s32 $0xFFFFFFFF, s6;
	(pc) =	sbr.rel @p0 .LBB2_4-.Ltmp2, $4  }
0x3f: {  	_ = 	snop  }
0x40: {  	[spmem:s9] =	stream.linear.scatter [tilespmem:s8], [sflag:$0xB], $0x4000, $0x38;
	[tilespmem:$0x1FC80] =	vst v63  }
0x41: {  	_ =	swait.ge [sflag:s28], $0x4000  }
0x42: {  	[sflag:s28] =	ssyncset.done $0x0  }
.LBB2_5:
0x43: {  	[sflag:s28] =	ssyncadd.s32 $0xFFFFC000;
	s6 =	simm.s32 @!p3 $0x8000  }
0x44: {  	[spmem:s16] =	stream.linear.scatter @!p3 [tilespmem:s6], [sflag:$0xB], $0x800, $0x38;
	[tilespmem:$0x1FC80] =	vst v63  }
0x45: {  	s6 =	simm.s32 @!p3 $0xB  }
0x46: {  	_ =	swait.ge @!p3 [sflag:s6], $0x800  }
0x47: {  	[sflag:s6] =	ssyncset.done @!p3 $0x0  }
0x48: {  	[sflag:s6] =	ssyncadd.s32 @!p3 $0xFFFFF800  }
0x49: {  	[bflag:$0x0] =	sbarrier.arrive $0xFFFF  }
0x4a: {  	_ =	swait.ge [sflag:s13], $0x100  }
0x4b: {  	p0 =	por $0x1, $0x1;
	[sflag:s13] =	ssyncset.done $0x0  }
0x4c: {  	s11 =	simm.s32 $0x0;
	s6 =	simm.s32 @!p0 $0x9;
	[sflag:s13] =	ssyncadd.s32 $0xFFFFFF00  }
0x4d: {  	[tilespmem:s11], [sflag:$0x1] =	stream.indirect.gather [hbm4b:s2+s22], $0x80, s17, s22, $0xb8;
	[tilespmem:$0x1FC80] =	vst v63  }
0x4e: {  	_ =	swait.ge @!p0 [sflag:s6], $0x4000  }
0x4f: {  	s9 =	sadd.s32 $0x0, s15;
	[sflag:s6] =	ssyncset.done @!p0 $0x0  }
0x50: {  	s16 =	sadd.s32 $0x800, s9;
	[sflag:s6] =	ssyncadd.s32 @!p0 $0xFFFFC000  }
0x51: {  	[tilespmem:s21], [sflag:$0x6] =	stream.linear.gather [hbm4b:s16+s4], $0x100, $0x38;
	[tilespmem:$0x1FC80] =	vst v63  }
0x52: {  	_ =	swait.ge [sflag:s20], $0x100  }
0x53: {  	[sflag:s20] =	ssyncset.done $0x0  }
0x54: {  	[sflag:s20] =	ssyncadd.s32 $0xFFFFFF00  }
0x55: {  	[tilespmem:s23], [sflag:$0x2] =	stream.indirect.gather [hbm4b:s2+s22], $0x80, s18, s22, $0xb8;
	[tilespmem:$0x1FC80] =	vst v63  }
0x56: {  	_ =	swait.ge [sflag:s30], $0x4000  }
0x57: {  	[sflag:s30] =	ssyncset.done $0x0  }
0x58: {  	s6 =	simm.s32 @!p0 $0xA;
	[sflag:s30] =	ssyncadd.s32 $0xFFFFC000  }
0x59: {  	[spmem:s3] =	stream.indirect.scatter.add.f32 [tilespmem:s4], [sflag:$0x8], $0x80, s24, s22, $0xb8;
	[tilespmem:$0x1FC80] =	vst v63  }
0x5a: {  	_ =	swait.ge @!p0 [sflag:s6], $0x4000  }
0x5b: {  	[sflag:s6] =	ssyncset.done @!p0 $0x0  }
0x5c: {  	s10 =	sadd.s32 $0xC00, s9;
	[sflag:s6] =	ssyncadd.s32 @!p0 $0xFFFFC000  }
0x5d: {  	[tilespmem:s26], [sflag:$0x7] =	stream.linear.gather [hbm4b:s10+s4], $0x100, $0x38;
	[tilespmem:$0x1FC80] =	vst v63  }
0x5e: {  	_ =	swait.ge [sflag:s19], $0x100  }
0x5f: {  	[sflag:s19] =	ssyncset.done $0x0  }
0x60: {  	[sflag:s19] =	ssyncadd.s32 $0xFFFFFF00  }
0x61: {  	[tilespmem:s8], [sflag:$0x3] =	stream.indirect.gather [hbm4b:s2+s22], $0x80, s21, s22, $0xb8;
	[tilespmem:$0x1FC80] =	vst v63  }
0x62: {  	_ =	swait.ge [sflag:s1], $0x4000  }
0x63: {  	[sflag:s1] =	ssyncset.done $0x0  }
0x64: {  	[sflag:s1] =	ssyncadd.s32 $0xFFFFC000  }
0x65: {  	[spmem:s3] =	stream.indirect.scatter.add.f32 [tilespmem:s23], [sflag:$0x9], $0x80, s29, s22, $0xb8;
	[tilespmem:$0x1FC80] =	vst v63  }
0x66: {  	_ =	swait.ge [sflag:s7], $0x4000  }
0x67: {  	[sflag:s7] =	ssyncset.done $0x0  }
0x68: {  	s19 =	sadd.s32 $0x1000, s9;
	[sflag:s7] =	ssyncadd.s32 $0xFFFFC000  }
0x69: {  	[tilespmem:s17], [sflag:$0x4] =	stream.linear.gather [hbm4b:s19+s4], $0x100, $0x38;
	[tilespmem:$0x1FC80] =	vst v63  }
0x6a: {  	_ =	swait.ge [sflag:s25], $0x100  }
0x6b: {  	[sflag:s25] =	ssyncset.done $0x0  }
0x6c: {  	[sflag:s25] =	ssyncadd.s32 $0xFFFFFF00  }
0x6d: {  	[tilespmem:s4], [sflag:$0x1] =	stream.indirect.gather [hbm4b:s2+s22], $0x80, s26, s22, $0xb8;
	[tilespmem:$0x1FC80] =	vst v63  }
0x6e: {  	_ =	swait.ge [sflag:s31], $0x4000  }
0x6f: {  	[sflag:s31] =	ssyncset.done $0x0  }
0x70: {  	s14 =	simm.s32 $0x9;
	s21 =	rddreg [dreg:$0x4];
	[sflag:s31] =	ssyncadd.s32 $0xFFFFC000  }
0x71: {  	[spmem:s3] =	stream.indirect.scatter.add.f32 [tilespmem:s8], [sflag:$0xA], $0x80, s21, s22, $0xb8;
	[tilespmem:$0x1FC80] =	vst v63  }
0x72: {  	_ =	swait.ge [sflag:s14], $0x4000  }
0x73: {  	[sflag:s14] =	ssyncset.done $0x0  }
0x74: {  	s25 =	sadd.s32 $0x1400, s9;
	[sflag:s14] =	ssyncadd.s32 $0xFFFFC000  }
0x75: {  	[tilespmem:s18], [sflag:$0x5] =	stream.linear.gather [hbm4b:s25+s4], $0x100, $0x38;
	[tilespmem:$0x1FC80] =	vst v63  }
0x76: {  	_ =	swait.ge [sflag:s13], $0x100  }
0x77: {  	[sflag:s13] =	ssyncset.done $0x0  }
0x78: {  	[sflag:s13] =	ssyncadd.s32 $0xFFFFFF00  }
0x79: {  	[tilespmem:s23], [sflag:$0x2] =	stream.indirect.gather [hbm4b:s2+s22], $0x80, s17, s22, $0xb8;
	[tilespmem:$0x1FC80] =	vst v63  }
0x7a: {  	_ =	swait.ge [sflag:s30], $0x4000  }
0x7b: {  	[sflag:s30] =	ssyncset.done $0x0  }
0x7c: {  	p4 =	slt.u32 s5, $0x6;
	s26 =	rddreg [dreg:$0x5];
	[sflag:s30] =	ssyncadd.s32 $0xFFFFC000  }
0x7d: {  	[spmem:s3] =	stream.indirect.scatter.add.f32 [tilespmem:s4], [sflag:$0x8], $0x80, s26, s22, $0xb8;
	[tilespmem:$0x1FC80] =	vst v63  }
0x7e: {  	s6 =	sadd.s32 @!p4 $0x0, s15;
	_ =	swait.ge [sflag:s0], $0x4000  }
0x7f: {  	s6 =	sadd.s32 @!p4 $0x1800, s6;
	[sflag:s0] =	ssyncset.done $0x0  }
0x80: {  	s10 =	simm.s32 @!p4 $0xC200;
	s9 =	simm.s32 @!p4 $0x0;
	[sflag:s0] =	ssyncadd.s32 $0xFFFFC000  }
0x81: {  	[tilespmem:s10], [sflag:$0x6] =	stream.linear.gather @!p4 [hbm4b:s6+s9], $0x100, $0x38;
	[tilespmem:$0x1FC80] =	vst v63  }
0x82: {  	_ =	swait.ge [sflag:s20], $0x100  }
0x83: {  	[sflag:s20] =	ssyncset.done $0x0  }
0x84: {  	[sflag:s20] =	ssyncadd.s32 $0xFFFFFF00  }
0x85: {  	[tilespmem:s8], [sflag:$0x3] =	stream.indirect.gather [hbm4b:s2+s22], $0x80, s18, s22, $0xb8;
	[tilespmem:$0x1FC80] =	vst v63  }
0x86: {  	_ =	swait.ge [sflag:s1], $0x4000  }
0x87: {  	[sflag:s1] =	ssyncset.done $0x0  }
0x88: {  	p2 =	slt.u32 s5, $0x7;
	[sflag:s1] =	ssyncadd.s32 $0xFFFFC000  }
0x89: {  	[spmem:s3] =	stream.indirect.scatter.add.f32 [tilespmem:s23], [sflag:$0x9], $0x80, s24, s22, $0xb8;
	[tilespmem:$0x1FC80] =	vst v63  }
0x8a: {  	s12 =	simm.s32 @!p2 $0xC300;
	_ =	swait.ge [sflag:s7], $0x4000  }
0x8b: {  	s16 =	simm.s32 @!p2 $0x0;
	s6 =	sadd.s32 @!p2 $0x0, s15;
	[sflag:s7] =	ssyncset.done $0x0  }
0x8c: {  	s17 =	simm.s32 @!p4 $0x6;
	s6 =	sadd.s32 @!p2 $0x1C00, s6;
	[sflag:s7] =	ssyncadd.s32 $0xFFFFC000  }
0x8d: {  	[tilespmem:s12], [sflag:$0x7] =	stream.linear.gather @!p2 [hbm4b:s6+s16], $0x100, $0x38;
	[tilespmem:$0x1FC80] =	vst v63  }
0x8e: {  	_ =	swait.ge @!p4 [sflag:s17], $0x100  }
0x8f: {  	[sflag:s17] =	ssyncset.done @!p4 $0x0  }
0x90: {  	s6 =	simm.s32 @!p4 $0x80;
	[sflag:s17] =	ssyncadd.s32 @!p4 $0xFFFFFF00  }
0x91: {  	[tilespmem:s9], [sflag:$0x1] =	stream.indirect.gather @!p4 [hbm4b:s2+s6], $0x80, s10, s6, $0xb8;
	[tilespmem:$0x1FC80] =	vst v63  }
0x92: {  	_ =	swait.ge [sflag:s31], $0x4000  }
0x93: {  	[sflag:s31] =	ssyncset.done $0x0  }
0x94: {  	p0 =	slt.u32 s5, $0x8;
	s10 =	simm.s32 @!p4 $0x9;
	[sflag:s31] =	ssyncadd.s32 $0xFFFFC000  }
0x95: {  	[spmem:s3] =	stream.indirect.scatter.add.f32 [tilespmem:s8], [sflag:$0xA], $0x80, s29, s22, $0xb8;
	[tilespmem:$0x1FC80] =	vst v63  }
0x96: {  	s21 =	simm.s32 @!p0 $0xC000;
	_ =	swait.ge @!p4 [sflag:s10], $0x4000  }
0x97: {  	s18 =	simm.s32 @!p2 $0x7;
	s16 =	sadd.s32 @!p0 $0x0, s15;
	[sflag:s10] =	ssyncset.done @!p4 $0x0  }
0x98: {  	s17 =	simm.s32 @!p0 $0x0;
	[sflag:s10] =	ssyncadd.s32 @!p4 $0xFFFFC000;
	s10 =	sadd.s32 @!p0 $0x2000, s16  }
0x99: {  	[tilespmem:s21], [sflag:$0x4] =	stream.linear.gather @!p0 [hbm4b:s10+s17], $0x100, $0x38;
	[tilespmem:$0x1FC80] =	vst v63  }
0x9a: {  	_ =	swait.ge @!p2 [sflag:s18], $0x100  }
0x9b: {  	s16 =	simm.s32 @!p2 $0x4000;
	[sflag:s18] =	ssyncset.done @!p2 $0x0  }
0x9c: {  	s10 =	simm.s32 @!p2 $0x80;
	s17 =	simm.s32 @!p4 $0x1;
	[sflag:s18] =	ssyncadd.s32 @!p2 $0xFFFFFF00  }
0x9d: {  	[tilespmem:s16], [sflag:$0x2] =	stream.indirect.gather @!p2 [hbm4b:s2+s10], $0x80, s12, s10, $0xb8;
	[tilespmem:$0x1FC80] =	vst v63  }
0x9e: {  	_ =	swait.ge @!p4 [sflag:s17], $0x4000  }
0x9f: {  	p1 =	slt.u32 s5, $0x9;
	[sflag:s17] =	ssyncset.done @!p4 $0x0  }
0xa0: {  	s12 =	simm.s32 @!p4 $0xC280;
	[sflag:s17] =	ssyncadd.s32 @!p4 $0xFFFFC000;
	s17 =	simm.s32 @!p2 $0xA  }
0xa1: {  	[spmem:s3] =	stream.indirect.scatter.add.f32 @!p4 [tilespmem:s9], [sflag:$0x8], $0x80, s12, s6, $0xb8;
	[tilespmem:$0x1FC80] =	vst v63  }
0xa2: {  	s6 =	sadd.s32 @!p1 $0x0, s15;
	_ =	swait.ge @!p2 [sflag:s17], $0x4000  }
0xa3: {  	s9 =	simm.s32 @!p1 $0xC100;
	s12 =	simm.s32 @!p1 $0x0;
	[sflag:s17] =	ssyncset.done @!p2 $0x0  }
0xa4: {  	s6 =	sadd.s32 @!p1 $0x2400, s6;
	[sflag:s17] =	ssyncadd.s32 @!p2 $0xFFFFC000;
	s17 =	simm.s32 @!p0 $0x4  }
0xa5: {  	[tilespmem:s9], [sflag:$0x5] =	stream.linear.gather @!p1 [hbm4b:s6+s12], $0x100, $0x38;
	[tilespmem:$0x1FC80] =	vst v63  }
0xa6: {  	_ =	swait.ge @!p0 [sflag:s17], $0x100  }
0xa7: {  	s18 =	simm.s32 @!p0 $0x80;
	[sflag:s17] =	ssyncset.done @!p0 $0x0  }
0xa8: {  	s6 =	simm.s32 @!p0 $0x8000;
	[sflag:s17] =	ssyncadd.s32 @!p0 $0xFFFFFF00;
	s17 =	simm.s32 @!p2 $0x2  }
0xa9: {  	[tilespmem:s6], [sflag:$0x3] =	stream.indirect.gather @!p0 [hbm4b:s2+s18], $0x80, s21, s18, $0xb8;
	[tilespmem:$0x1FC80] =	vst v63  }
0xaa: {  	_ =	swait.ge @!p2 [sflag:s17], $0x4000  }
0xab: {  	p6 =	slt.u32 s5, $0xA;
	[sflag:s17] =	ssyncset.done @!p2 $0x0  }
0xac: {  	s21 =	simm.s32 @!p2 $0xC380;
	[sflag:s17] =	ssyncadd.s32 @!p2 $0xFFFFC000;
	s17 =	simm.s32 @!p0 $0x8  }
0xad: {  	[spmem:s3] =	stream.indirect.scatter.add.f32 @!p2 [tilespmem:s16], [sflag:$0x9], $0x80, s21, s10, $0xb8;
	[tilespmem:$0x1FC80] =	vst v63  }
0xae: {  	s23 =	simm.s32 @!p6 $0x0;
	_ =	swait.ge @!p0 [sflag:s17], $0x4000  }
0xaf: {  	s10 =	sadd.s32 @!p6 $0x0, s15;
	s16 =	simm.s32 @!p1 $0x5;
	[sflag:s17] =	ssyncset.done @!p0 $0x0  }
0xb0: {  	s21 =	simm.s32 @!p6 $0xC200;
	s10 =	sadd.s32 @!p6 $0x2800, s10;
	[sflag:s17] =	ssyncadd.s32 @!p0 $0xFFFFC000  }
0xb1: {  	[tilespmem:s21], [sflag:$0x6] =	stream.linear.gather @!p6 [hbm4b:s10+s23], $0x100, $0x38;
	[tilespmem:$0x1FC80] =	vst v63  }
0xb2: {  	_ =	swait.ge @!p1 [sflag:s16], $0x100  }
0xb3: {  	[sflag:s16] =	ssyncset.done @!p1 $0x0  }
0xb4: {  	s17 =	simm.s32 @!p1 $0x80;
	s10 =	simm.s32 @!p0 $0x3;
	[sflag:s16] =	ssyncadd.s32 @!p1 $0xFFFFFF00  }
0xb5: {  	[tilespmem:s12], [sflag:$0x1] =	stream.indirect.gather @!p1 [hbm4b:s2+s17], $0x80, s9, s17, $0xb8;
	[tilespmem:$0x1FC80] =	vst v63  }
0xb6: {  	_ =	swait.ge @!p0 [sflag:s10], $0x4000  }
0xb7: {  	p4 =	slt.u32 s5, $0xB;
	[sflag:s10] =	ssyncset.done @!p0 $0x0  }
0xb8: {  	s16 =	simm.s32 @!p0 $0xC080;
	s9 =	simm.s32 @!p1 $0x9;
	[sflag:s10] =	ssyncadd.s32 @!p0 $0xFFFFC000  }
0xb9: {  	[spmem:s3] =	stream.indirect.scatter.add.f32 @!p0 [tilespmem:s6], [sflag:$0xA], $0x80, s16, s18, $0xb8;
	[tilespmem:$0x1FC80] =	vst v63  }
0xba: {  	s10 =	simm.s32 @!p4 $0x0;
	_ =	swait.ge @!p1 [sflag:s9], $0x4000  }
0xbb: {  	s6 =	sadd.s32 @!p4 $0x0, s15;
	s18 =	simm.s32 @!p4 $0xC300;
	[sflag:s9] =	ssyncset.done @!p1 $0x0  }
0xbc: {  	s16 =	simm.s32 @!p6 $0x6;
	s6 =	sadd.s32 @!p4 $0x2C00, s6;
	[sflag:s9] =	ssyncadd.s32 @!p1 $0xFFFFC000  }
0xbd: {  	[tilespmem:s18], [sflag:$0x7] =	stream.linear.gather @!p4 [hbm4b:s6+s10], $0x100, $0x38;
	[tilespmem:$0x1FC80] =	vst v63  }
0xbe: {  	s19 =	simm.s32 $0x6;
	_ =	swait.ge @!p6 [sflag:s16], $0x100  }
0xbf: {  	s25 =	simm.s32 $0x3;
	s23 =	simm.s32 @!p6 $0x4000;
	[sflag:s16] =	ssyncset.done @!p6 $0x0  }
0xc0: {  	s10 =	simm.s32 @!p6 $0x80;
	s6 =	simm.s32 @!p1 $0x1;
	[sflag:s16] =	ssyncadd.s32 @!p6 $0xFFFFFF00  }
0xc1: {  	[tilespmem:s23], [sflag:$0x2] =	stream.indirect.gather @!p6 [hbm4b:s2+s10], $0x80, s21, s10, $0xb8;
	[tilespmem:$0x1FC80] =	vst v63  }
0xc2: {  	s30 =	simm.s32 $0x1;
	s20 =	simm.s32 $0x5;
	_ =	swait.ge @!p1 [sflag:s6], $0x4000  }
0xc3: {  	s1 =	simm.s32 $0x2;
	p0 =	slt.u32 s5, $0xC;
	[sflag:s6] =	ssyncset.done @!p1 $0x0  }
0xc4: {  	s9 =	simm.s32 @!p6 $0xA;
	s16 =	simm.s32 @!p1 $0xC180;
	[sflag:s6] =	ssyncadd.s32 @!p1 $0xFFFFC000  }
0xc5: {  	[spmem:s3] =	stream.indirect.scatter.add.f32 @!p1 [tilespmem:s12], [sflag:$0x8], $0x80, s16, s17, $0xb8;
	[tilespmem:$0x1FC80] =	vst v63  }
0xc6: {  	s24 =	simm.s32 $0x4000;
	s6 =	sadd.s32 @!p0 $0x0, s15;
	_ =	swait.ge @!p6 [sflag:s9], $0x4000  }
0xc7: {  	s28 =	simm.s32 @!p0 $0xC000;
	s6 =	sadd.s32 @!p0 $0x3000, s6;
	[sflag:s9] =	ssyncset.done @!p6 $0x0  }
0xc8: {  	s17 =	simm.s32 @!p0 $0x0;
	[sflag:s9] =	ssyncadd.s32 @!p6 $0xFFFFC000;
	s9 =	simm.s32 @!p4 $0x7  }
0xc9: {  	[tilespmem:s28], [sflag:$0x4] =	stream.linear.gather @!p0 [hbm4b:s6+s17], $0x100, $0x38;
	[tilespmem:$0x1FC80] =	vst v63  }
0xca: {  	s7 =	simm.s32 $0x8;
	s31 =	simm.s32 @!p6 $0x2;
	_ =	swait.ge @!p4 [sflag:s9], $0x100  }
0xcb: {  	s8 =	simm.s32 $0x8000;
	s26 =	simm.s32 @!p4 $0x8000;
	[sflag:s9] =	ssyncset.done @!p4 $0x0  }
0xcc: {  	s21 =	simm.s32 @!p4 $0x8;
	s6 =	simm.s32 @!p4 $0x80;
	[sflag:s9] =	ssyncadd.s32 @!p4 $0xFFFFFF00  }
0xcd: {  	[tilespmem:s26], [sflag:$0x3] =	stream.indirect.gather @!p4 [hbm4b:s2+s6], $0x80, s18, s6, $0xb8;
	[tilespmem:$0x1FC80] =	vst v63  }
0xce: {  	s16 =	simm.s32 $0xD;
	s12 =	simm.s32 $0x3000;
	_ =	swait.ge @!p6 [sflag:s31], $0x4000  }
0xcf: {  	s9 =	simm.s32 $0x6000;
	s18 =	simm.s32 @!p6 $0xC280;
	[sflag:s31] =	ssyncset.done @!p6 $0x0  }
.LBB2_6:
0xd0: {  	[sflag:s31] =	ssyncadd.s32 @!p6 $0xFFFFC000  }
0xd1: {  	[spmem:s3] =	stream.indirect.scatter.add.f32 @!p6 [tilespmem:s23], [sflag:$0x9], $0x80, s18, s10, $0xb8;
	[tilespmem:$0x1FC80] =	vst v63  }
0xd2: {  	p1 =	sgt.u32 s16, s5;
	s0 =	simm.s32 @!p0 $0x4;
	_ =	swait.ge @!p4 [sflag:s21], $0x4000  }
0xd3: {  	s11 =	sadd.s32 @!p1 s11, s15;
	s29 =	simm.s32 @!p1 $0xC100;
	[sflag:s21] =	ssyncset.done @!p4 $0x0  }
0xd4: {  	s23 =	simm.s32 @!p1 $0x0;
	s18 =	sadd.s32 @!p1 $0x3400, s11;
	[sflag:s21] =	ssyncadd.s32 @!p4 $0xFFFFC000  }
0xd5: {  	[tilespmem:s29], [sflag:$0x5] =	stream.linear.gather @!p1 [hbm4b:s18+s23], $0x100, $0x38;
	[tilespmem:$0x1FC80] =	vst v63  }
0xd6: {  	_ =	swait.ge @!p0 [sflag:s0], $0x100  }
0xd7: {  	[sflag:s0] =	ssyncset.done @!p0 $0x0  }
0xd8: {  	s18 =	simm.s32 @!p4 $0x3;
	[sflag:s0] =	ssyncadd.s32 @!p0 $0xFFFFFF00;
	s0 =	simm.s32 @!p0 $0x80  }
0xd9: {  	[tilespmem:s17], [sflag:$0x1] =	stream.indirect.gather @!p0 [hbm4b:s2+s0], $0x80, s28, s0, $0xb8;
	[tilespmem:$0x1FC80] =	vst v63  }
0xda: {  	s11 =	smov.u32 s12;
	_ =	swait.ge @!p4 [sflag:s18], $0x4000  }
0xdb: {  	p1 =	seq.s32 s11, $0x0;
	[sflag:s18] =	ssyncset.done @!p4 $0x0  }
0xdc: {  	s21 =	simm.s32 @!p4 $0xC380;
	s0 =	simm.s32 @!p1 $0x9;
	[sflag:s18] =	ssyncadd.s32 @!p4 $0xFFFFC000  }
0xdd: {  	[spmem:s3] =	stream.indirect.scatter.add.f32 @!p4 [tilespmem:s26], [sflag:$0xA], $0x80, s21, s6, $0xb8;
	[tilespmem:$0x1FC80] =	vst v63  }
0xde: {  	_ =	swait.ge @!p1 [sflag:s0], $0x4000  }
0xdf: {  	s6 =	sadd.s32 s11, s15;
	[sflag:s0] =	ssyncset.done @!p1 $0x0  }
0xe0: {  	s21 =	simm.s32 $0xC200;
	s26 =	sadd.s32 $0x800, s6;
	[sflag:s0] =	ssyncadd.s32 @!p1 $0xFFFFC000  }
0xe1: {  	[tilespmem:s21], [sflag:$0x6] =	stream.linear.gather [hbm4b:s26+s4], $0x100, $0x38;
	[tilespmem:$0x1FC80] =	vst v63  }
0xe2: {  	_ =	swait.ge [sflag:s20], $0x100  }
0xe3: {  	[sflag:s20] =	ssyncset.done $0x0  }
0xe4: {  	s18 =	simm.s32 $0xC100;
	[sflag:s20] =	ssyncadd.s32 $0xFFFFFF00  }
0xe5: {  	[tilespmem:s24], [sflag:$0x2] =	stream.indirect.gather [hbm4b:s2+s22], $0x80, s18, s22, $0xb8;
	[tilespmem:$0x1FC80] =	vst v63  }
0xe6: {  	_ =	swait.ge [sflag:s30], $0x4000  }
0xe7: {  	[sflag:s30] =	ssyncset.done $0x0  }
0xe8: {  	s23 =	simm.s32 $0xC080;
	s0 =	simm.s32 @!p1 $0xA;
	[sflag:s30] =	ssyncadd.s32 $0xFFFFC000  }
0xe9: {  	[spmem:s3] =	stream.indirect.scatter.add.f32 [tilespmem:s4], [sflag:$0x8], $0x80, s23, s22, $0xb8;
	[tilespmem:$0x1FC80] =	vst v63  }
0xea: {  	_ =	swait.ge @!p1 [sflag:s0], $0x4000  }
0xeb: {  	[sflag:s0] =	ssyncset.done @!p1 $0x0  }
0xec: {  	s29 =	sadd.s32 $0xC00, s6;
	s26 =	simm.s32 $0xC300;
	[sflag:s0] =	ssyncadd.s32 @!p1 $0xFFFFC000  }
0xed: {  	[tilespmem:s26], [sflag:$0x7] =	stream.linear.gather [hbm4b:s29+s4], $0x100, $0x38;
	[tilespmem:$0x1FC80] =	vst v63  }
0xee: {  	_ =	swait.ge [sflag:s19], $0x100  }
0xef: {  	[sflag:s19] =	ssyncset.done $0x0  }
0xf0: {  	[sflag:s19] =	ssyncadd.s32 $0xFFFFFF00  }
0xf1: {  	[tilespmem:s8], [sflag:$0x3] =	stream.indirect.gather [hbm4b:s2+s22], $0x80, s21, s22, $0xb8;
	[tilespmem:$0x1FC80] =	vst v63  }
0xf2: {  	_ =	swait.ge [sflag:s1], $0x4000  }
0xf3: {  	s31 =	smov.u32 s9;
	[sflag:s1] =	ssyncset.done $0x0  }
0xf4: {  	s12 =	smov.u32 s31;
	s31 =	simm.s32 $0xC180;
	[sflag:s1] =	ssyncadd.s32 $0xFFFFC000  }
0xf5: {  	[spmem:s3] =	stream.indirect.scatter.add.f32 [tilespmem:s24], [sflag:$0x9], $0x80, s31, s22, $0xb8;
	[tilespmem:$0x1FC80] =	vst v63  }
0xf6: {  	_ =	swait.ge [sflag:s7], $0x4000  }
0xf7: {  	s17 =	simm.s32 $0x7;
	[sflag:s7] =	ssyncset.done $0x0  }
0xf8: {  	s29 =	sadd.s32 $0x1000, s6;
	s21 =	simm.s32 $0xC000;
	[sflag:s7] =	ssyncadd.s32 $0xFFFFC000  }
0xf9: {  	[tilespmem:s21], [sflag:$0x4] =	stream.linear.gather [hbm4b:s29+s4], $0x100, $0x38;
	[tilespmem:$0x1FC80] =	vst v63  }
0xfa: {  	_ =	swait.ge [sflag:s17], $0x100  }
0xfb: {  	[sflag:s17] =	ssyncset.done $0x0  }
0xfc: {  	[sflag:s17] =	ssyncadd.s32 $0xFFFFFF00  }
0xfd: {  	[tilespmem:s4], [sflag:$0x1] =	stream.indirect.gather [hbm4b:s2+s22], $0x80, s26, s22, $0xb8;
	[tilespmem:$0x1FC80] =	vst v63  }
0xfe: {  	_ =	swait.ge [sflag:s25], $0x4000  }
0xff: {  	[sflag:s25] =	ssyncset.done $0x0  }
0x100: {  	s29 =	rddreg [dreg:$0x4];
	[sflag:s25] =	ssyncadd.s32 $0xFFFFC000  }
0x101: {  	[spmem:s3] =	stream.indirect.scatter.add.f32 [tilespmem:s8], [sflag:$0xA], $0x80, s29, s22, $0xb8;
	[tilespmem:$0x1FC80] =	vst v63  }
0x102: {  	_ =	swait.ge [sflag:s14], $0x4000  }
0x103: {  	[sflag:s14] =	ssyncset.done $0x0  }
0x104: {  	s29 =	sadd.s32 $0x1400, s6;
	[sflag:s14] =	ssyncadd.s32 $0xFFFFC000  }
0x105: {  	[tilespmem:s18], [sflag:$0x5] =	stream.linear.gather [hbm4b:s29+s4], $0x100, $0x38;
	[tilespmem:$0x1FC80] =	vst v63  }
0x106: {  	_ =	swait.ge [sflag:s13], $0x100  }
0x107: {  	[sflag:s13] =	ssyncset.done $0x0  }
0x108: {  	s16 =	sadd.s32 $0xC, s16;
	[sflag:s13] =	ssyncadd.s32 $0xFFFFFF00  }
0x109: {  	[tilespmem:s24], [sflag:$0x2] =	stream.indirect.gather [hbm4b:s2+s22], $0x80, s21, s22, $0xb8;
	[tilespmem:$0x1FC80] =	vst v63  }
0x10a: {  	s26 =	sadd.s32 $0xFFFFFFF9, s16;
	_ =	swait.ge [sflag:s30], $0x4000  }
0x10b: {  	p4 =	sgt.u32 s26, s5;
	[sflag:s30] =	ssyncset.done $0x0  }
0x10c: {  	s26 =	simm.s32 $0xA;
	s21 =	rddreg [dreg:$0x5];
	[sflag:s30] =	ssyncadd.s32 $0xFFFFC000  }
0x10d: {  	[spmem:s3] =	stream.indirect.scatter.add.f32 [tilespmem:s4], [sflag:$0x8], $0x80, s21, s22, $0xb8;
	[tilespmem:$0x1FC80] =	vst v63  }
0x10e: {  	_ =	swait.ge [sflag:s26], $0x4000  }
0x10f: {  	s17 =	sadd.s32 @!p4 s11, s15;
	s0 =	simm.s32 @!p4 $0xC200;
	[sflag:s26] =	ssyncset.done $0x0  }
0x110: {  	s6 =	sadd.s32 @!p4 $0x1800, s17;
	s17 =	simm.s32 @!p4 $0x0;
	[sflag:s26] =	ssyncadd.s32 $0xFFFFC000  }
0x111: {  	[tilespmem:s0], [sflag:$0x6] =	stream.linear.gather @!p4 [hbm4b:s6+s17], $0x100, $0x38;
	[tilespmem:$0x1FC80] =	vst v63  }
0x112: {  	_ =	swait.ge [sflag:s20], $0x100  }
0x113: {  	[sflag:s20] =	ssyncset.done $0x0  }
0x114: {  	[sflag:s20] =	ssyncadd.s32 $0xFFFFFF00  }
0x115: {  	[tilespmem:s8], [sflag:$0x3] =	stream.indirect.gather [hbm4b:s2+s22], $0x80, s18, s22, $0xb8;
	[tilespmem:$0x1FC80] =	vst v63  }
0x116: {  	_ =	swait.ge [sflag:s1], $0x4000  }
0x117: {  	s29 =	sadd.s32 $0xFFFFFFFA, s16;
	[sflag:s1] =	ssyncset.done $0x0  }
0x118: {  	s10 =	sadd.s32 $0xFFFFFFFB, s16;
	p2 =	sgt.u32 s29, s5;
	[sflag:s1] =	ssyncadd.s32 $0xFFFFC000  }
0x119: {  	[spmem:s3] =	stream.indirect.scatter.add.f32 [tilespmem:s24], [sflag:$0x9], $0x80, s23, s22, $0xb8;
	[tilespmem:$0x1FC80] =	vst v63  }
0x11a: {  	p0 =	sgt.u32 s10, s5;
	s10 =	simm.s32 @!p2 $0x0;
	_ =	swait.ge [sflag:s7], $0x4000  }
0x11b: {  	s6 =	simm.s32 @!p2 $0xC300;
	s18 =	sadd.s32 @!p2 s11, s15;
	[sflag:s7] =	ssyncset.done $0x0  }
0x11c: {  	s18 =	sadd.s32 @!p2 $0x1C00, s18;
	s23 =	simm.s32 @!p4 $0x6;
	[sflag:s7] =	ssyncadd.s32 $0xFFFFC000  }
0x11d: {  	[tilespmem:s6], [sflag:$0x7] =	stream.linear.gather @!p2 [hbm4b:s18+s10], $0x100, $0x38;
	[tilespmem:$0x1FC80] =	vst v63  }
0x11e: {  	_ =	swait.ge @!p4 [sflag:s23], $0x100  }
0x11f: {  	[sflag:s23] =	ssyncset.done @!p4 $0x0  }
0x120: {  	s29 =	simm.s32 @!p4 $0x80;
	[sflag:s23] =	ssyncadd.s32 @!p4 $0xFFFFFF00  }
0x121: {  	[tilespmem:s17], [sflag:$0x1] =	stream.indirect.gather @!p4 [hbm4b:s2+s29], $0x80, s0, s29, $0xb8;
	[tilespmem:$0x1FC80] =	vst v63  }
0x122: {  	_ =	swait.ge [sflag:s25], $0x4000  }
0x123: {  	[sflag:s25] =	ssyncset.done $0x0  }
0x124: {  	s18 =	simm.s32 @!p4 $0x9;
	[sflag:s25] =	ssyncadd.s32 $0xFFFFC000  }
0x125: {  	[spmem:s3] =	stream.indirect.scatter.add.f32 [tilespmem:s8], [sflag:$0xA], $0x80, s31, s22, $0xb8;
	[tilespmem:$0x1FC80] =	vst v63  }
0x126: {  	s28 =	simm.s32 @!p0 $0x0;
	_ =	swait.ge @!p4 [sflag:s18], $0x4000  }
0x127: {  	s21 =	sadd.s32 @!p0 s11, s15;
	s23 =	simm.s32 @!p2 $0x7;
	[sflag:s18] =	ssyncset.done @!p4 $0x0  }
0x128: {  	s0 =	simm.s32 @!p0 $0xC000;
	[sflag:s18] =	ssyncadd.s32 @!p4 $0xFFFFC000;
	s18 =	sadd.s32 @!p0 $0x2000, s21  }
0x129: {  	[tilespmem:s0], [sflag:$0x4] =	stream.linear.gather @!p0 [hbm4b:s18+s28], $0x100, $0x38;
	[tilespmem:$0x1FC80] =	vst v63  }
0x12a: {  	_ =	swait.ge @!p2 [sflag:s23], $0x100  }
0x12b: {  	s26 =	simm.s32 @!p2 $0x4000;
	[sflag:s23] =	ssyncset.done @!p2 $0x0  }
0x12c: {  	s10 =	simm.s32 @!p2 $0x80;
	s18 =	simm.s32 @!p4 $0x1;
	[sflag:s23] =	ssyncadd.s32 @!p2 $0xFFFFFF00  }
0x12d: {  	[tilespmem:s26], [sflag:$0x2] =	stream.indirect.gather @!p2 [hbm4b:s2+s10], $0x80, s6, s10, $0xb8;
	[tilespmem:$0x1FC80] =	vst v63  }
0x12e: {  	s13 =	sadd.s32 $0xFFFFFFFC, s16;
	_ =	swait.ge @!p4 [sflag:s18], $0x4000  }
0x12f: {  	p1 =	sgt.u32 s13, s5;
	[sflag:s18] =	ssyncset.done @!p4 $0x0  }
0x130: {  	s31 =	simm.s32 @!p4 $0xC280;
	[sflag:s18] =	ssyncadd.s32 @!p4 $0xFFFFC000;
	s18 =	simm.s32 @!p2 $0xA  }
0x131: {  	[spmem:s3] =	stream.indirect.scatter.add.f32 @!p4 [tilespmem:s17], [sflag:$0x8], $0x80, s31, s29, $0xb8;
	[tilespmem:$0x1FC80] =	vst v63  }
0x132: {  	s13 =	sadd.s32 @!p1 s11, s15;
	_ =	swait.ge @!p2 [sflag:s18], $0x4000  }
0x133: {  	s13 =	sadd.s32 @!p1 $0x2400, s13;
	s28 =	simm.s32 @!p1 $0xC100;
	[sflag:s18] =	ssyncset.done @!p2 $0x0  }
0x134: {  	s6 =	simm.s32 @!p1 $0x0;
	[sflag:s18] =	ssyncadd.s32 @!p2 $0xFFFFC000;
	s18 =	simm.s32 @!p0 $0x4  }
0x135: {  	[tilespmem:s28], [sflag:$0x5] =	stream.linear.gather @!p1 [hbm4b:s13+s6], $0x100, $0x38;
	[tilespmem:$0x1FC80] =	vst v63  }
0x136: {  	_ =	swait.ge @!p0 [sflag:s18], $0x100  }
0x137: {  	s23 =	simm.s32 @!p0 $0x8000;
	[sflag:s18] =	ssyncset.done @!p0 $0x0  }
0x138: {  	s17 =	simm.s32 @!p0 $0x80;
	[sflag:s18] =	ssyncadd.s32 @!p0 $0xFFFFFF00;
	s18 =	simm.s32 @!p2 $0x2  }
0x139: {  	[tilespmem:s23], [sflag:$0x3] =	stream.indirect.gather @!p0 [hbm4b:s2+s17], $0x80, s0, s17, $0xb8;
	[tilespmem:$0x1FC80] =	vst v63  }
0x13a: {  	s14 =	sadd.s32 $0xFFFFFFFD, s16;
	_ =	swait.ge @!p2 [sflag:s18], $0x4000  }
0x13b: {  	p6 =	sgt.u32 s14, s5;
	[sflag:s18] =	ssyncset.done @!p2 $0x0  }
0x13c: {  	s21 =	simm.s32 @!p2 $0xC380;
	s0 =	simm.s32 @!p0 $0x8;
	[sflag:s18] =	ssyncadd.s32 @!p2 $0xFFFFC000  }
0x13d: {  	[spmem:s3] =	stream.indirect.scatter.add.f32 @!p2 [tilespmem:s26], [sflag:$0x9], $0x80, s21, s10, $0xb8;
	[tilespmem:$0x1FC80] =	vst v63  }
0x13e: {  	s29 =	sadd.s32 @!p6 s11, s15;
	_ =	swait.ge @!p0 [sflag:s0], $0x4000  }
0x13f: {  	s31 =	simm.s32 @!p6 $0xC200;
	s13 =	sadd.s32 @!p6 $0x2800, s29;
	[sflag:s0] =	ssyncset.done @!p0 $0x0  }
0x140: {  	s29 =	simm.s32 @!p1 $0x5;
	s10 =	simm.s32 @!p6 $0x0;
	[sflag:s0] =	ssyncadd.s32 @!p0 $0xFFFFC000  }
0x141: {  	[tilespmem:s31], [sflag:$0x6] =	stream.linear.gather @!p6 [hbm4b:s13+s10], $0x100, $0x38;
	[tilespmem:$0x1FC80] =	vst v63  }
0x142: {  	_ =	swait.ge @!p1 [sflag:s29], $0x100  }
0x143: {  	[sflag:s29] =	ssyncset.done @!p1 $0x0  }
0x144: {  	s21 =	simm.s32 @!p0 $0x3;
	s0 =	simm.s32 @!p1 $0x80;
	[sflag:s29] =	ssyncadd.s32 @!p1 $0xFFFFFF00  }
0x145: {  	[tilespmem:s6], [sflag:$0x1] =	stream.indirect.gather @!p1 [hbm4b:s2+s0], $0x80, s28, s0, $0xb8;
	[tilespmem:$0x1FC80] =	vst v63  }
0x146: {  	_ =	swait.ge @!p0 [sflag:s21], $0x4000  }
0x147: {  	s18 =	simm.s32 @!p1 $0x9;
	s26 =	sadd.s32 $0xFFFFFFFE, s16;
	[sflag:s21] =	ssyncset.done @!p0 $0x0  }
0x148: {  	p4 =	sgt.u32 s26, s5;
	s13 =	simm.s32 @!p0 $0xC080;
	[sflag:s21] =	ssyncadd.s32 @!p0 $0xFFFFC000  }
0x149: {  	[spmem:s3] =	stream.indirect.scatter.add.f32 @!p0 [tilespmem:s23], [sflag:$0xA], $0x80, s13, s17, $0xb8;
	[tilespmem:$0x1FC80] =	vst v63  }
0x14a: {  	s10 =	sadd.s32 @!p4 s11, s15;
	_ =	swait.ge @!p1 [sflag:s18], $0x4000  }
0x14b: {  	s14 =	simm.s32 @!p4 $0xC300;
	s26 =	sadd.s32 @!p4 $0x2C00, s10;
	[sflag:s18] =	ssyncset.done @!p1 $0x0  }
0x14c: {  	s29 =	simm.s32 @!p4 $0x0;
	s13 =	simm.s32 @!p6 $0x6;
	[sflag:s18] =	ssyncadd.s32 @!p1 $0xFFFFC000  }
0x14d: {  	[tilespmem:s14], [sflag:$0x7] =	stream.linear.gather @!p4 [hbm4b:s26+s29], $0x100, $0x38;
	[tilespmem:$0x1FC80] =	vst v63  }
0x14e: {  	_ =	swait.ge @!p6 [sflag:s13], $0x100  }
0x14f: {  	s10 =	simm.s32 @!p6 $0x80;
	[sflag:s13] =	ssyncset.done @!p6 $0x0  }
0x150: {  	s28 =	simm.s32 @!p1 $0x1;
	s23 =	simm.s32 @!p6 $0x4000;
	[sflag:s13] =	ssyncadd.s32 @!p6 $0xFFFFFF00  }
0x151: {  	[tilespmem:s23], [sflag:$0x2] =	stream.indirect.gather @!p6 [hbm4b:s2+s10], $0x80, s31, s10, $0xb8;
	[tilespmem:$0x1FC80] =	vst v63  }
0x152: {  	_ =	swait.ge @!p1 [sflag:s28], $0x4000  }
0x153: {  	s21 =	simm.s32 @!p6 $0xA;
	s29 =	sadd.s32 $0xFFFFFFFF, s16;
	[sflag:s28] =	ssyncset.done @!p1 $0x0  }
0x154: {  	p0 =	sgt.u32 s29, s5;
	s13 =	simm.s32 @!p1 $0xC180;
	[sflag:s28] =	ssyncadd.s32 @!p1 $0xFFFFC000  }
0x155: {  	[spmem:s3] =	stream.indirect.scatter.add.f32 @!p1 [tilespmem:s6], [sflag:$0x8], $0x80, s13, s0, $0xb8;
	[tilespmem:$0x1FC80] =	vst v63  }
0x156: {  	s9 =	sadd.s32 $0x3000, s9;
	s17 =	sadd.s32 @!p0 s11, s15;
	_ =	swait.ge @!p6 [sflag:s21], $0x4000  }
0x157: {  	s29 =	sadd.s32 @!p0 $0x3000, s17;
	s17 =	simm.s32 @!p0 $0x0;
	[sflag:s21] =	ssyncset.done @!p6 $0x0  }
0x158: {  	s28 =	simm.s32 @!p0 $0xC000;
	s0 =	simm.s32 @!p4 $0x7;
	[sflag:s21] =	ssyncadd.s32 @!p6 $0xFFFFC000  }
0x159: {  	[tilespmem:s28], [sflag:$0x4] =	stream.linear.gather @!p0 [hbm4b:s29+s17], $0x100, $0x38;
	[tilespmem:$0x1FC80] =	vst v63  }
0x15a: {  	p5 =	sne.s32 s9, $0x15000;
	_ =	swait.ge @!p4 [sflag:s0], $0x100  }
.Ltmp3:
0x15b: {  	s26 =	simm.s32 @!p4 $0x8000;
	[sflag:s0] =	ssyncset.done @!p4 $0x0;
	(pc) =	sbr.rel @p5 .LBB2_6-.Ltmp3, $4  }
0x15c: {  	s31 =	simm.s32 @!p6 $0x2;
	s6 =	simm.s32 @!p4 $0x80;
	[sflag:s0] =	ssyncadd.s32 @!p4 $0xFFFFFF00  }
0x15d: {  	[tilespmem:s26], [sflag:$0x3] =	stream.indirect.gather @!p4 [hbm4b:s2+s6], $0x80, s14, s6, $0xb8;
	[tilespmem:$0x1FC80] =	vst v63  }
0x15e: {  	s18 =	simm.s32 @!p6 $0xC280;
	s13 =	simm.s32 $0x4;
	_ =	swait.ge @!p6 [sflag:s31], $0x4000  }
0x15f: {  	s21 =	simm.s32 @!p4 $0x8;
	s14 =	simm.s32 $0x9;
	[sflag:s31] =	ssyncset.done @!p6 $0x0  }
0x160: {  	[sflag:s31] =	ssyncadd.s32 @!p6 $0xFFFFC000  }
0x161: {  	[spmem:s3] =	stream.indirect.scatter.add.f32 @!p6 [tilespmem:s23], [sflag:$0x9], $0x80, s18, s10, $0xb8;
	[tilespmem:$0x1FC80] =	vst v63  }
0x162: {  	p1 =	sgt.u32 s16, s5;
	_ =	swait.ge @!p4 [sflag:s21], $0x4000  }
0x163: {  	s0 =	sadd.s32 @!p1 s11, s15;
	s9 =	simm.s32 @!p1 $0xC100;
	[sflag:s21] =	ssyncset.done @!p4 $0x0  }
0x164: {  	s10 =	simm.s32 @!p1 $0x0;
	s0 =	sadd.s32 @!p1 $0x3400, s0;
	[sflag:s21] =	ssyncadd.s32 @!p4 $0xFFFFC000  }
0x165: {  	[tilespmem:s9], [sflag:$0x5] =	stream.linear.gather @!p1 [hbm4b:s0+s10], $0x100, $0x38;
	[tilespmem:$0x1FC80] =	vst v63  }
0x166: {  	s0 =	simm.s32 @!p0 $0x4  }
0x167: {  	_ =	swait.ge @!p0 [sflag:s0], $0x100  }
0x168: {  	[sflag:s0] =	ssyncset.done @!p0 $0x0  }
0x169: {  	s9 =	simm.s32 @!p4 $0x3;
	[sflag:s0] =	ssyncadd.s32 @!p0 $0xFFFFFF00;
	s0 =	simm.s32 @!p0 $0x80  }
0x16a: {  	[tilespmem:s17], [sflag:$0x1] =	stream.indirect.gather @!p0 [hbm4b:s2+s0], $0x80, s28, s0, $0xb8;
	[tilespmem:$0x1FC80] =	vst v63  }
0x16b: {  	_ =	swait.ge @!p4 [sflag:s9], $0x4000  }
0x16c: {  	p0 =	seq.s32 s12, $0x0;
	[sflag:s9] =	ssyncset.done @!p4 $0x0  }
0x16d: {  	s0 =	simm.s32 @!p4 $0xC380;
	s10 =	simm.s32 @!p0 $0x9;
	[sflag:s9] =	ssyncadd.s32 @!p4 $0xFFFFC000  }
0x16e: {  	[spmem:s3] =	stream.indirect.scatter.add.f32 @!p4 [tilespmem:s26], [sflag:$0xA], $0x80, s0, s6, $0xb8;
	[tilespmem:$0x1FC80] =	vst v63  }
0x16f: {  	_ =	swait.ge @!p0 [sflag:s10], $0x4000  }
0x170: {  	s0 =	sadd.s32 s12, s15;
	[sflag:s10] =	ssyncset.done @!p0 $0x0  }
0x171: {  	s26 =	simm.s32 $0xC200;
	s23 =	sadd.s32 $0x800, s0;
	[sflag:s10] =	ssyncadd.s32 @!p0 $0xFFFFC000  }
0x172: {  	[tilespmem:s26], [sflag:$0x6] =	stream.linear.gather [hbm4b:s23+s4], $0x100, $0x38;
	[tilespmem:$0x1FC80] =	vst v63  }
0x173: {  	_ =	swait.ge [sflag:s20], $0x100  }
0x174: {  	[sflag:s20] =	ssyncset.done $0x0  }
0x175: {  	s11 =	simm.s32 $0xC100;
	[sflag:s20] =	ssyncadd.s32 $0xFFFFFF00  }
0x176: {  	[tilespmem:s24], [sflag:$0x2] =	stream.indirect.gather [hbm4b:s2+s22], $0x80, s11, s22, $0xb8;
	[tilespmem:$0x1FC80] =	vst v63  }
0x177: {  	_ =	swait.ge [sflag:s30], $0x4000  }
0x178: {  	[sflag:s30] =	ssyncset.done $0x0  }
0x179: {  	s18 =	simm.s32 $0xC080;
	s6 =	simm.s32 @!p0 $0xA;
	[sflag:s30] =	ssyncadd.s32 $0xFFFFC000  }
0x17a: {  	[spmem:s3] =	stream.indirect.scatter.add.f32 [tilespmem:s4], [sflag:$0x8], $0x80, s18, s22, $0xb8;
	[tilespmem:$0x1FC80] =	vst v63  }
0x17b: {  	_ =	swait.ge @!p0 [sflag:s6], $0x4000  }
0x17c: {  	[sflag:s6] =	ssyncset.done @!p0 $0x0  }
0x17d: {  	s21 =	simm.s32 $0xC300;
	s17 =	sadd.s32 $0xC00, s0;
	[sflag:s6] =	ssyncadd.s32 @!p0 $0xFFFFC000  }
0x17e: {  	[tilespmem:s21], [sflag:$0x7] =	stream.linear.gather [hbm4b:s17+s4], $0x100, $0x38;
	[tilespmem:$0x1FC80] =	vst v63  }
0x17f: {  	_ =	swait.ge [sflag:s19], $0x100  }
0x180: {  	[sflag:s19] =	ssyncset.done $0x0  }
0x181: {  	[sflag:s19] =	ssyncadd.s32 $0xFFFFFF00  }
0x182: {  	[tilespmem:s8], [sflag:$0x3] =	stream.indirect.gather [hbm4b:s2+s22], $0x80, s26, s22, $0xb8;
	[tilespmem:$0x1FC80] =	vst v63  }
0x183: {  	_ =	swait.ge [sflag:s1], $0x4000  }
0x184: {  	[sflag:s1] =	ssyncset.done $0x0  }
0x185: {  	s17 =	simm.s32 $0xC180;
	[sflag:s1] =	ssyncadd.s32 $0xFFFFC000  }
0x186: {  	[spmem:s3] =	stream.indirect.scatter.add.f32 [tilespmem:s24], [sflag:$0x9], $0x80, s17, s22, $0xb8;
	[tilespmem:$0x1FC80] =	vst v63  }
0x187: {  	_ =	swait.ge [sflag:s7], $0x4000  }
0x188: {  	s23 =	simm.s32 $0xC000;
	[sflag:s7] =	ssyncset.done $0x0  }
0x189: {  	s19 =	sadd.s32 $0x1000, s0;
	s26 =	simm.s32 $0x7;
	[sflag:s7] =	ssyncadd.s32 $0xFFFFC000  }
0x18a: {  	[tilespmem:s23], [sflag:$0x4] =	stream.linear.gather [hbm4b:s19+s4], $0x100, $0x38;
	[tilespmem:$0x1FC80] =	vst v63  }
0x18b: {  	_ =	swait.ge [sflag:s26], $0x100  }
0x18c: {  	[sflag:s26] =	ssyncset.done $0x0  }
0x18d: {  	[sflag:s26] =	ssyncadd.s32 $0xFFFFFF00  }
0x18e: {  	[tilespmem:s4], [sflag:$0x1] =	stream.indirect.gather [hbm4b:s2+s22], $0x80, s21, s22, $0xb8;
	[tilespmem:$0x1FC80] =	vst v63  }
0x18f: {  	_ =	swait.ge [sflag:s25], $0x4000  }
0x190: {  	[sflag:s25] =	ssyncset.done $0x0  }
0x191: {  	s10 =	rddreg [dreg:$0x4];
	[sflag:s25] =	ssyncadd.s32 $0xFFFFC000  }
0x192: {  	[spmem:s3] =	stream.indirect.scatter.add.f32 [tilespmem:s8], [sflag:$0xA], $0x80, s10, s22, $0xb8;
	[tilespmem:$0x1FC80] =	vst v63  }
0x193: {  	_ =	swait.ge [sflag:s14], $0x4000  }
0x194: {  	[sflag:s14] =	ssyncset.done $0x0  }
0x195: {  	s0 =	sadd.s32 $0x1400, s0;
	[sflag:s14] =	ssyncadd.s32 $0xFFFFC000  }
0x196: {  	[tilespmem:s11], [sflag:$0x5] =	stream.linear.gather [hbm4b:s0+s4], $0x100, $0x38;
	[tilespmem:$0x1FC80] =	vst v63  }
0x197: {  	_ =	swait.ge [sflag:s13], $0x100  }
0x198: {  	[sflag:s13] =	ssyncset.done $0x0  }
0x199: {  	[sflag:s13] =	ssyncadd.s32 $0xFFFFFF00  }
0x19a: {  	[tilespmem:s24], [sflag:$0x2] =	stream.indirect.gather [hbm4b:s2+s22], $0x80, s23, s22, $0xb8;
	[tilespmem:$0x1FC80] =	vst v63  }
0x19b: {  	s9 =	sadd.s32 $0xC, s16;
	_ =	swait.ge [sflag:s30], $0x4000  }
0x19c: {  	s19 =	sadd.s32 $0xFFFFFFF9, s9;
	[sflag:s30] =	ssyncset.done $0x0  }
0x19d: {  	s21 =	simm.s32 $0xA;
	s16 =	rddreg [dreg:$0x5];
	[sflag:s30] =	ssyncadd.s32 $0xFFFFC000  }
0x19e: {  	[spmem:s3] =	stream.indirect.scatter.add.f32 [tilespmem:s4], [sflag:$0x8], $0x80, s16, s22, $0xb8;
	[tilespmem:$0x1FC80] =	vst v63  }
0x19f: {  	p1 =	sgt.u32 s19, s5;
	_ =	swait.ge [sflag:s21], $0x4000  }
0x1a0: {  	s6 =	simm.s32 @!p1 $0x0;
	s0 =	sadd.s32 @!p1 s12, s15;
	[sflag:s21] =	ssyncset.done $0x0  }
0x1a1: {  	s10 =	simm.s32 @!p1 $0xC200;
	s0 =	sadd.s32 @!p1 $0x1800, s0;
	[sflag:s21] =	ssyncadd.s32 $0xFFFFC000  }
0x1a2: {  	[tilespmem:s10], [sflag:$0x6] =	stream.linear.gather @!p1 [hbm4b:s0+s6], $0x100, $0x38;
	[tilespmem:$0x1FC80] =	vst v63  }
0x1a3: {  	_ =	swait.ge [sflag:s20], $0x100  }
0x1a4: {  	[sflag:s20] =	ssyncset.done $0x0  }
0x1a5: {  	[sflag:s20] =	ssyncadd.s32 $0xFFFFFF00  }
0x1a6: {  	[tilespmem:s8], [sflag:$0x3] =	stream.indirect.gather [hbm4b:s2+s22], $0x80, s11, s22, $0xb8;
	[tilespmem:$0x1FC80] =	vst v63  }
0x1a7: {  	_ =	swait.ge [sflag:s1], $0x4000  }
0x1a8: {  	[sflag:s1] =	ssyncset.done $0x0  }
0x1a9: {  	s23 =	sadd.s32 $0xFFFFFFFA, s9;
	[sflag:s1] =	ssyncadd.s32 $0xFFFFC000  }
0x1aa: {  	[spmem:s3] =	stream.indirect.scatter.add.f32 [tilespmem:s24], [sflag:$0x9], $0x80, s18, s22, $0xb8;
	[tilespmem:$0x1FC80] =	vst v63  }
0x1ab: {  	s14 =	simm.s32 @!p1 $0x6;
	p2 =	sgt.u32 s23, s5;
	_ =	swait.ge [sflag:s7], $0x4000  }
0x1ac: {  	s13 =	simm.s32 @!p2 $0x0;
	s0 =	sadd.s32 @!p2 s12, s15;
	[sflag:s7] =	ssyncset.done $0x0  }
0x1ad: {  	s0 =	sadd.s32 @!p2 $0x1C00, s0;
	s11 =	simm.s32 @!p2 $0xC300;
	[sflag:s7] =	ssyncadd.s32 $0xFFFFC000  }
0x1ae: {  	[tilespmem:s11], [sflag:$0x7] =	stream.linear.gather @!p2 [hbm4b:s0+s13], $0x100, $0x38;
	[tilespmem:$0x1FC80] =	vst v63  }
0x1af: {  	_ =	swait.ge @!p1 [sflag:s14], $0x100  }
0x1b0: {  	[sflag:s14] =	ssyncset.done @!p1 $0x0  }
0x1b1: {  	s0 =	simm.s32 @!p1 $0x80;
	[sflag:s14] =	ssyncadd.s32 @!p1 $0xFFFFFF00  }
0x1b2: {  	[tilespmem:s6], [sflag:$0x1] =	stream.indirect.gather @!p1 [hbm4b:s2+s0], $0x80, s10, s0, $0xb8;
	[tilespmem:$0x1FC80] =	vst v63  }
0x1b3: {  	_ =	swait.ge [sflag:s25], $0x4000  }
0x1b4: {  	s24 =	sadd.s32 $0xFFFFFFFB, s9;
	[sflag:s25] =	ssyncset.done $0x0  }
0x1b5: {  	p0 =	sgt.u32 s24, s5;
	s10 =	simm.s32 @!p1 $0x9;
	[sflag:s25] =	ssyncadd.s32 $0xFFFFC000  }
0x1b6: {  	[spmem:s3] =	stream.indirect.scatter.add.f32 [tilespmem:s8], [sflag:$0xA], $0x80, s17, s22, $0xb8;
	[tilespmem:$0x1FC80] =	vst v63  }
0x1b7: {  	s13 =	sadd.s32 @!p0 s12, s15;
	_ =	swait.ge @!p1 [sflag:s10], $0x4000  }
0x1b8: {  	s16 =	simm.s32 @!p2 $0x7;
	s13 =	sadd.s32 @!p0 $0x2000, s13;
	[sflag:s10] =	ssyncset.done @!p1 $0x0  }
0x1b9: {  	s14 =	simm.s32 @!p0 $0x0;
	[sflag:s10] =	ssyncadd.s32 @!p1 $0xFFFFC000;
	s10 =	simm.s32 @!p0 $0xC000  }
0x1ba: {  	[tilespmem:s10], [sflag:$0x4] =	stream.linear.gather @!p0 [hbm4b:s13+s14], $0x100, $0x38;
	[tilespmem:$0x1FC80] =	vst v63  }
0x1bb: {  	_ =	swait.ge @!p2 [sflag:s16], $0x100  }
0x1bc: {  	s13 =	simm.s32 @!p2 $0x80;
	[sflag:s16] =	ssyncset.done @!p2 $0x0  }
0x1bd: {  	s14 =	simm.s32 @!p2 $0x4000;
	[sflag:s16] =	ssyncadd.s32 @!p2 $0xFFFFFF00;
	s16 =	simm.s32 @!p1 $0x1  }
0x1be: {  	[tilespmem:s14], [sflag:$0x2] =	stream.indirect.gather @!p2 [hbm4b:s2+s13], $0x80, s11, s13, $0xb8;
	[tilespmem:$0x1FC80] =	vst v63  }
0x1bf: {  	_ =	swait.ge @!p1 [sflag:s16], $0x4000  }
0x1c0: {  	[sflag:s16] =	ssyncset.done @!p1 $0x0  }
0x1c1: {  	s25 =	sadd.s32 $0xFFFFFFFC, s9;
	[sflag:s16] =	ssyncadd.s32 @!p1 $0xFFFFC000;
	s16 =	simm.s32 @!p1 $0xC280  }
0x1c2: {  	[spmem:s3] =	stream.indirect.scatter.add.f32 @!p1 [tilespmem:s6], [sflag:$0x8], $0x80, s16, s0, $0xb8;
	[tilespmem:$0x1FC80] =	vst v63  }
0x1c3: {  	p1 =	sgt.u32 s25, s5;
	s0 =	simm.s32 @!p2 $0xA  }
0x1c4: {  	s6 =	sadd.s32 @!p1 s12, s15;
	_ =	swait.ge @!p2 [sflag:s0], $0x4000  }
0x1c5: {  	s16 =	simm.s32 @!p1 $0xC100;
	s11 =	sadd.s32 @!p1 $0x2400, s6;
	[sflag:s0] =	ssyncset.done @!p2 $0x0  }
0x1c6: {  	s6 =	simm.s32 @!p1 $0x0;
	[sflag:s0] =	ssyncadd.s32 @!p2 $0xFFFFC000;
	s0 =	simm.s32 @!p0 $0x4  }
0x1c7: {  	[tilespmem:s16], [sflag:$0x5] =	stream.linear.gather @!p1 [hbm4b:s11+s6], $0x100, $0x38;
	[tilespmem:$0x1FC80] =	vst v63  }
0x1c8: {  	_ =	swait.ge @!p0 [sflag:s0], $0x100  }
0x1c9: {  	[sflag:s0] =	ssyncset.done @!p0 $0x0  }
0x1ca: {  	s11 =	simm.s32 @!p0 $0x8000;
	[sflag:s0] =	ssyncadd.s32 @!p0 $0xFFFFFF00;
	s0 =	simm.s32 @!p0 $0x80  }
0x1cb: {  	[tilespmem:s11], [sflag:$0x3] =	stream.indirect.gather @!p0 [hbm4b:s2+s0], $0x80, s10, s0, $0xb8;
	[tilespmem:$0x1FC80] =	vst v63  }
0x1cc: {  	s10 =	simm.s32 @!p2 $0x2  }
0x1cd: {  	_ =	swait.ge @!p2 [sflag:s10], $0x4000  }
0x1ce: {  	[sflag:s10] =	ssyncset.done @!p2 $0x0  }
0x1cf: {  	[sflag:s10] =	ssyncadd.s32 @!p2 $0xFFFFC000;
	s10 =	simm.s32 @!p2 $0xC380  }
0x1d0: {  	[spmem:s3] =	stream.indirect.scatter.add.f32 @!p2 [tilespmem:s14], [sflag:$0x9], $0x80, s10, s13, $0xb8;
	[tilespmem:$0x1FC80] =	vst v63  }
0x1d1: {  	s26 =	sadd.s32 $0xFFFFFFFD, s9;
	s10 =	simm.s32 @!p0 $0x8  }
0x1d2: {  	p2 =	sgt.u32 s26, s5;
	_ =	swait.ge @!p0 [sflag:s10], $0x4000  }
0x1d3: {  	s13 =	sadd.s32 @!p2 s12, s15;
	s14 =	simm.s32 @!p2 $0xC200;
	[sflag:s10] =	ssyncset.done @!p0 $0x0  }
0x1d4: {  	s13 =	sadd.s32 @!p2 $0x2800, s13;
	[sflag:s10] =	ssyncadd.s32 @!p0 $0xFFFFC000;
	s10 =	simm.s32 @!p2 $0x0  }
0x1d5: {  	[tilespmem:s14], [sflag:$0x6] =	stream.linear.gather @!p2 [hbm4b:s13+s10], $0x100, $0x38;
	[tilespmem:$0x1FC80] =	vst v63  }
0x1d6: {  	s10 =	simm.s32 @!p1 $0x5  }
0x1d7: {  	_ =	swait.ge @!p1 [sflag:s10], $0x100  }
0x1d8: {  	[sflag:s10] =	ssyncset.done @!p1 $0x0  }
0x1d9: {  	s13 =	simm.s32 @!p1 $0x80;
	[sflag:s10] =	ssyncadd.s32 @!p1 $0xFFFFFF00;
	s10 =	simm.s32 @!p0 $0x3  }
0x1da: {  	[tilespmem:s6], [sflag:$0x1] =	stream.indirect.gather @!p1 [hbm4b:s2+s13], $0x80, s16, s13, $0xb8;
	[tilespmem:$0x1FC80] =	vst v63  }
0x1db: {  	_ =	swait.ge @!p0 [sflag:s10], $0x4000  }
0x1dc: {  	[sflag:s10] =	ssyncset.done @!p0 $0x0  }
0x1dd: {  	s1 =	sadd.s32 $0xFFFFFFFE, s9;
	[sflag:s10] =	ssyncadd.s32 @!p0 $0xFFFFC000;
	s10 =	simm.s32 @!p0 $0xC080  }
0x1de: {  	[spmem:s3] =	stream.indirect.scatter.add.f32 @!p0 [tilespmem:s11], [sflag:$0xA], $0x80, s10, s0, $0xb8;
	[tilespmem:$0x1FC80] =	vst v63  }
0x1df: {  	s0 =	simm.s32 @!p1 $0x9;
	p0 =	sgt.u32 s1, s5  }
0x1e0: {  	s10 =	sadd.s32 @!p0 s12, s15;
	_ =	swait.ge @!p1 [sflag:s0], $0x4000  }
0x1e1: {  	s11 =	simm.s32 @!p0 $0x0;
	s16 =	simm.s32 @!p0 $0xC300;
	[sflag:s0] =	ssyncset.done @!p1 $0x0  }
0x1e2: {  	s10 =	sadd.s32 @!p0 $0x2C00, s10;
	[sflag:s0] =	ssyncadd.s32 @!p1 $0xFFFFC000;
	s0 =	simm.s32 @!p2 $0x6  }
0x1e3: {  	[tilespmem:s16], [sflag:$0x7] =	stream.linear.gather @!p0 [hbm4b:s10+s11], $0x100, $0x38;
	[tilespmem:$0x1FC80] =	vst v63  }
0x1e4: {  	_ =	swait.ge @!p2 [sflag:s0], $0x100  }
0x1e5: {  	s10 =	simm.s32 @!p2 $0x80;
	[sflag:s0] =	ssyncset.done @!p2 $0x0  }
0x1e6: {  	s11 =	simm.s32 @!p1 $0x1;
	[sflag:s0] =	ssyncadd.s32 @!p2 $0xFFFFFF00;
	s0 =	simm.s32 @!p2 $0x4000  }
0x1e7: {  	[tilespmem:s0], [sflag:$0x2] =	stream.indirect.gather @!p2 [hbm4b:s2+s10], $0x80, s14, s10, $0xb8;
	[tilespmem:$0x1FC80] =	vst v63  }
0x1e8: {  	_ =	swait.ge @!p1 [sflag:s11], $0x4000  }
0x1e9: {  	[sflag:s11] =	ssyncset.done @!p1 $0x0  }
0x1ea: {  	[sflag:s11] =	ssyncadd.s32 @!p1 $0xFFFFC000;
	s11 =	simm.s32 @!p1 $0xC180  }
0x1eb: {  	[spmem:s3] =	stream.indirect.scatter.add.f32 @!p1 [tilespmem:s6], [sflag:$0x8], $0x80, s11, s13, $0xb8;
	[tilespmem:$0x1FC80] =	vst v63  }
0x1ec: {  	s7 =	sadd.s32 $0xFFFFFFFF, s9;
	s6 =	simm.s32 @!p2 $0xA  }
0x1ed: {  	s14 =	simm.s32 @!p0 $0x7;
	p1 =	sgt.u32 s7, s5;
	_ =	swait.ge @!p2 [sflag:s6], $0x4000  }
0x1ee: {  	s11 =	sadd.s32 @!p1 s12, s15;
	s13 =	simm.s32 @!p1 $0x0;
	[sflag:s6] =	ssyncset.done @!p2 $0x0  }
0x1ef: {  	s11 =	sadd.s32 @!p1 $0x3000, s11;
	[sflag:s6] =	ssyncadd.s32 @!p2 $0xFFFFC000;
	s6 =	simm.s32 @!p1 $0xC000  }
0x1f0: {  	[tilespmem:s6], [sflag:$0x4] =	stream.linear.gather @!p1 [hbm4b:s11+s13], $0x100, $0x38;
	[tilespmem:$0x1FC80] =	vst v63  }
0x1f1: {  	_ =	swait.ge @!p0 [sflag:s14], $0x100  }
0x1f2: {  	[sflag:s14] =	ssyncset.done @!p0 $0x0  }
0x1f3: {  	s11 =	simm.s32 @!p0 $0x80;
	[sflag:s14] =	ssyncadd.s32 @!p0 $0xFFFFFF00;
	s14 =	simm.s32 @!p0 $0x8000  }
0x1f4: {  	[tilespmem:s14], [sflag:$0x3] =	stream.indirect.gather @!p0 [hbm4b:s2+s11], $0x80, s16, s11, $0xb8;
	[tilespmem:$0x1FC80] =	vst v63  }
0x1f5: {  	s16 =	simm.s32 @!p2 $0x2  }
0x1f6: {  	_ =	swait.ge @!p2 [sflag:s16], $0x4000  }
0x1f7: {  	[sflag:s16] =	ssyncset.done @!p2 $0x0  }
0x1f8: {  	[sflag:s16] =	ssyncadd.s32 @!p2 $0xFFFFC000;
	s16 =	simm.s32 @!p2 $0xC280  }
0x1f9: {  	[spmem:s3] =	stream.indirect.scatter.add.f32 @!p2 [tilespmem:s0], [sflag:$0x9], $0x80, s16, s10, $0xb8;
	[tilespmem:$0x1FC80] =	vst v63  }
0x1fa: {  	s0 =	simm.s32 @!p0 $0x8  }
0x1fb: {  	p2 =	sgt.u32 s9, s5;
	_ =	swait.ge @!p0 [sflag:s0], $0x4000  }
0x1fc: {  	s9 =	sadd.s32 @!p2 s12, s15;
	s10 =	simm.s32 @!p2 $0xC100;
	[sflag:s0] =	ssyncset.done @!p0 $0x0  }
0x1fd: {  	s9 =	sadd.s32 @!p2 $0x3400, s9;
	[sflag:s0] =	ssyncadd.s32 @!p0 $0xFFFFC000;
	s0 =	simm.s32 @!p2 $0x0  }
0x1fe: {  	[tilespmem:s10], [sflag:$0x5] =	stream.linear.gather @!p2 [hbm4b:s9+s0], $0x100, $0x38;
	[tilespmem:$0x1FC80] =	vst v63  }
0x1ff: {  	s0 =	simm.s32 @!p1 $0x4  }
0x200: {  	_ =	swait.ge @!p1 [sflag:s0], $0x100  }
0x201: {  	[sflag:s0] =	ssyncset.done @!p1 $0x0  }
0x202: {  	[sflag:s0] =	ssyncadd.s32 @!p1 $0xFFFFFF00;
	s0 =	simm.s32 @!p1 $0x80  }
0x203: {  	[tilespmem:s13], [sflag:$0x1] =	stream.indirect.gather @!p1 [hbm4b:s2+s0], $0x80, s6, s0, $0xb8;
	[tilespmem:$0x1FC80] =	vst v63  }
0x204: {  	s0 =	simm.s32 @!p0 $0x3  }
0x205: {  	_ =	swait.ge @!p0 [sflag:s0], $0x4000  }
0x206: {  	[sflag:s0] =	ssyncset.done @!p0 $0x0;
	s8 =	sld [smem:$0x7FB]  }
0x207: {  	s6 =	simm.s32 @!p0 $0xC380;
	[sflag:s0] =	ssyncadd.s32 @!p0 $0xFFFFC000  }
0x208: {  	[spmem:s3] =	stream.indirect.scatter.add.f32 @!p0 [tilespmem:s14], [sflag:$0xA], $0x80, s6, s11, $0xb8;
	[tilespmem:$0x1FC80] =	vst v63  }
0x209: {  	p0 =	seq.s32 s8, $0x1  }
0x20a: {  	s0 =	simm.s32 @p0 $0x8  }
0x20b: {  	_ =	swait.ge @p0 [sflag:s0], $0x4000  }
0x20c: {  	s9 =	sld [smem:$0x7FC];
	_ =	sdelay $0x1  }
0x20d: {  	[sflag:s0] =	ssyncset.done @p0 $0x0  }
0x20e: {  	[sflag:s0] =	ssyncadd.s32 @p0 $0xFFFFC000;
	p0 =	seq.s32 s9, $0x1  }
0x20f: {  	s0 =	simm.s32 @p0 $0x9  }
0x210: {  	_ =	swait.ge @p0 [sflag:s0], $0x4000  }
0x211: {  	s10 =	sld [smem:$0x7FD];
	_ =	sdelay $0x1  }
0x212: {  	[sflag:s0] =	ssyncset.done @p0 $0x0  }
0x213: {  	[sflag:s0] =	ssyncadd.s32 @p0 $0xFFFFC000;
	p0 =	seq.s32 s10, $0x1  }
0x214: {  	s0 =	simm.s32 @p0 $0xA  }
0x215: {  	_ =	swait.ge @p0 [sflag:s0], $0x4000  }
0x216: {  	[sflag:s0] =	ssyncset.done @p0 $0x0  }
0x217: {  	[sflag:s0] =	ssyncadd.s32 @p0 $0xFFFFC000  }
0x218: {  	[bflag:$0x0] =	sbarrier.arrive $0xFFFF  }
0x219: {  	s11 =	rddreg [dreg:$0xb]  }
0x21a: {  	s28 =	simm.s32 $0xB;
	s14 =	rddreg [dreg:$0x9]  }
0x21b: {  	s13 =	rddreg [dreg:$0xe];
	s6 =	sor.u32 $0x1C0B, s11;
	s12 =	sshrl.u32 s14, $0x3  }
0x21c: {  	[hbm:s13], [sflag:s6] =	dma.local [spmem:s12], $0x800  }
0x21d: {  	s12 =	rddreg [dreg:$0x8];
	_ =	swait.ge [sflag:s28], $0x800  }
0x21e: {  	s16 =	sld [smem:$0x7FA];
	_ =	sdelay $0x1  }
0x21f: {  	s29 =	simm.s32 $0xC180;
	s31 =	simm.s32 $0x3;
	s19 =	simm.s32 $0x6  }
0x220: {  	s23 =	simm.s32 $0x4000;
	s30 =	simm.s32 $0x1;
	p0 =	seq.s32 s16, $0x1  }
.Ltmp4:
0x221: {  	s21 =	simm.s32 $0xC200;
	s20 =	simm.s32 $0x5;
	(pc) =	sbr.rel @!p0 .LBB2_9-.Ltmp4, $4  }
0x222: {  	s18 =	simm.s32 $0xC100;
	s24 =	simm.s32 $0xC080;
	s17 =	simm.s32 $0xC000  }
0x223: {  	s25 =	simm.s32 $0x7;
	s26 =	simm.s32 $0xC300;
	s1 =	simm.s32 $0x2  }
0x224: {  	s7 =	simm.s32 $0x8;
	s8 =	simm.s32 $0x8000;
	s10 =	sadd.s32 $0x8000, s13  }
0x225: {  	s11 =	sadd.s32 $0x40000, s14;
	s9 =	sadd.s32 $0xFFFFFFFF, s12;
	[sflag:s28] =	ssyncset.done $0x0  }
.LBB2_8:
0x226: {  	s0 =	sshrl.u32 s11, $0x3;
	[sflag:s28] =	ssyncadd.s32 $0xFFFFF800;
	p0 =	sne.s32 s9, $0x1  }
0x227: {  	[hbm:s10], [sflag:s6] =	dma.local [spmem:s0], $0x800  }
.Ltmp5:
0x228: {  	_ = 	snop;
	(pc) =	sbr.rel @p0 .LBB2_8-.Ltmp5, $4  }
0x229: {  	_ = 	snop  }
0x22a: {  	s9 =	sadd.s32 $0xFFFFFFFF, s9  }
0x22b: {  	_ =	swait.ge [sflag:s28], $0x800  }
0x22c: {  	s11 =	sadd.s32 $0x40000, s11;
	s10 =	sadd.s32 $0x8000, s10;
	[sflag:s28] =	ssyncset.done $0x0  }
.LBB2_9:
0x22d: {  	[sflag:s28] =	ssyncadd.s32 $0xFFFFF800;
	s16 =	rddreg [dreg:$0xa]  }
0x22e: {  	s6 =	simm.s32 @!p3 $0x1FCB;
	s9 =	rddreg [dreg:$0xc];
	s0 =	sshrl.u32 @!p3 s16, $0x3  }
0x22f: {  	[hbm:s9], [sflag:s6] =	dma.local @!p3 [spmem:s0], $0x100  }
0x230: {  	s0 =	simm.s32 @!p3 $0xB  }
0x231: {  	_ =	swait.ge @!p3 [sflag:s0], $0x100  }
0x232: {  	s11 =	rddreg [dreg:$0xf]  }
0x233: {  	s13 =	rddreg [dreg:$0xd];
	s9 =	sadd.s32 $0x1, s11  }
0x234: {  	p0 =	sne.s32 s9, s13  }
.Ltmp6:
0x235: {  	_ = 	snop;
	(pc) =	sbr.rel @p0 .LBB2_1-.Ltmp6, $3  }
0x236: {  	_ =	sdelay $0x1  }
0x237: {  	[sflag:s0] =	ssyncset.done @!p3 $0x0  }
0x238: {  	[sflag:s0] =	ssyncadd.s32 @!p3 $0xFFFFFF00;
	s13 =	simm.s32 $0x4  }
0x239: {  	_ =	sfence.sel $0x180000  }
0x23a: {  	[bflag:$0x0] =	sbarrier.arrive $0xFFFF  }
0x23b: {  	_ =	strace $0x9000004A  }
0x23c: {  	s0 =	stileid.u32;
	[bflag:$0x2] =	sbarrier.arrive $0xFFFF  }
0x23d: {  	p0 =	sne.s32 s0, $0x0;
	s0 =	rddreg [dreg:$0x3]  }
0x23e: {  	s0 =	sadd.s32 @!p0 $0x100000, s0  }
0x23f: {  	[sflag:s0] =	ssyncadd.tile.s32 @!p0 $0x1;
	_ =	shalt  }
.Lfunc_end2:
_tile_overlayer_lowered:
.L_overlay_start_2:
0x240: {  	(tag) =	ssettag $0x2  }
0x241: {  	s0 =	rddreg [dreg:$0x0];
	s2 =	stileid.u32  }
0x242: {  	s1 =	rddreg [dreg:$0x1];
	p0 =	sne.s32 s2, $0x0  }
0x243: {  	s3 =	rddreg [dreg:$0x2];
	[bflag:$0x3] =	sbarrier.arrive $0xFFFF;
	s2 =	simm.s32 @!p0 $0x1C0B  }
0x244: {  	[timem:s3], [sflag:s2] =	dma.local @!p0 [hbm:s0], s1  }
0x245: {  	s0 =	simm.s32 @!p0 $0xB  }
0x246: {  	_ =	swait.ge @!p0 [sflag:s0], s1  }
0x247: {  	s1 =	ssub.s32 @!p0 $0x0, s1;
	[sflag:s0] =	ssyncset.done @!p0 $0x0  }
0x248: {  	[sflag:s0] =	ssyncadd.s32 @!p0 s1  }
0x249: {  	[bflag:$0x3] =	sbarrier.arrive $0xFFFF  }
0x24a: {  	_ =	shalt  }

</sc_bundles>
